<compile_context>
chip_gen: v7x
topology: tpu7x:2x2x1
jax: 0.10.2.dev20260603
libtpu: 0.0.44.dev20260713+nightly
codegen_flags: <defaults>
</compile_context>

<pallas_src>
import functools

import jax
import jax.numpy as jnp
from jax import lax
from jax.experimental import pallas as pl
from jax.experimental.pallas import tpu as pltpu
from jax.experimental.pallas import tpu_sc as plsc

_N = 10000
_E = 320000
_C = 128
_DE = 16
_LAT = 64

_NC = 2
_NS = 16
_NW = _NC * _NS
_EPW = _E // _NW
_CH = 80
_NCH = _EPW // _CH
_NP = 10240
_RPT = _NP // _NS

_NBLK = 1000
_NGRID = _N // _NBLK
_EBLK = 512
_EGRID = _E // _EBLK

_F32 = jnp.float32
_BF = jnp.bfloat16


def _ln(x, g, b):
    m = jnp.mean(x, axis=-1, keepdims=True)
    v = jnp.mean((x - m) ** 2, axis=-1, keepdims=True)
    return (x - m) / jnp.sqrt(v + 1e-5) * g + b


def _silu(x):
    return x * jax.nn.sigmoid(x)


def _bf(x):
    return x.astype(_BF).astype(_F32)


def _dot(a, b):
    return jnp.dot(a.astype(_BF), b.astype(_BF), preferred_element_type=_F32)


def _row_spec(blk, d):
    return pl.BlockSpec((blk, d), lambda i: (i, 0))


def _full_spec(a):
    r, c = a.shape
    return pl.BlockSpec((r, c), lambda i: (0, 0))



def _enc_body(x, W, b, g, n, t_ref):
    t = _dot(x[...], W[...]) + b[...]
    t_ref[...] = _ln(t, g[...], n[...])


def _tc_enc(x, *ws):
    return pl.pallas_call(
        _enc_body,
        grid=(_NGRID,),
        in_specs=[_row_spec(_NBLK, _C)] + [_full_spec(w) for w in ws],
        out_specs=_row_spec(_NBLK, _C),
        out_shape=jax.ShapeDtypeStruct((_N, _C), _F32),
    )(x, *ws)


def _proj_body(h, Wa, Wb, a_ref, b_ref):
    a_ref[...] = _dot(h[...], Wa[...])
    b_ref[...] = _dot(h[...], Wb[...])


def _tc_proj(h, Wa, Wb):
    return pl.pallas_call(
        _proj_body,
        grid=(_NGRID,),
        in_specs=[_row_spec(_NBLK, _C), _full_spec(Wa), _full_spec(Wb)],
        out_specs=[_row_spec(_NBLK, _C)] * 2,
        out_shape=[jax.ShapeDtypeStruct((_N, _C), _F32)] * 2,
    )(h, Wa, Wb)


def _edge0_body(ga, gb, ea, wr, We, be1, We2, be2, m_ref, rad_ref):
    x = ga[...]
    y = gb[...]
    d = x[:, _C:] - y[:, _C:]
    rad = jnp.sum(d * d, axis=-1, keepdims=True)
    t = (x[:, :_C] + y[:, :_C] + _bf(rad) * _bf(wr[...])
         + _dot(ea[...], We[...]) + be1[...])
    u = _silu(t)
    v = _dot(u, We2[...]) + be2[...]
    m_ref[...] = _silu(v)
    rad_ref[...] = rad


def _tc_edge0(ga, gb, ea, *ws):
    return pl.pallas_call(
        _edge0_body,
        grid=(_EGRID,),
        in_specs=[_row_spec(_EBLK, 2 * _C), _row_spec(_EBLK, 2 * _C),
                  _row_spec(_EBLK, _DE)]
                 + [_full_spec(w) for w in ws],
        out_specs=[_row_spec(_EBLK, _C), _row_spec(_EBLK, 1)],
        out_shape=[jax.ShapeDtypeStruct((_E, _C), _F32),
                   jax.ShapeDtypeStruct((_E, 1), _F32)],
    )(ga, gb, ea, *ws)


def _edge1_body(ga, gb, ea, rad, wr, We, be1, We2, be2, m_ref):
    t = (ga[...] + gb[...] + _bf(rad[...]) * _bf(wr[...])
         + _dot(ea[...], We[...]) + be1[...])
    u = _silu(t)
    v = _dot(u, We2[...]) + be2[...]
    m_ref[...] = _silu(v)


def _tc_edge1(ga, gb, ea, rad, *ws):
    return pl.pallas_call(
        _edge1_body,
        grid=(_EGRID,),
        in_specs=[_row_spec(_EBLK, _C), _row_spec(_EBLK, _C),
                  _row_spec(_EBLK, _DE), _row_spec(_EBLK, 1)]
                 + [_full_spec(w) for w in ws],
        out_specs=_row_spec(_EBLK, _C),
        out_shape=jax.ShapeDtypeStruct((_E, _C), _F32),
    )(ga, gb, ea, rad, *ws)


def _node_mid_body(h, p0, p1, W1h, W1n, b1, W2, b2, gl, bl, Wa, Wb,
                   h_ref, a_ref, b_ref):
    hn = p0[...] + p1[...]
    u = _silu(_dot(h[...], W1h[...]) + _dot(hn, W1n[...]) + b1[...])
    o = _dot(u, W2[...]) + b2[...]
    o = _ln(o, gl[...], bl[...])
    h_ref[...] = o
    a_ref[...] = _dot(o, Wa[...])
    b_ref[...] = _dot(o, Wb[...])


def _tc_node_mid(h, p0, p1, *ws):
    return pl.pallas_call(
        _node_mid_body,
        grid=(_NGRID,),
        in_specs=[_row_spec(_NBLK, _C)] * 3 + [_full_spec(w) for w in ws],
        out_specs=[_row_spec(_NBLK, _C)] * 3,
        out_shape=[jax.ShapeDtypeStruct((_N, _C), _F32)] * 3,
    )(h, p0, p1, *ws)


def _node_final_body(h, p0, p1, eps, W1h, W1n, b1, W2, b2,
                     Wmu, bmu, Wlv, blv, z_ref, mu_ref, lv_ref):
    hn = p0[...] + p1[...]
    u = _silu(_dot(h[...], W1h[...]) + _dot(hn, W1n[...]) + b1[...])
    o = _dot(u, W2[...]) + b2[...]
    mu = _dot(o, Wmu[...]) + bmu[...]
    lv = _dot(o, Wlv[...]) + blv[...]
    mu_ref[...] = mu
    lv_ref[...] = lv
    z_ref[...] = eps[...] * jnp.exp(lv) + mu


def _tc_node_final(h, p0, p1, eps, *ws):
    return pl.pallas_call(
        _node_final_body,
        grid=(_NGRID,),
        in_specs=[_row_spec(_NBLK, _C)] * 3 + [_row_spec(_NBLK, _LAT)]
                 + [_full_spec(w) for w in ws],
        out_specs=[_row_spec(_NBLK, _LAT)] * 3,
        out_shape=[jax.ShapeDtypeStruct((_N, _LAT), _F32)] * 3,
    )(h, p0, p1, eps, *ws)




def _wid():
    return lax.axis_index("s") * _NC + lax.axis_index("c")


@functools.cache
def _build_sc_gather(d):
    mesh = plsc.VectorSubcoreMesh(core_axis_name="c", subcore_axis_name="s")
    return functools.partial(
        pl.kernel,
        mesh=mesh,
        out_type=[jax.ShapeDtypeStruct((_E, d), _F32)] * 2,
        scratch_types=[
            pltpu.VMEM((_NCH, _CH), jnp.int32),
            pltpu.VMEM((_NCH, _CH), jnp.int32),
            pltpu.VMEM((_CH, d), _F32),
            pltpu.VMEM((_CH, d), _F32),
            pltpu.SemaphoreType.DMA,
            pltpu.SemaphoreType.DMA,
        ],
    )(_sc_gather_body)


def _sc_gather(a, b, src3, dst3):
    return _build_sc_gather(a.shape[1])(a, b, src3, dst3)


def _sc_gather_body(a_h, b_h, src3_h, dst3_h, ga_h, gb_h, si, di, bA, bB, s1, s2):
    w = _wid()
    base = w * _EPW
    pltpu.sync_copy(src3_h.at[w], si)
    pltpu.sync_copy(dst3_h.at[w], di)

    def body(j, carry):
        o = base + j * _CH
        ca = pltpu.async_copy(a_h.at[si.at[j]], bA, s1)
        cb = pltpu.async_copy(b_h.at[di.at[j]], bB, s2)
        ca.wait()
        cb.wait()
        oa = pltpu.async_copy(bA, ga_h.at[pl.ds(o, _CH)], s1)
        ob = pltpu.async_copy(bB, gb_h.at[pl.ds(o, _CH)], s2)
        oa.wait()
        ob.wait()
        return carry

    lax.fori_loop(0, _NCH, body, 0)


@functools.cache
def _build_sc_scatter():
    mesh = plsc.VectorSubcoreMesh(core_axis_name="c", subcore_axis_name="s")
    return functools.partial(
        pl.kernel,
        mesh=mesh,
        out_type=jax.ShapeDtypeStruct((_NC, _NP, _C), _F32),
        scratch_types=[
            pltpu.VMEM((_NCH, _CH), jnp.int32),
            pltpu.VMEM((_CH, _C), _F32),
            pltpu.VMEM_SHARED((_NP, _C), _F32),
        ],
    )(_sc_scatter_body)


def _sc_scatter(m, dst3):
    return _build_sc_scatter()(m, dst3)


def _sc_scatter_body(m_h, dst3_h, out_h, di, mb, acc):
    cid = lax.axis_index("c")
    sid = lax.axis_index("s")
    w = sid * _NC + cid
    base = w * _EPW
    pltpu.sync_copy(dst3_h.at[w], di)

    def zb(i, carry):
        mb[i, pl.ds(0, 16)] = jnp.zeros((16,), _F32)
        mb[i, pl.ds(16, 16)] = jnp.zeros((16,), _F32)
        mb[i, pl.ds(32, 16)] = jnp.zeros((16,), _F32)
        mb[i, pl.ds(48, 16)] = jnp.zeros((16,), _F32)
        mb[i, pl.ds(64, 16)] = jnp.zeros((16,), _F32)
        mb[i, pl.ds(80, 16)] = jnp.zeros((16,), _F32)
        mb[i, pl.ds(96, 16)] = jnp.zeros((16,), _F32)
        mb[i, pl.ds(112, 16)] = jnp.zeros((16,), _F32)
        return carry

    lax.fori_loop(0, _CH, zb, 0)

    def zc(i, carry):
        pltpu.sync_copy(mb, acc.at[pl.ds(sid * _RPT + i * _CH, _CH)])
        return carry

    lax.fori_loop(0, _RPT // _CH, zc, 0)
    plsc.subcore_barrier()

    def body(j, carry):
        pltpu.sync_copy(m_h.at[pl.ds(base + j * _CH, _CH)], mb)
        pltpu.sync_copy(mb, acc.at[di.at[j]], add=True)
        return carry

    lax.fori_loop(0, _NCH, body, 0)
    plsc.subcore_barrier()
    pltpu.sync_copy(acc.at[pl.ds(sid * _RPT, _RPT)],
                    out_h.at[cid, pl.ds(sid * _RPT, _RPT)])



def kernel(node_attr, edge_attr, xyz, edge_index, params, eps_noise):
    p = params
    src = edge_index[0]
    dst = edge_index[1]
    src3 = src.reshape(_NW, _NCH, _CH)
    dst3 = dst.reshape(_NW, _NCH, _CH)
    xyzp = jnp.pad(xyz, ((0, 0), (0, _C - 3)))

    def r2(a):
        return a.reshape(1, -1)

    lws = []
    for lp in p['layers']:
        We1 = lp['We1']
        lws.append(dict(
            Wa=We1[:_C], Wb=We1[_C:2 * _C], wr=We1[2 * _C:2 * _C + 1],
            We=We1[2 * _C + 1:], be1=r2(lp['be1']),
            We2=lp['We2'], be2=r2(lp['be2']),
            W1h=lp['Wn1'][:_C], W1n=lp['Wn1'][_C:],
            b1=r2(lp['bn1']), W2=lp['Wn2'], b2=r2(lp['bn2']),
        ))

    t = _tc_enc(node_attr, p['W1'], r2(p['b1']), r2(p['g1']), r2(p['bn_1']))
    h = jax.nn.gelu(t, approximate=False)
    t = _tc_enc(h, p['W2'], r2(p['b2']), r2(p['g2']), r2(p['bn_2']))
    h = jax.nn.gelu(t, approximate=False)
    A, B = _tc_proj(h, lws[0]['Wa'], lws[0]['Wb'])

    l = lws[0]
    ga, gb = _sc_gather(jnp.concatenate([A, xyzp], axis=1),
                        jnp.concatenate([B, xyzp], axis=1), src3, dst3)
    m, rad = _tc_edge0(ga, gb, edge_attr,
                       l['wr'], l['We'], l['be1'], l['We2'], l['be2'])
    part = _sc_scatter(m, dst3)
    h, A, B = _tc_node_mid(
        h, part[0, :_N], part[1, :_N],
        l['W1h'], l['W1n'], l['b1'], l['W2'], l['b2'],
        r2(p['g_ln']), r2(p['b_ln']), lws[1]['Wa'], lws[1]['Wb'])

    l = lws[1]
    ga, gb = _sc_gather(A, B, src3, dst3)
    m = _tc_edge1(ga, gb, edge_attr, rad,
                  l['wr'], l['We'], l['be1'], l['We2'], l['be2'])
    part = _sc_scatter(m, dst3)
    z, mu, lv = _tc_node_final(
        h, part[0, :_N], part[1, :_N], eps_noise,
        l['W1h'], l['W1n'], l['b1'], l['W2'], l['b2'],
        p['Wmu'], r2(p['bmu']), p['Wlv'], r2(p['blv']))

    return (z, mu, lv)

# --- scband reference (transcript-rebuilt; emitter-appended) ---
"""Pipeline reference for scband-encoder-88364657148157 (READ-ONLY COPY).

The authoritative reference and input builder live on the scoring server;
editing this copy changes nothing except your own understanding.
"""

import jax, jax.numpy as jnp
import numpy as np

N = 10000
E = 320000
C = 128
DE = 16
LAT = 64
NL = 2

def _ln(x, g, b, eps=1e-5):
    m = jnp.mean(x, axis=-1, keepdims=True)
    v = jnp.var(x, axis=-1, keepdims=True)
    return (x - m) / jnp.sqrt(v + eps) * g + b

def _glorot(key, shape):
    lim = float(np.sqrt(6.0 / (shape[0] + shape[1])))
    return jax.random.uniform(key, shape, minval=-lim, maxval=lim, dtype=jnp.float32)

def setup_inputs(seed: int = 0):
    key = jax.random.key(seed)
    ks = iter(jax.random.split(key, 64))
    inp = {}
    inp['node_attr'] = jax.random.normal(next(ks), (N, C), dtype=jnp.float32)
    inp['edge_attr'] = jax.random.normal(next(ks), (E, DE), dtype=jnp.float32)
    inp['xyz'] = jax.random.normal(next(ks), (N, 3), dtype=jnp.float32)
    inp['edge_index'] = jax.random.randint(next(ks), (2, E), 0, N, dtype=jnp.int32)
    p = {}
    p['W1'] = _glorot(next(ks), (C, C)); p['b1'] = jnp.zeros((C,), jnp.float32)
    p['g1'] = jnp.ones((C,), jnp.float32); p['bn_1'] = jnp.zeros((C,), jnp.float32)
    p['W2'] = _glorot(next(ks), (C, C)); p['b2'] = jnp.zeros((C,), jnp.float32)
    p['g2'] = jnp.ones((C,), jnp.float32); p['bn_2'] = jnp.zeros((C,), jnp.float32)
    p['g_ln'] = jnp.ones((C,), jnp.float32); p['b_ln'] = jnp.zeros((C,), jnp.float32)
    layers = []
    for _ in range(NL):
        lp = {}
        lp['We1'] = _glorot(next(ks), (2 * C + DE + 1, C)); lp['be1'] = jnp.zeros((C,), jnp.float32)
        lp['We2'] = _glorot(next(ks), (C, C)); lp['be2'] = jnp.zeros((C,), jnp.float32)
        lp['Wn1'] = _glorot(next(ks), (2 * C, C)); lp['bn1'] = jnp.zeros((C,), jnp.float32)
        lp['Wn2'] = _glorot(next(ks), (C, C)); lp['bn2'] = jnp.zeros((C,), jnp.float32)
        lp['Wc1'] = _glorot(next(ks), (C, C)); lp['bc1'] = jnp.zeros((C,), jnp.float32)
        lp['Wc2'] = _glorot(next(ks), (C, 1))
        layers.append(lp)
    p['layers'] = layers
    p['Wmu'] = _glorot(next(ks), (C, LAT)); p['bmu'] = jnp.zeros((LAT,), jnp.float32)
    p['Wlv'] = _glorot(next(ks), (C, LAT)); p['blv'] = jnp.zeros((LAT,), jnp.float32)
    inp['params'] = p
    inp['eps_noise'] = jax.random.uniform(next(ks), (N, LAT), dtype=jnp.float32)
    return inp

def _egnn(h, x, e, src, dst, lp):
    xd = x[src] - x[dst]
    radial = jnp.sum(xd * xd, axis=1, keepdims=True)
    xd = xd / (jnp.sqrt(radial) + 1e-30)
    f = jnp.concatenate([h[src], h[dst], radial, e], axis=-1)
    m = jax.nn.silu(f @ lp['We1'] + lp['be1'])
    m = jax.nn.silu(m @ lp['We2'] + lp['be2'])
    coef = jax.nn.silu(m @ lp['Wc1'] + lp['bc1']) @ lp['Wc2']
    msg_x = coef * xd
    h_neigh = jnp.zeros((h.shape[0], m.shape[1]), m.dtype).at[dst].add(m)
    x_neigh = jnp.zeros_like(x).at[dst].add(msg_x)
    hn = jnp.concatenate([h, h_neigh], axis=-1)
    hn = jax.nn.silu(hn @ lp['Wn1'] + lp['bn1']) @ lp['Wn2'] + lp['bn2']
    return hn, x + x_neigh

def reference(node_attr, edge_attr, xyz, edge_index, params, eps_noise):
    p = params
    src = edge_index[0]
    dst = edge_index[1]
    # initial_node_embedding: Linear, LN, GELU, Dropout(eval), Linear, LN, GELU, Dropout(eval)
    h = node_attr @ p['W1'] + p['b1']
    h = _ln(h, p['g1'], p['bn_1'])
    h = jax.nn.gelu(h, approximate=False)
    h = h @ p['W2'] + p['b2']
    h = _ln(h, p['g2'], p['bn_2'])
    h = jax.nn.gelu(h, approximate=False)
    # GraphConv: stacked EGNNConv, coord_feat fixed to original xyz each layer
    for i, lp in enumerate(p['layers']):
        h, _ = _egnn(h, xyz, edge_attr, src, dst, lp)
        if i != NL - 1:
            h = _ln(h, p['g_ln'], p['b_ln'])
    mu = h @ p['Wmu'] + p['bmu']
    logvar = h @ p['Wlv'] + p['blv']
    std = jnp.exp(logvar)
    z = eps_noise * std + mu
    return (z, mu, logvar)

if __name__ == "__main__":
    import jax
    _d = setup_inputs()
    print(jax.jit(kernel)(*tuple(_d.values())))

</pallas_src>

<mosaic_0001>
#map = affine_map<(d0, d1) -> (0, 0)>
#map1 = affine_map<(d0, d1) -> (0, 0, 0)>
module attributes {stable_mosaic.version = 14 : i64} {
  func.func @_sc_gather_body(%arg0: i32, %arg1: i32, %arg2: memref<10000x128xf32, #tpu.memory_space<hbm>>, %arg3: memref<10000x128xf32, #tpu.memory_space<hbm>>, %arg4: memref<32x125x80xi32, #tpu.memory_space<hbm>>, %arg5: memref<32x125x80xi32, #tpu.memory_space<hbm>>, %arg6: memref<320000x128xf32, #tpu.memory_space<hbm>>, %arg7: memref<320000x128xf32, #tpu.memory_space<hbm>>, %arg8: memref<125x80xi32, #tpu.memory_space<vmem>>, %arg9: memref<125x80xi32, #tpu.memory_space<vmem>>, %arg10: memref<80x128xf32, #tpu.memory_space<vmem>>, %arg11: memref<80x128xf32, #tpu.memory_space<vmem>>, %arg12: memref<!tpu.dma_semaphore, #tpu.memory_space<semaphore_mem>>, %arg13: memref<!tpu.dma_semaphore, #tpu.memory_space<semaphore_mem>>) attributes {dimension_semantics = [#tpu.dimension_semantics<core_parallel>, #tpu.dimension_semantics<subcore_parallel>], iteration_bounds = array<i64: 2, 16>, scalar_prefetch = 0 : i64, scratch_operands = 6 : i64, tpu.core_type = #tpu.core_type<sc_vector_subcore>, window_params = [{transform_indices = #map}, {transform_indices = #map}, {transform_indices = #map1}, {transform_indices = #map1}, {transform_indices = #map}, {transform_indices = #map}]} {
    %mul3A = arith.constant 2 : i32
    %mul3A_0 = arith.muli %arg1, %mul3A : i32
    %add3A = arith.addi %mul3A_0, %arg0 : i32
    %mul3A_1 = arith.constant 10000 : i32
    %mul3A_2 = arith.muli %add3A, %mul3A_1 : i32
    "tpu.region"() ({
      %run_scoped3A = tpu.sem_alloc : memref<!tpu.dma_semaphore, #tpu.memory_space<semaphore_mem>>
      %dma_start3A = arith.constant 0 : i32
      %dma_start3A_8 = arith.constant 0 : i32
      %dma_start3A_9 = tpu.memref_slice %arg4[%add3A, %dma_start3A, %dma_start3A_8] : memref<32x125x80xi32, #tpu.memory_space<hbm>> -> memref<1x125x80xi32, #tpu.memory_space<hbm>>
      %dma_start3A_10 = tpu.memref_squeeze %dma_start3A_9 : memref<1x125x80xi32, #tpu.memory_space<hbm>> -> memref<125x80xi32, #tpu.memory_space<hbm>>
      %dma_start3A_11 = arith.constant 0 : i32
      %dma_start3A_12 = arith.constant 0 : i32
      %dma_start3A_13 = tpu.memref_slice %arg4[%add3A, %dma_start3A_11, %dma_start3A_12] : memref<32x125x80xi32, #tpu.memory_space<hbm>> -> memref<1x125x80xi32, #tpu.memory_space<hbm>>
      %dma_start3A_14 = tpu.memref_squeeze %dma_start3A_13 : memref<1x125x80xi32, #tpu.memory_space<hbm>> -> memref<125x80xi32, #tpu.memory_space<hbm>>
      tpu.enqueue_dma source(%dma_start3A_14 : memref<125x80xi32, #tpu.memory_space<hbm>>) target(%arg8 : memref<125x80xi32, #tpu.memory_space<vmem>>) target_semaphore(%run_scoped3A : memref<!tpu.dma_semaphore, #tpu.memory_space<semaphore_mem>>)
      %dma_wait3A = arith.constant 0 : i32
      %dma_wait3A_15 = arith.constant 0 : i32
      %dma_wait3A_16 = tpu.memref_slice %arg4[%add3A, %dma_wait3A, %dma_wait3A_15] : memref<32x125x80xi32, #tpu.memory_space<hbm>> -> memref<1x125x80xi32, #tpu.memory_space<hbm>>
      %dma_wait3A_17 = tpu.memref_squeeze %dma_wait3A_16 : memref<1x125x80xi32, #tpu.memory_space<hbm>> -> memref<125x80xi32, #tpu.memory_space<hbm>>
      %dma_wait3A_18 = arith.constant 0 : i32
      %dma_wait3A_19 = arith.constant 0 : i32
      %dma_wait3A_20 = tpu.memref_slice %arg4[%add3A, %dma_wait3A_18, %dma_wait3A_19] : memref<32x125x80xi32, #tpu.memory_space<hbm>> -> memref<1x125x80xi32, #tpu.memory_space<hbm>>
      %dma_wait3A_21 = tpu.memref_squeeze %dma_wait3A_20 : memref<1x125x80xi32, #tpu.memory_space<hbm>> -> memref<125x80xi32, #tpu.memory_space<hbm>>
      tpu.wait_dma2 semaphore(%run_scoped3A : memref<!tpu.dma_semaphore, #tpu.memory_space<semaphore_mem>>) src(%dma_wait3A_21 : memref<125x80xi32, #tpu.memory_space<hbm>>) dst(%arg8 : memref<125x80xi32, #tpu.memory_space<vmem>>)
      tpu.yield
    }) : () -> ()
    "tpu.region"() ({
      %run_scoped3A = tpu.sem_alloc : memref<!tpu.dma_semaphore, #tpu.memory_space<semaphore_mem>>
      %dma_start3A = arith.constant 0 : i32
      %dma_start3A_8 = arith.constant 0 : i32
      %dma_start3A_9 = tpu.memref_slice %arg5[%add3A, %dma_start3A, %dma_start3A_8] : memref<32x125x80xi32, #tpu.memory_space<hbm>> -> memref<1x125x80xi32, #tpu.memory_space<hbm>>
      %dma_start3A_10 = tpu.memref_squeeze %dma_start3A_9 : memref<1x125x80xi32, #tpu.memory_space<hbm>> -> memref<125x80xi32, #tpu.memory_space<hbm>>
      %dma_start3A_11 = arith.constant 0 : i32
      %dma_start3A_12 = arith.constant 0 : i32
      %dma_start3A_13 = tpu.memref_slice %arg5[%add3A, %dma_start3A_11, %dma_start3A_12] : memref<32x125x80xi32, #tpu.memory_space<hbm>> -> memref<1x125x80xi32, #tpu.memory_space<hbm>>
      %dma_start3A_14 = tpu.memref_squeeze %dma_start3A_13 : memref<1x125x80xi32, #tpu.memory_space<hbm>> -> memref<125x80xi32, #tpu.memory_space<hbm>>
      tpu.enqueue_dma source(%dma_start3A_14 : memref<125x80xi32, #tpu.memory_space<hbm>>) target(%arg9 : memref<125x80xi32, #tpu.memory_space<vmem>>) target_semaphore(%run_scoped3A : memref<!tpu.dma_semaphore, #tpu.memory_space<semaphore_mem>>)
      %dma_wait3A = arith.constant 0 : i32
      %dma_wait3A_15 = arith.constant 0 : i32
      %dma_wait3A_16 = tpu.memref_slice %arg5[%add3A, %dma_wait3A, %dma_wait3A_15] : memref<32x125x80xi32, #tpu.memory_space<hbm>> -> memref<1x125x80xi32, #tpu.memory_space<hbm>>
      %dma_wait3A_17 = tpu.memref_squeeze %dma_wait3A_16 : memref<1x125x80xi32, #tpu.memory_space<hbm>> -> memref<125x80xi32, #tpu.memory_space<hbm>>
      %dma_wait3A_18 = arith.constant 0 : i32
      %dma_wait3A_19 = arith.constant 0 : i32
      %dma_wait3A_20 = tpu.memref_slice %arg5[%add3A, %dma_wait3A_18, %dma_wait3A_19] : memref<32x125x80xi32, #tpu.memory_space<hbm>> -> memref<1x125x80xi32, #tpu.memory_space<hbm>>
      %dma_wait3A_21 = tpu.memref_squeeze %dma_wait3A_20 : memref<1x125x80xi32, #tpu.memory_space<hbm>> -> memref<125x80xi32, #tpu.memory_space<hbm>>
      tpu.wait_dma2 semaphore(%run_scoped3A : memref<!tpu.dma_semaphore, #tpu.memory_space<semaphore_mem>>) src(%dma_wait3A_21 : memref<125x80xi32, #tpu.memory_space<hbm>>) dst(%arg9 : memref<125x80xi32, #tpu.memory_space<vmem>>)
      tpu.yield
    }) : () -> ()
    %scan3A = arith.constant 0 : i32
    %scan3A_3 = arith.constant 0 : i32
    %scan3A_4 = arith.constant 125 : i32
    %scan3A_5 = arith.addi %scan3A_3, %scan3A_4 : i32
    %scan3A_6 = arith.constant 1 : i32
    scf.for %scan3A_8 = %scan3A_3 to %scan3A_5 step %scan3A_6  : i32 {
      %mul3A_9 = arith.constant 80 : i32
      %mul3A_10 = arith.muli %scan3A_8, %mul3A_9 : i32
      %add3A_11 = arith.addi %mul3A_2, %mul3A_10 : i32
      %dma_start3A = arith.constant 0 : i32
      %dma_start3A_12 = tpu.memref_slice %arg8[%scan3A_8, %dma_start3A] : memref<125x80xi32, #tpu.memory_space<vmem>> -> memref<1x80xi32, #tpu.memory_space<vmem>>
      %dma_start3A_13 = tpu.memref_squeeze %dma_start3A_12 : memref<1x80xi32, #tpu.memory_space<vmem>> -> memref<80xi32, #tpu.memory_space<vmem>>
      %dma_start3A_14 = arith.constant 0 : i32
      %dma_start3A_15 = arith.constant 0 : i32
      %dma_start3A_16 = tpu.memref_slice %arg2[%dma_start3A_14, %dma_start3A_15] : memref<10000x128xf32, #tpu.memory_space<hbm>> -> memref<10000x128xf32, #tpu.memory_space<hbm>>
      tpu.enqueue_indirect_dma source(%dma_start3A_16 : memref<10000x128xf32, #tpu.memory_space<hbm>>) target(%arg10 : memref<80x128xf32, #tpu.memory_space<vmem>>) offsets(%dma_start3A_13 : memref<80xi32, #tpu.memory_space<vmem>>) semaphore(%arg12 : memref<!tpu.dma_semaphore, #tpu.memory_space<semaphore_mem>>)
      %dma_start3A_17 = arith.constant 0 : i32
      %dma_start3A_18 = tpu.memref_slice %arg9[%scan3A_8, %dma_start3A_17] : memref<125x80xi32, #tpu.memory_space<vmem>> -> memref<1x80xi32, #tpu.memory_space<vmem>>
      %dma_start3A_19 = tpu.memref_squeeze %dma_start3A_18 : memref<1x80xi32, #tpu.memory_space<vmem>> -> memref<80xi32, #tpu.memory_space<vmem>>
      %dma_start3A_20 = arith.constant 0 : i32
      %dma_start3A_21 = arith.constant 0 : i32
      %dma_start3A_22 = tpu.memref_slice %arg3[%dma_start3A_20, %dma_start3A_21] : memref<10000x128xf32, #tpu.memory_space<hbm>> -> memref<10000x128xf32, #tpu.memory_space<hbm>>
      tpu.enqueue_indirect_dma source(%dma_start3A_22 : memref<10000x128xf32, #tpu.memory_space<hbm>>) target(%arg11 : memref<80x128xf32, #tpu.memory_space<vmem>>) offsets(%dma_start3A_19 : memref<80xi32, #tpu.memory_space<vmem>>) semaphore(%arg13 : memref<!tpu.dma_semaphore, #tpu.memory_space<semaphore_mem>>)
      %dma_wait3A = arith.constant 0 : i32
      %dma_wait3A_23 = tpu.memref_slice %arg8[%scan3A_8, %dma_wait3A] : memref<125x80xi32, #tpu.memory_space<vmem>> -> memref<1x80xi32, #tpu.memory_space<vmem>>
      %dma_wait3A_24 = tpu.memref_squeeze %dma_wait3A_23 : memref<1x80xi32, #tpu.memory_space<vmem>> -> memref<80xi32, #tpu.memory_space<vmem>>
      %dma_wait3A_25 = arith.constant 0 : i32
      %dma_wait3A_26 = arith.constant 0 : i32
      %dma_wait3A_27 = tpu.memref_slice %arg2[%dma_wait3A_25, %dma_wait3A_26] : memref<10000x128xf32, #tpu.memory_space<hbm>> -> memref<10000x128xf32, #tpu.memory_space<hbm>>
      tpu.wait_indirect_dma semaphore(%arg12 : memref<!tpu.dma_semaphore, #tpu.memory_space<semaphore_mem>>) src(%dma_wait3A_27 : memref<10000x128xf32, #tpu.memory_space<hbm>>) dst(%arg10 : memref<80x128xf32, #tpu.memory_space<vmem>>)
      %dma_wait3A_28 = arith.constant 0 : i32
      %dma_wait3A_29 = tpu.memref_slice %arg9[%scan3A_8, %dma_wait3A_28] : memref<125x80xi32, #tpu.memory_space<vmem>> -> memref<1x80xi32, #tpu.memory_space<vmem>>
      %dma_wait3A_30 = tpu.memref_squeeze %dma_wait3A_29 : memref<1x80xi32, #tpu.memory_space<vmem>> -> memref<80xi32, #tpu.memory_space<vmem>>
      %dma_wait3A_31 = arith.constant 0 : i32
      %dma_wait3A_32 = arith.constant 0 : i32
      %dma_wait3A_33 = tpu.memref_slice %arg3[%dma_wait3A_31, %dma_wait3A_32] : memref<10000x128xf32, #tpu.memory_space<hbm>> -> memref<10000x128xf32, #tpu.memory_space<hbm>>
      tpu.wait_indirect_dma semaphore(%arg13 : memref<!tpu.dma_semaphore, #tpu.memory_space<semaphore_mem>>) src(%dma_wait3A_33 : memref<10000x128xf32, #tpu.memory_space<hbm>>) dst(%arg11 : memref<80x128xf32, #tpu.memory_space<vmem>>)
      %dma_start3A_34 = arith.constant 0 : i32
      %dma_start3A_35 = tpu.memref_slice %arg6[%add3A_11, %dma_start3A_34] : memref<320000x128xf32, #tpu.memory_space<hbm>> -> memref<80x128xf32, #tpu.memory_space<hbm>>
      %dma_start3A_36 = arith.constant 0 : i32
      %dma_start3A_37 = tpu.memref_slice %arg6[%add3A_11, %dma_start3A_36] : memref<320000x128xf32, #tpu.memory_space<hbm>> -> memref<80x128xf32, #tpu.memory_space<hbm>>
      tpu.enqueue_dma source(%arg10 : memref<80x128xf32, #tpu.memory_space<vmem>>) target(%dma_start3A_37 : memref<80x128xf32, #tpu.memory_space<hbm>>) target_semaphore(%arg12 : memref<!tpu.dma_semaphore, #tpu.memory_space<semaphore_mem>>)
      %dma_start3A_38 = arith.constant 0 : i32
      %dma_start3A_39 = tpu.memref_slice %arg7[%add3A_11, %dma_start3A_38] : memref<320000x128xf32, #tpu.memory_space<hbm>> -> memref<80x128xf32, #tpu.memory_space<hbm>>
      %dma_start3A_40 = arith.constant 0 : i32
      %dma_start3A_41 = tpu.memref_slice %arg7[%add3A_11, %dma_start3A_40] : memref<320000x128xf32, #tpu.memory_space<hbm>> -> memref<80x128xf32, #tpu.memory_space<hbm>>
      tpu.enqueue_dma source(%arg11 : memref<80x128xf32, #tpu.memory_space<vmem>>) target(%dma_start3A_41 : memref<80x128xf32, #tpu.memory_space<hbm>>) target_semaphore(%arg13 : memref<!tpu.dma_semaphore, #tpu.memory_space<semaphore_mem>>)
      %dma_wait3A_42 = arith.constant 0 : i32
      %dma_wait3A_43 = tpu.memref_slice %arg6[%add3A_11, %dma_wait3A_42] : memref<320000x128xf32, #tpu.memory_space<hbm>> -> memref<80x128xf32, #tpu.memory_space<hbm>>
      %dma_wait3A_44 = arith.constant 0 : i32
      %dma_wait3A_45 = tpu.memref_slice %arg6[%add3A_11, %dma_wait3A_44] : memref<320000x128xf32, #tpu.memory_space<hbm>> -> memref<80x128xf32, #tpu.memory_space<hbm>>
      tpu.wait_dma2 semaphore(%arg12 : memref<!tpu.dma_semaphore, #tpu.memory_space<semaphore_mem>>) src(%arg10 : memref<80x128xf32, #tpu.memory_space<vmem>>) dst(%dma_wait3A_45 : memref<80x128xf32, #tpu.memory_space<hbm>>)
      %dma_wait3A_46 = arith.constant 0 : i32
      %dma_wait3A_47 = tpu.memref_slice %arg7[%add3A_11, %dma_wait3A_46] : memref<320000x128xf32, #tpu.memory_space<hbm>> -> memref<80x128xf32, #tpu.memory_space<hbm>>
      %dma_wait3A_48 = arith.constant 0 : i32
      %dma_wait3A_49 = tpu.memref_slice %arg7[%add3A_11, %dma_wait3A_48] : memref<320000x128xf32, #tpu.memory_space<hbm>> -> memref<80x128xf32, #tpu.memory_space<hbm>>
      tpu.wait_dma2 semaphore(%arg13 : memref<!tpu.dma_semaphore, #tpu.memory_space<semaphore_mem>>) src(%arg11 : memref<80x128xf32, #tpu.memory_space<vmem>>) dst(%dma_wait3A_49 : memref<80x128xf32, #tpu.memory_space<hbm>>)
    }
    %scan3A_7 = arith.constant 125 : i32
    return
  }
}

#map = affine_map<(d0, d1) -> (0, 0)>
#map1 = affine_map<(d0, d1) -> (0, 0, 0)>
module attributes {stable_mosaic.version = 14 : i64} {
  func.func @_sc_gather_body(%arg0: i32, %arg1: i32, %arg2: memref<10000x256xf32, #tpu.memory_space<hbm>>, %arg3: memref<10000x256xf32, #tpu.memory_space<hbm>>, %arg4: memref<32x125x80xi32, #tpu.memory_space<hbm>>, %arg5: memref<32x125x80xi32, #tpu.memory_space<hbm>>, %arg6: memref<320000x256xf32, #tpu.memory_space<hbm>>, %arg7: memref<320000x256xf32, #tpu.memory_space<hbm>>, %arg8: memref<125x80xi32, #tpu.memory_space<vmem>>, %arg9: memref<125x80xi32, #tpu.memory_space<vmem>>, %arg10: memref<80x256xf32, #tpu.memory_space<vmem>>, %arg11: memref<80x256xf32, #tpu.memory_space<vmem>>, %arg12: memref<!tpu.dma_semaphore, #tpu.memory_space<semaphore_mem>>, %arg13: memref<!tpu.dma_semaphore, #tpu.memory_space<semaphore_mem>>) attributes {dimension_semantics = [#tpu.dimension_semantics<core_parallel>, #tpu.dimension_semantics<subcore_parallel>], iteration_bounds = array<i64: 2, 16>, scalar_prefetch = 0 : i64, scratch_operands = 6 : i64, tpu.core_type = #tpu.core_type<sc_vector_subcore>, window_params = [{transform_indices = #map}, {transform_indices = #map}, {transform_indices = #map1}, {transform_indices = #map1}, {transform_indices = #map}, {transform_indices = #map}]} {
    %mul3A = arith.constant 2 : i32
    %mul3A_0 = arith.muli %arg1, %mul3A : i32
    %add3A = arith.addi %mul3A_0, %arg0 : i32
    %mul3A_1 = arith.constant 10000 : i32
    %mul3A_2 = arith.muli %add3A, %mul3A_1 : i32
    "tpu.region"() ({
      %run_scoped3A = tpu.sem_alloc : memref<!tpu.dma_semaphore, #tpu.memory_space<semaphore_mem>>
      %dma_start3A = arith.constant 0 : i32
      %dma_start3A_8 = arith.constant 0 : i32
      %dma_start3A_9 = tpu.memref_slice %arg4[%add3A, %dma_start3A, %dma_start3A_8] : memref<32x125x80xi32, #tpu.memory_space<hbm>> -> memref<1x125x80xi32, #tpu.memory_space<hbm>>
      %dma_start3A_10 = tpu.memref_squeeze %dma_start3A_9 : memref<1x125x80xi32, #tpu.memory_space<hbm>> -> memref<125x80xi32, #tpu.memory_space<hbm>>
      %dma_start3A_11 = arith.constant 0 : i32
      %dma_start3A_12 = arith.constant 0 : i32
      %dma_start3A_13 = tpu.memref_slice %arg4[%add3A, %dma_start3A_11, %dma_start3A_12] : memref<32x125x80xi32, #tpu.memory_space<hbm>> -> memref<1x125x80xi32, #tpu.memory_space<hbm>>
      %dma_start3A_14 = tpu.memref_squeeze %dma_start3A_13 : memref<1x125x80xi32, #tpu.memory_space<hbm>> -> memref<125x80xi32, #tpu.memory_space<hbm>>
      tpu.enqueue_dma source(%dma_start3A_14 : memref<125x80xi32, #tpu.memory_space<hbm>>) target(%arg8 : memref<125x80xi32, #tpu.memory_space<vmem>>) target_semaphore(%run_scoped3A : memref<!tpu.dma_semaphore, #tpu.memory_space<semaphore_mem>>)
      %dma_wait3A = arith.constant 0 : i32
      %dma_wait3A_15 = arith.constant 0 : i32
      %dma_wait3A_16 = tpu.memref_slice %arg4[%add3A, %dma_wait3A, %dma_wait3A_15] : memref<32x125x80xi32, #tpu.memory_space<hbm>> -> memref<1x125x80xi32, #tpu.memory_space<hbm>>
      %dma_wait3A_17 = tpu.memref_squeeze %dma_wait3A_16 : memref<1x125x80xi32, #tpu.memory_space<hbm>> -> memref<125x80xi32, #tpu.memory_space<hbm>>
      %dma_wait3A_18 = arith.constant 0 : i32
      %dma_wait3A_19 = arith.constant 0 : i32
      %dma_wait3A_20 = tpu.memref_slice %arg4[%add3A, %dma_wait3A_18, %dma_wait3A_19] : memref<32x125x80xi32, #tpu.memory_space<hbm>> -> memref<1x125x80xi32, #tpu.memory_space<hbm>>
      %dma_wait3A_21 = tpu.memref_squeeze %dma_wait3A_20 : memref<1x125x80xi32, #tpu.memory_space<hbm>> -> memref<125x80xi32, #tpu.memory_space<hbm>>
      tpu.wait_dma2 semaphore(%run_scoped3A : memref<!tpu.dma_semaphore, #tpu.memory_space<semaphore_mem>>) src(%dma_wait3A_21 : memref<125x80xi32, #tpu.memory_space<hbm>>) dst(%arg8 : memref<125x80xi32, #tpu.memory_space<vmem>>)
      tpu.yield
    }) : () -> ()
    "tpu.region"() ({
      %run_scoped3A = tpu.sem_alloc : memref<!tpu.dma_semaphore, #tpu.memory_space<semaphore_mem>>
      %dma_start3A = arith.constant 0 : i32
      %dma_start3A_8 = arith.constant 0 : i32
      %dma_start3A_9 = tpu.memref_slice %arg5[%add3A, %dma_start3A, %dma_start3A_8] : memref<32x125x80xi32, #tpu.memory_space<hbm>> -> memref<1x125x80xi32, #tpu.memory_space<hbm>>
      %dma_start3A_10 = tpu.memref_squeeze %dma_start3A_9 : memref<1x125x80xi32, #tpu.memory_space<hbm>> -> memref<125x80xi32, #tpu.memory_space<hbm>>
      %dma_start3A_11 = arith.constant 0 : i32
      %dma_start3A_12 = arith.constant 0 : i32
      %dma_start3A_13 = tpu.memref_slice %arg5[%add3A, %dma_start3A_11, %dma_start3A_12] : memref<32x125x80xi32, #tpu.memory_space<hbm>> -> memref<1x125x80xi32, #tpu.memory_space<hbm>>
      %dma_start3A_14 = tpu.memref_squeeze %dma_start3A_13 : memref<1x125x80xi32, #tpu.memory_space<hbm>> -> memref<125x80xi32, #tpu.memory_space<hbm>>
      tpu.enqueue_dma source(%dma_start3A_14 : memref<125x80xi32, #tpu.memory_space<hbm>>) target(%arg9 : memref<125x80xi32, #tpu.memory_space<vmem>>) target_semaphore(%run_scoped3A : memref<!tpu.dma_semaphore, #tpu.memory_space<semaphore_mem>>)
      %dma_wait3A = arith.constant 0 : i32
      %dma_wait3A_15 = arith.constant 0 : i32
      %dma_wait3A_16 = tpu.memref_slice %arg5[%add3A, %dma_wait3A, %dma_wait3A_15] : memref<32x125x80xi32, #tpu.memory_space<hbm>> -> memref<1x125x80xi32, #tpu.memory_space<hbm>>
      %dma_wait3A_17 = tpu.memref_squeeze %dma_wait3A_16 : memref<1x125x80xi32, #tpu.memory_space<hbm>> -> memref<125x80xi32, #tpu.memory_space<hbm>>
      %dma_wait3A_18 = arith.constant 0 : i32
      %dma_wait3A_19 = arith.constant 0 : i32
      %dma_wait3A_20 = tpu.memref_slice %arg5[%add3A, %dma_wait3A_18, %dma_wait3A_19] : memref<32x125x80xi32, #tpu.memory_space<hbm>> -> memref<1x125x80xi32, #tpu.memory_space<hbm>>
      %dma_wait3A_21 = tpu.memref_squeeze %dma_wait3A_20 : memref<1x125x80xi32, #tpu.memory_space<hbm>> -> memref<125x80xi32, #tpu.memory_space<hbm>>
      tpu.wait_dma2 semaphore(%run_scoped3A : memref<!tpu.dma_semaphore, #tpu.memory_space<semaphore_mem>>) src(%dma_wait3A_21 : memref<125x80xi32, #tpu.memory_space<hbm>>) dst(%arg9 : memref<125x80xi32, #tpu.memory_space<vmem>>)
      tpu.yield
    }) : () -> ()
    %scan3A = arith.constant 0 : i32
    %scan3A_3 = arith.constant 0 : i32
    %scan3A_4 = arith.constant 125 : i32
    %scan3A_5 = arith.addi %scan3A_3, %scan3A_4 : i32
    %scan3A_6 = arith.constant 1 : i32
    scf.for %scan3A_8 = %scan3A_3 to %scan3A_5 step %scan3A_6  : i32 {
      %mul3A_9 = arith.constant 80 : i32
      %mul3A_10 = arith.muli %scan3A_8, %mul3A_9 : i32
      %add3A_11 = arith.addi %mul3A_2, %mul3A_10 : i32
      %dma_start3A = arith.constant 0 : i32
      %dma_start3A_12 = tpu.memref_slice %arg8[%scan3A_8, %dma_start3A] : memref<125x80xi32, #tpu.memory_space<vmem>> -> memref<1x80xi32, #tpu.memory_space<vmem>>
      %dma_start3A_13 = tpu.memref_squeeze %dma_start3A_12 : memref<1x80xi32, #tpu.memory_space<vmem>> -> memref<80xi32, #tpu.memory_space<vmem>>
      %dma_start3A_14 = arith.constant 0 : i32
      %dma_start3A_15 = arith.constant 0 : i32
      %dma_start3A_16 = tpu.memref_slice %arg2[%dma_start3A_14, %dma_start3A_15] : memref<10000x256xf32, #tpu.memory_space<hbm>> -> memref<10000x256xf32, #tpu.memory_space<hbm>>
      tpu.enqueue_indirect_dma source(%dma_start3A_16 : memref<10000x256xf32, #tpu.memory_space<hbm>>) target(%arg10 : memref<80x256xf32, #tpu.memory_space<vmem>>) offsets(%dma_start3A_13 : memref<80xi32, #tpu.memory_space<vmem>>) semaphore(%arg12 : memref<!tpu.dma_semaphore, #tpu.memory_space<semaphore_mem>>)
      %dma_start3A_17 = arith.constant 0 : i32
      %dma_start3A_18 = tpu.memref_slice %arg9[%scan3A_8, %dma_start3A_17] : memref<125x80xi32, #tpu.memory_space<vmem>> -> memref<1x80xi32, #tpu.memory_space<vmem>>
      %dma_start3A_19 = tpu.memref_squeeze %dma_start3A_18 : memref<1x80xi32, #tpu.memory_space<vmem>> -> memref<80xi32, #tpu.memory_space<vmem>>
      %dma_start3A_20 = arith.constant 0 : i32
      %dma_start3A_21 = arith.constant 0 : i32
      %dma_start3A_22 = tpu.memref_slice %arg3[%dma_start3A_20, %dma_start3A_21] : memref<10000x256xf32, #tpu.memory_space<hbm>> -> memref<10000x256xf32, #tpu.memory_space<hbm>>
      tpu.enqueue_indirect_dma source(%dma_start3A_22 : memref<10000x256xf32, #tpu.memory_space<hbm>>) target(%arg11 : memref<80x256xf32, #tpu.memory_space<vmem>>) offsets(%dma_start3A_19 : memref<80xi32, #tpu.memory_space<vmem>>) semaphore(%arg13 : memref<!tpu.dma_semaphore, #tpu.memory_space<semaphore_mem>>)
      %dma_wait3A = arith.constant 0 : i32
      %dma_wait3A_23 = tpu.memref_slice %arg8[%scan3A_8, %dma_wait3A] : memref<125x80xi32, #tpu.memory_space<vmem>> -> memref<1x80xi32, #tpu.memory_space<vmem>>
      %dma_wait3A_24 = tpu.memref_squeeze %dma_wait3A_23 : memref<1x80xi32, #tpu.memory_space<vmem>> -> memref<80xi32, #tpu.memory_space<vmem>>
      %dma_wait3A_25 = arith.constant 0 : i32
      %dma_wait3A_26 = arith.constant 0 : i32
      %dma_wait3A_27 = tpu.memref_slice %arg2[%dma_wait3A_25, %dma_wait3A_26] : memref<10000x256xf32, #tpu.memory_space<hbm>> -> memref<10000x256xf32, #tpu.memory_space<hbm>>
      tpu.wait_indirect_dma semaphore(%arg12 : memref<!tpu.dma_semaphore, #tpu.memory_space<semaphore_mem>>) src(%dma_wait3A_27 : memref<10000x256xf32, #tpu.memory_space<hbm>>) dst(%arg10 : memref<80x256xf32, #tpu.memory_space<vmem>>)
      %dma_wait3A_28 = arith.constant 0 : i32
      %dma_wait3A_29 = tpu.memref_slice %arg9[%scan3A_8, %dma_wait3A_28] : memref<125x80xi32, #tpu.memory_space<vmem>> -> memref<1x80xi32, #tpu.memory_space<vmem>>
      %dma_wait3A_30 = tpu.memref_squeeze %dma_wait3A_29 : memref<1x80xi32, #tpu.memory_space<vmem>> -> memref<80xi32, #tpu.memory_space<vmem>>
      %dma_wait3A_31 = arith.constant 0 : i32
      %dma_wait3A_32 = arith.constant 0 : i32
      %dma_wait3A_33 = tpu.memref_slice %arg3[%dma_wait3A_31, %dma_wait3A_32] : memref<10000x256xf32, #tpu.memory_space<hbm>> -> memref<10000x256xf32, #tpu.memory_space<hbm>>
      tpu.wait_indirect_dma semaphore(%arg13 : memref<!tpu.dma_semaphore, #tpu.memory_space<semaphore_mem>>) src(%dma_wait3A_33 : memref<10000x256xf32, #tpu.memory_space<hbm>>) dst(%arg11 : memref<80x256xf32, #tpu.memory_space<vmem>>)
      %dma_start3A_34 = arith.constant 0 : i32
      %dma_start3A_35 = tpu.memref_slice %arg6[%add3A_11, %dma_start3A_34] : memref<320000x256xf32, #tpu.memory_space<hbm>> -> memref<80x256xf32, #tpu.memory_space<hbm>>
      %dma_start3A_36 = arith.constant 0 : i32
      %dma_start3A_37 = tpu.memref_slice %arg6[%add3A_11, %dma_start3A_36] : memref<320000x256xf32, #tpu.memory_space<hbm>> -> memref<80x256xf32, #tpu.memory_space<hbm>>
      tpu.enqueue_dma source(%arg10 : memref<80x256xf32, #tpu.memory_space<vmem>>) target(%dma_start3A_37 : memref<80x256xf32, #tpu.memory_space<hbm>>) target_semaphore(%arg12 : memref<!tpu.dma_semaphore, #tpu.memory_space<semaphore_mem>>)
      %dma_start3A_38 = arith.constant 0 : i32
      %dma_start3A_39 = tpu.memref_slice %arg7[%add3A_11, %dma_start3A_38] : memref<320000x256xf32, #tpu.memory_space<hbm>> -> memref<80x256xf32, #tpu.memory_space<hbm>>
      %dma_start3A_40 = arith.constant 0 : i32
      %dma_start3A_41 = tpu.memref_slice %arg7[%add3A_11, %dma_start3A_40] : memref<320000x256xf32, #tpu.memory_space<hbm>> -> memref<80x256xf32, #tpu.memory_space<hbm>>
      tpu.enqueue_dma source(%arg11 : memref<80x256xf32, #tpu.memory_space<vmem>>) target(%dma_start3A_41 : memref<80x256xf32, #tpu.memory_space<hbm>>) target_semaphore(%arg13 : memref<!tpu.dma_semaphore, #tpu.memory_space<semaphore_mem>>)
      %dma_wait3A_42 = arith.constant 0 : i32
      %dma_wait3A_43 = tpu.memref_slice %arg6[%add3A_11, %dma_wait3A_42] : memref<320000x256xf32, #tpu.memory_space<hbm>> -> memref<80x256xf32, #tpu.memory_space<hbm>>
      %dma_wait3A_44 = arith.constant 0 : i32
      %dma_wait3A_45 = tpu.memref_slice %arg6[%add3A_11, %dma_wait3A_44] : memref<320000x256xf32, #tpu.memory_space<hbm>> -> memref<80x256xf32, #tpu.memory_space<hbm>>
      tpu.wait_dma2 semaphore(%arg12 : memref<!tpu.dma_semaphore, #tpu.memory_space<semaphore_mem>>) src(%arg10 : memref<80x256xf32, #tpu.memory_space<vmem>>) dst(%dma_wait3A_45 : memref<80x256xf32, #tpu.memory_space<hbm>>)
      %dma_wait3A_46 = arith.constant 0 : i32
      %dma_wait3A_47 = tpu.memref_slice %arg7[%add3A_11, %dma_wait3A_46] : memref<320000x256xf32, #tpu.memory_space<hbm>> -> memref<80x256xf32, #tpu.memory_space<hbm>>
      %dma_wait3A_48 = arith.constant 0 : i32
      %dma_wait3A_49 = tpu.memref_slice %arg7[%add3A_11, %dma_wait3A_48] : memref<320000x256xf32, #tpu.memory_space<hbm>> -> memref<80x256xf32, #tpu.memory_space<hbm>>
      tpu.wait_dma2 semaphore(%arg13 : memref<!tpu.dma_semaphore, #tpu.memory_space<semaphore_mem>>) src(%arg11 : memref<80x256xf32, #tpu.memory_space<vmem>>) dst(%dma_wait3A_49 : memref<80x256xf32, #tpu.memory_space<hbm>>)
    }
    %scan3A_7 = arith.constant 125 : i32
    return
  }
}

#map = affine_map<(d0, d1) -> (0, 0)>
#map1 = affine_map<(d0, d1) -> (0, 0, 0)>
module attributes {stable_mosaic.version = 14 : i64} {
  func.func @_sc_scatter_body(%arg0: i32, %arg1: i32, %arg2: memref<320000x128xf32, #tpu.memory_space<hbm>>, %arg3: memref<32x125x80xi32, #tpu.memory_space<hbm>>, %arg4: memref<2x10240x128xf32, #tpu.memory_space<hbm>>, %arg5: memref<125x80xi32, #tpu.memory_space<vmem>>, %arg6: memref<80x128xf32, #tpu.memory_space<vmem>>, %arg7: memref<10240x128xf32, #tpu.memory_space<vmem_shared>>) attributes {dimension_semantics = [#tpu.dimension_semantics<core_parallel>, #tpu.dimension_semantics<subcore_parallel>], iteration_bounds = array<i64: 2, 16>, scalar_prefetch = 0 : i64, scratch_operands = 3 : i64, tpu.core_type = #tpu.core_type<sc_vector_subcore>, window_params = [{transform_indices = #map}, {transform_indices = #map1}, {transform_indices = #map1}]} {
    %mul3A = arith.constant 2 : i32
    %mul3A_0 = arith.muli %arg1, %mul3A : i32
    %add3A = arith.addi %mul3A_0, %arg0 : i32
    %mul3A_1 = arith.constant 10000 : i32
    %mul3A_2 = arith.muli %add3A, %mul3A_1 : i32
    "tpu.region"() ({
      %run_scoped3A = tpu.sem_alloc : memref<!tpu.dma_semaphore, #tpu.memory_space<semaphore_mem>>
      %dma_start3A = arith.constant 0 : i32
      %dma_start3A_25 = arith.constant 0 : i32
      %dma_start3A_26 = tpu.memref_slice %arg3[%add3A, %dma_start3A, %dma_start3A_25] : memref<32x125x80xi32, #tpu.memory_space<hbm>> -> memref<1x125x80xi32, #tpu.memory_space<hbm>>
      %dma_start3A_27 = tpu.memref_squeeze %dma_start3A_26 : memref<1x125x80xi32, #tpu.memory_space<hbm>> -> memref<125x80xi32, #tpu.memory_space<hbm>>
      %dma_start3A_28 = arith.constant 0 : i32
      %dma_start3A_29 = arith.constant 0 : i32
      %dma_start3A_30 = tpu.memref_slice %arg3[%add3A, %dma_start3A_28, %dma_start3A_29] : memref<32x125x80xi32, #tpu.memory_space<hbm>> -> memref<1x125x80xi32, #tpu.memory_space<hbm>>
      %dma_start3A_31 = tpu.memref_squeeze %dma_start3A_30 : memref<1x125x80xi32, #tpu.memory_space<hbm>> -> memref<125x80xi32, #tpu.memory_space<hbm>>
      tpu.enqueue_dma source(%dma_start3A_31 : memref<125x80xi32, #tpu.memory_space<hbm>>) target(%arg5 : memref<125x80xi32, #tpu.memory_space<vmem>>) target_semaphore(%run_scoped3A : memref<!tpu.dma_semaphore, #tpu.memory_space<semaphore_mem>>)
      %dma_wait3A = arith.constant 0 : i32
      %dma_wait3A_32 = arith.constant 0 : i32
      %dma_wait3A_33 = tpu.memref_slice %arg3[%add3A, %dma_wait3A, %dma_wait3A_32] : memref<32x125x80xi32, #tpu.memory_space<hbm>> -> memref<1x125x80xi32, #tpu.memory_space<hbm>>
      %dma_wait3A_34 = tpu.memref_squeeze %dma_wait3A_33 : memref<1x125x80xi32, #tpu.memory_space<hbm>> -> memref<125x80xi32, #tpu.memory_space<hbm>>
      %dma_wait3A_35 = arith.constant 0 : i32
      %dma_wait3A_36 = arith.constant 0 : i32
      %dma_wait3A_37 = tpu.memref_slice %arg3[%add3A, %dma_wait3A_35, %dma_wait3A_36] : memref<32x125x80xi32, #tpu.memory_space<hbm>> -> memref<1x125x80xi32, #tpu.memory_space<hbm>>
      %dma_wait3A_38 = tpu.memref_squeeze %dma_wait3A_37 : memref<1x125x80xi32, #tpu.memory_space<hbm>> -> memref<125x80xi32, #tpu.memory_space<hbm>>
      tpu.wait_dma2 semaphore(%run_scoped3A : memref<!tpu.dma_semaphore, #tpu.memory_space<semaphore_mem>>) src(%dma_wait3A_38 : memref<125x80xi32, #tpu.memory_space<hbm>>) dst(%arg5 : memref<125x80xi32, #tpu.memory_space<vmem>>)
      tpu.yield
    }) : () -> ()
    %scan3A = arith.constant 0 : i32
    %scan3A_3 = arith.constant 0 : i32
    %scan3A_4 = arith.constant 80 : i32
    %scan3A_5 = arith.addi %scan3A_3, %scan3A_4 : i32
    %scan3A_6 = arith.constant 1 : i32
    scf.for %scan3A_25 = %scan3A_3 to %scan3A_5 step %scan3A_6  : i32 {
      %broadcast_in_dim3A = arith.constant 0.000000e+00 : f32
      %broadcast_in_dim3A_26 = vector.broadcast %broadcast_in_dim3A : f32 to vector<16xf32>
      %swap3A = arith.index_cast %scan3A_25 : i32 to index
      %swap3A_27 = arith.constant 0 : index
      %swap3A_28 = tpu.vector_load %arg6[%swap3A, %swap3A_27] {strides = array<i32>} : memref<80x128xf32, #tpu.memory_space<vmem>>, vector<1x16xf32>,
      %swap3A_29 = vector.shape_cast %swap3A_28 : vector<1x16xf32> to vector<16xf32>
      %swap3A_30 = vector.shape_cast %broadcast_in_dim3A_26 : vector<16xf32> to vector<1x16xf32>
      tpu.vector_store %arg6[%swap3A, %swap3A_27], %swap3A_30 {strides = array<i32>} : memref<80x128xf32, #tpu.memory_space<vmem>>, vector<1x16xf32>,
      %broadcast_in_dim3A_31 = arith.constant 0.000000e+00 : f32
      %broadcast_in_dim3A_32 = vector.broadcast %broadcast_in_dim3A_31 : f32 to vector<16xf32>
      %swap3A_33 = arith.index_cast %scan3A_25 : i32 to index
      %swap3A_34 = arith.constant 16 : index
      %swap3A_35 = tpu.vector_load %arg6[%swap3A_33, %swap3A_34] {strides = array<i32>} : memref<80x128xf32, #tpu.memory_space<vmem>>, vector<1x16xf32>,
      %swap3A_36 = vector.shape_cast %swap3A_35 : vector<1x16xf32> to vector<16xf32>
      %swap3A_37 = vector.shape_cast %broadcast_in_dim3A_32 : vector<16xf32> to vector<1x16xf32>
      tpu.vector_store %arg6[%swap3A_33, %swap3A_34], %swap3A_37 {strides = array<i32>} : memref<80x128xf32, #tpu.memory_space<vmem>>, vector<1x16xf32>,
      %broadcast_in_dim3A_38 = arith.constant 0.000000e+00 : f32
      %broadcast_in_dim3A_39 = vector.broadcast %broadcast_in_dim3A_38 : f32 to vector<16xf32>
      %swap3A_40 = arith.index_cast %scan3A_25 : i32 to index
      %swap3A_41 = arith.constant 32 : index
      %swap3A_42 = tpu.vector_load %arg6[%swap3A_40, %swap3A_41] {strides = array<i32>} : memref<80x128xf32, #tpu.memory_space<vmem>>, vector<1x16xf32>,
      %swap3A_43 = vector.shape_cast %swap3A_42 : vector<1x16xf32> to vector<16xf32>
      %swap3A_44 = vector.shape_cast %broadcast_in_dim3A_39 : vector<16xf32> to vector<1x16xf32>
      tpu.vector_store %arg6[%swap3A_40, %swap3A_41], %swap3A_44 {strides = array<i32>} : memref<80x128xf32, #tpu.memory_space<vmem>>, vector<1x16xf32>,
      %broadcast_in_dim3A_45 = arith.constant 0.000000e+00 : f32
      %broadcast_in_dim3A_46 = vector.broadcast %broadcast_in_dim3A_45 : f32 to vector<16xf32>
      %swap3A_47 = arith.index_cast %scan3A_25 : i32 to index
      %swap3A_48 = arith.constant 48 : index
      %swap3A_49 = tpu.vector_load %arg6[%swap3A_47, %swap3A_48] {strides = array<i32>} : memref<80x128xf32, #tpu.memory_space<vmem>>, vector<1x16xf32>,
      %swap3A_50 = vector.shape_cast %swap3A_49 : vector<1x16xf32> to vector<16xf32>
      %swap3A_51 = vector.shape_cast %broadcast_in_dim3A_46 : vector<16xf32> to vector<1x16xf32>
      tpu.vector_store %arg6[%swap3A_47, %swap3A_48], %swap3A_51 {strides = array<i32>} : memref<80x128xf32, #tpu.memory_space<vmem>>, vector<1x16xf32>,
      %broadcast_in_dim3A_52 = arith.constant 0.000000e+00 : f32
      %broadcast_in_dim3A_53 = vector.broadcast %broadcast_in_dim3A_52 : f32 to vector<16xf32>
      %swap3A_54 = arith.index_cast %scan3A_25 : i32 to index
      %swap3A_55 = arith.constant 64 : index
      %swap3A_56 = tpu.vector_load %arg6[%swap3A_54, %swap3A_55] {strides = array<i32>} : memref<80x128xf32, #tpu.memory_space<vmem>>, vector<1x16xf32>,
      %swap3A_57 = vector.shape_cast %swap3A_56 : vector<1x16xf32> to vector<16xf32>
      %swap3A_58 = vector.shape_cast %broadcast_in_dim3A_53 : vector<16xf32> to vector<1x16xf32>
      tpu.vector_store %arg6[%swap3A_54, %swap3A_55], %swap3A_58 {strides = array<i32>} : memref<80x128xf32, #tpu.memory_space<vmem>>, vector<1x16xf32>,
      %broadcast_in_dim3A_59 = arith.constant 0.000000e+00 : f32
      %broadcast_in_dim3A_60 = vector.broadcast %broadcast_in_dim3A_59 : f32 to vector<16xf32>
      %swap3A_61 = arith.index_cast %scan3A_25 : i32 to index
      %swap3A_62 = arith.constant 80 : index
      %swap3A_63 = tpu.vector_load %arg6[%swap3A_61, %swap3A_62] {strides = array<i32>} : memref<80x128xf32, #tpu.memory_space<vmem>>, vector<1x16xf32>,
      %swap3A_64 = vector.shape_cast %swap3A_63 : vector<1x16xf32> to vector<16xf32>
      %swap3A_65 = vector.shape_cast %broadcast_in_dim3A_60 : vector<16xf32> to vector<1x16xf32>
      tpu.vector_store %arg6[%swap3A_61, %swap3A_62], %swap3A_65 {strides = array<i32>} : memref<80x128xf32, #tpu.memory_space<vmem>>, vector<1x16xf32>,
      %broadcast_in_dim3A_66 = arith.constant 0.000000e+00 : f32
      %broadcast_in_dim3A_67 = vector.broadcast %broadcast_in_dim3A_66 : f32 to vector<16xf32>
      %swap3A_68 = arith.index_cast %scan3A_25 : i32 to index
      %swap3A_69 = arith.constant 96 : index
      %swap3A_70 = tpu.vector_load %arg6[%swap3A_68, %swap3A_69] {strides = array<i32>} : memref<80x128xf32, #tpu.memory_space<vmem>>, vector<1x16xf32>,
      %swap3A_71 = vector.shape_cast %swap3A_70 : vector<1x16xf32> to vector<16xf32>
      %swap3A_72 = vector.shape_cast %broadcast_in_dim3A_67 : vector<16xf32> to vector<1x16xf32>
      tpu.vector_store %arg6[%swap3A_68, %swap3A_69], %swap3A_72 {strides = array<i32>} : memref<80x128xf32, #tpu.memory_space<vmem>>, vector<1x16xf32>,
      %broadcast_in_dim3A_73 = arith.constant 0.000000e+00 : f32
      %broadcast_in_dim3A_74 = vector.broadcast %broadcast_in_dim3A_73 : f32 to vector<16xf32>
      %swap3A_75 = arith.index_cast %scan3A_25 : i32 to index
      %swap3A_76 = arith.constant 112 : index
      %swap3A_77 = tpu.vector_load %arg6[%swap3A_75, %swap3A_76] {strides = array<i32>} : memref<80x128xf32, #tpu.memory_space<vmem>>, vector<1x16xf32>,
      %swap3A_78 = vector.shape_cast %swap3A_77 : vector<1x16xf32> to vector<16xf32>
      %swap3A_79 = vector.shape_cast %broadcast_in_dim3A_74 : vector<16xf32> to vector<1x16xf32>
      tpu.vector_store %arg6[%swap3A_75, %swap3A_76], %swap3A_79 {strides = array<i32>} : memref<80x128xf32, #tpu.memory_space<vmem>>, vector<1x16xf32>,
    }
    %scan3A_7 = arith.constant 80 : i32
    %scan3A_8 = arith.constant 0 : i32
    %scan3A_9 = arith.constant 0 : i32
    %scan3A_10 = arith.constant 8 : i32
    %scan3A_11 = arith.addi %scan3A_9, %scan3A_10 : i32
    %scan3A_12 = arith.constant 1 : i32
    scf.for %scan3A_25 = %scan3A_9 to %scan3A_11 step %scan3A_12  : i32 {
      %mul3A_26 = arith.constant 640 : i32
      %mul3A_27 = arith.muli %arg1, %mul3A_26 : i32
      %mul3A_28 = arith.constant 80 : i32
      %mul3A_29 = arith.muli %scan3A_25, %mul3A_28 : i32
      %add3A_30 = arith.addi %mul3A_27, %mul3A_29 : i32
      "tpu.region"() ({
        %run_scoped3A = tpu.sem_alloc : memref<!tpu.dma_semaphore, #tpu.memory_space<semaphore_mem>>
        %dma_start3A = arith.constant 0 : i32
        %dma_start3A_31 = tpu.memref_slice %arg7[%add3A_30, %dma_start3A] : memref<10240x128xf32, #tpu.memory_space<vmem_shared>> -> memref<80x128xf32, #tpu.memory_space<vmem_shared>>
        %dma_start3A_32 = arith.constant 0 : i32
        %dma_start3A_33 = tpu.memref_slice %arg7[%add3A_30, %dma_start3A_32] : memref<10240x128xf32, #tpu.memory_space<vmem_shared>> -> memref<80x128xf32, #tpu.memory_space<vmem_shared>>
        tpu.enqueue_dma source(%arg6 : memref<80x128xf32, #tpu.memory_space<vmem>>) target(%dma_start3A_33 : memref<80x128xf32, #tpu.memory_space<vmem_shared>>) target_semaphore(%run_scoped3A : memref<!tpu.dma_semaphore, #tpu.memory_space<semaphore_mem>>)
        %dma_wait3A = arith.constant 0 : i32
        %dma_wait3A_34 = tpu.memref_slice %arg7[%add3A_30, %dma_wait3A] : memref<10240x128xf32, #tpu.memory_space<vmem_shared>> -> memref<80x128xf32, #tpu.memory_space<vmem_shared>>
        %dma_wait3A_35 = arith.constant 0 : i32
        %dma_wait3A_36 = tpu.memref_slice %arg7[%add3A_30, %dma_wait3A_35] : memref<10240x128xf32, #tpu.memory_space<vmem_shared>> -> memref<80x128xf32, #tpu.memory_space<vmem_shared>>
        tpu.wait_dma2 semaphore(%run_scoped3A : memref<!tpu.dma_semaphore, #tpu.memory_space<semaphore_mem>>) src(%arg6 : memref<80x128xf32, #tpu.memory_space<vmem>>) dst(%dma_wait3A_36 : memref<80x128xf32, #tpu.memory_space<vmem_shared>>)
        tpu.yield
      }) : () -> ()
    }
    %scan3A_13 = arith.constant 8 : i32
    %barrier3A = arith.constant 0 : index
    tpu.barrier barrier_id(%barrier3A)
    %scan3A_14 = arith.constant 0 : i32
    %scan3A_15 = arith.constant 0 : i32
    %scan3A_16 = arith.constant 125 : i32
    %scan3A_17 = arith.addi %scan3A_15, %scan3A_16 : i32
    %scan3A_18 = arith.constant 1 : i32
    scf.for %scan3A_25 = %scan3A_15 to %scan3A_17 step %scan3A_18  : i32 {
      %mul3A_26 = arith.constant 80 : i32
      %mul3A_27 = arith.muli %scan3A_25, %mul3A_26 : i32
      %add3A_28 = arith.addi %mul3A_2, %mul3A_27 : i32
      "tpu.region"() ({
        %run_scoped3A = tpu.sem_alloc : memref<!tpu.dma_semaphore, #tpu.memory_space<semaphore_mem>>
        %dma_start3A = arith.constant 0 : i32
        %dma_start3A_29 = tpu.memref_slice %arg2[%add3A_28, %dma_start3A] : memref<320000x128xf32, #tpu.memory_space<hbm>> -> memref<80x128xf32, #tpu.memory_space<hbm>>
        %dma_start3A_30 = arith.constant 0 : i32
        %dma_start3A_31 = tpu.memref_slice %arg2[%add3A_28, %dma_start3A_30] : memref<320000x128xf32, #tpu.memory_space<hbm>> -> memref<80x128xf32, #tpu.memory_space<hbm>>
        tpu.enqueue_dma source(%dma_start3A_31 : memref<80x128xf32, #tpu.memory_space<hbm>>) target(%arg6 : memref<80x128xf32, #tpu.memory_space<vmem>>) target_semaphore(%run_scoped3A : memref<!tpu.dma_semaphore, #tpu.memory_space<semaphore_mem>>)
        %dma_wait3A = arith.constant 0 : i32
        %dma_wait3A_32 = tpu.memref_slice %arg2[%add3A_28, %dma_wait3A] : memref<320000x128xf32, #tpu.memory_space<hbm>> -> memref<80x128xf32, #tpu.memory_space<hbm>>
        %dma_wait3A_33 = arith.constant 0 : i32
        %dma_wait3A_34 = tpu.memref_slice %arg2[%add3A_28, %dma_wait3A_33] : memref<320000x128xf32, #tpu.memory_space<hbm>> -> memref<80x128xf32, #tpu.memory_space<hbm>>
        tpu.wait_dma2 semaphore(%run_scoped3A : memref<!tpu.dma_semaphore, #tpu.memory_space<semaphore_mem>>) src(%dma_wait3A_34 : memref<80x128xf32, #tpu.memory_space<hbm>>) dst(%arg6 : memref<80x128xf32, #tpu.memory_space<vmem>>)
        tpu.yield
      }) : () -> ()
      "tpu.region"() ({
        %run_scoped3A = tpu.sem_alloc : memref<!tpu.dma_semaphore, #tpu.memory_space<semaphore_mem>>
        %dma_start3A = arith.constant 0 : i32
        %dma_start3A_29 = tpu.memref_slice %arg5[%scan3A_25, %dma_start3A] : memref<125x80xi32, #tpu.memory_space<vmem>> -> memref<1x80xi32, #tpu.memory_space<vmem>>
        %dma_start3A_30 = tpu.memref_squeeze %dma_start3A_29 : memref<1x80xi32, #tpu.memory_space<vmem>> -> memref<80xi32, #tpu.memory_space<vmem>>
        %dma_start3A_31 = arith.constant 0 : i32
        %dma_start3A_32 = arith.constant 0 : i32
        %dma_start3A_33 = tpu.memref_slice %arg7[%dma_start3A_31, %dma_start3A_32] : memref<10240x128xf32, #tpu.memory_space<vmem_shared>> -> memref<10240x128xf32, #tpu.memory_space<vmem_shared>>
        tpu.enqueue_indirect_dma source(%arg6 : memref<80x128xf32, #tpu.memory_space<vmem>>) target(%dma_start3A_33 : memref<10240x128xf32, #tpu.memory_space<vmem_shared>>) offsets(%dma_start3A_30 : memref<80xi32, #tpu.memory_space<vmem>>) semaphore(%run_scoped3A : memref<!tpu.dma_semaphore, #tpu.memory_space<semaphore_mem>>) {add = true}
        %dma_wait3A = arith.constant 0 : i32
        %dma_wait3A_34 = tpu.memref_slice %arg5[%scan3A_25, %dma_wait3A] : memref<125x80xi32, #tpu.memory_space<vmem>> -> memref<1x80xi32, #tpu.memory_space<vmem>>
        %dma_wait3A_35 = tpu.memref_squeeze %dma_wait3A_34 : memref<1x80xi32, #tpu.memory_space<vmem>> -> memref<80xi32, #tpu.memory_space<vmem>>
        %dma_wait3A_36 = arith.constant 0 : i32
        %dma_wait3A_37 = arith.constant 0 : i32
        %dma_wait3A_38 = tpu.memref_slice %arg7[%dma_wait3A_36, %dma_wait3A_37] : memref<10240x128xf32, #tpu.memory_space<vmem_shared>> -> memref<10240x128xf32, #tpu.memory_space<vmem_shared>>
        tpu.wait_indirect_dma semaphore(%run_scoped3A : memref<!tpu.dma_semaphore, #tpu.memory_space<semaphore_mem>>) src(%arg6 : memref<80x128xf32, #tpu.memory_space<vmem>>) dst(%dma_wait3A_38 : memref<10240x128xf32, #tpu.memory_space<vmem_shared>>)
        tpu.yield
      }) : () -> ()
    }
    %scan3A_19 = arith.constant 125 : i32
    %barrier3A_20 = arith.constant 0 : index
    tpu.barrier barrier_id(%barrier3A_20)
    %mul3A_21 = arith.constant 640 : i32
    %mul3A_22 = arith.muli %arg1, %mul3A_21 : i32
    %mul3A_23 = arith.constant 640 : i32
    %mul3A_24 = arith.muli %arg1, %mul3A_23 : i32
    "tpu.region"() ({
      %run_scoped3A = tpu.sem_alloc : memref<!tpu.dma_semaphore, #tpu.memory_space<semaphore_mem>>
      %dma_start3A = arith.constant 0 : i32
      %dma_start3A_25 = tpu.memref_slice %arg4[%arg0, %mul3A_24, %dma_start3A] : memref<2x10240x128xf32, #tpu.memory_space<hbm>> -> memref<1x640x128xf32, #tpu.memory_space<hbm>>
      %dma_start3A_26 = tpu.memref_squeeze %dma_start3A_25 : memref<1x640x128xf32, #tpu.memory_space<hbm>> -> memref<640x128xf32, #tpu.memory_space<hbm>>
      %dma_start3A_27 = arith.constant 0 : i32
      %dma_start3A_28 = tpu.memref_slice %arg7[%mul3A_22, %dma_start3A_27] : memref<10240x128xf32, #tpu.memory_space<vmem_shared>> -> memref<640x128xf32, #tpu.memory_space<vmem_shared>>
      tpu.enqueue_dma source(%dma_start3A_28 : memref<640x128xf32, #tpu.memory_space<vmem_shared>>) target(%dma_start3A_26 : memref<640x128xf32, #tpu.memory_space<hbm>>) target_semaphore(%run_scoped3A : memref<!tpu.dma_semaphore, #tpu.memory_space<semaphore_mem>>)
      %dma_wait3A = arith.constant 0 : i32
      %dma_wait3A_29 = tpu.memref_slice %arg4[%arg0, %mul3A_24, %dma_wait3A] : memref<2x10240x128xf32, #tpu.memory_space<hbm>> -> memref<1x640x128xf32, #tpu.memory_space<hbm>>
      %dma_wait3A_30 = tpu.memref_squeeze %dma_wait3A_29 : memref<1x640x128xf32, #tpu.memory_space<hbm>> -> memref<640x128xf32, #tpu.memory_space<hbm>>
      %dma_wait3A_31 = arith.constant 0 : i32
      %dma_wait3A_32 = tpu.memref_slice %arg7[%mul3A_22, %dma_wait3A_31] : memref<10240x128xf32, #tpu.memory_space<vmem_shared>> -> memref<640x128xf32, #tpu.memory_space<vmem_shared>>
      tpu.wait_dma2 semaphore(%run_scoped3A : memref<!tpu.dma_semaphore, #tpu.memory_space<semaphore_mem>>) src(%dma_wait3A_32 : memref<640x128xf32, #tpu.memory_space<vmem_shared>>) dst(%dma_wait3A_30 : memref<640x128xf32, #tpu.memory_space<hbm>>)
      tpu.yield
    }) : () -> ()
    return
  }
}

#map = affine_map<(d0, d1) -> (0, 0)>
#map1 = affine_map<(d0, d1) -> (0, 0, 0)>
module attributes {stable_mosaic.version = 14 : i64} {
  func.func @_sc_scatter_body(%arg0: i32, %arg1: i32, %arg2: memref<320000x128xf32, #tpu.memory_space<hbm>>, %arg3: memref<32x125x80xi32, #tpu.memory_space<hbm>>, %arg4: memref<2x10240x128xf32, #tpu.memory_space<hbm>>, %arg5: memref<125x80xi32, #tpu.memory_space<vmem>>, %arg6: memref<80x128xf32, #tpu.memory_space<vmem>>, %arg7: memref<10240x128xf32, #tpu.memory_space<vmem_shared>>) attributes {dimension_semantics = [#tpu.dimension_semantics<core_parallel>, #tpu.dimension_semantics<subcore_parallel>], iteration_bounds = array<i64: 2, 16>, scalar_prefetch = 0 : i64, scratch_operands = 3 : i64, tpu.core_type = #tpu.core_type<sc_vector_subcore>, window_params = [{transform_indices = #map}, {transform_indices = #map1}, {transform_indices = #map1}]} {
    %mul3A = arith.constant 2 : i32
    %mul3A_0 = arith.muli %arg1, %mul3A : i32
    %add3A = arith.addi %mul3A_0, %arg0 : i32
    %mul3A_1 = arith.constant 10000 : i32
    %mul3A_2 = arith.muli %add3A, %mul3A_1 : i32
    "tpu.region"() ({
      %run_scoped3A = tpu.sem_alloc : memref<!tpu.dma_semaphore, #tpu.memory_space<semaphore_mem>>
      %dma_start3A = arith.constant 0 : i32
      %dma_start3A_25 = arith.constant 0 : i32
      %dma_start3A_26 = tpu.memref_slice %arg3[%add3A, %dma_start3A, %dma_start3A_25] : memref<32x125x80xi32, #tpu.memory_space<hbm>> -> memref<1x125x80xi32, #tpu.memory_space<hbm>>
      %dma_start3A_27 = tpu.memref_squeeze %dma_start3A_26 : memref<1x125x80xi32, #tpu.memory_space<hbm>> -> memref<125x80xi32, #tpu.memory_space<hbm>>
      %dma_start3A_28 = arith.constant 0 : i32
      %dma_start3A_29 = arith.constant 0 : i32
      %dma_start3A_30 = tpu.memref_slice %arg3[%add3A, %dma_start3A_28, %dma_start3A_29] : memref<32x125x80xi32, #tpu.memory_space<hbm>> -> memref<1x125x80xi32, #tpu.memory_space<hbm>>
      %dma_start3A_31 = tpu.memref_squeeze %dma_start3A_30 : memref<1x125x80xi32, #tpu.memory_space<hbm>> -> memref<125x80xi32, #tpu.memory_space<hbm>>
      tpu.enqueue_dma source(%dma_start3A_31 : memref<125x80xi32, #tpu.memory_space<hbm>>) target(%arg5 : memref<125x80xi32, #tpu.memory_space<vmem>>) target_semaphore(%run_scoped3A : memref<!tpu.dma_semaphore, #tpu.memory_space<semaphore_mem>>)
      %dma_wait3A = arith.constant 0 : i32
      %dma_wait3A_32 = arith.constant 0 : i32
      %dma_wait3A_33 = tpu.memref_slice %arg3[%add3A, %dma_wait3A, %dma_wait3A_32] : memref<32x125x80xi32, #tpu.memory_space<hbm>> -> memref<1x125x80xi32, #tpu.memory_space<hbm>>
      %dma_wait3A_34 = tpu.memref_squeeze %dma_wait3A_33 : memref<1x125x80xi32, #tpu.memory_space<hbm>> -> memref<125x80xi32, #tpu.memory_space<hbm>>
      %dma_wait3A_35 = arith.constant 0 : i32
      %dma_wait3A_36 = arith.constant 0 : i32
      %dma_wait3A_37 = tpu.memref_slice %arg3[%add3A, %dma_wait3A_35, %dma_wait3A_36] : memref<32x125x80xi32, #tpu.memory_space<hbm>> -> memref<1x125x80xi32, #tpu.memory_space<hbm>>
      %dma_wait3A_38 = tpu.memref_squeeze %dma_wait3A_37 : memref<1x125x80xi32, #tpu.memory_space<hbm>> -> memref<125x80xi32, #tpu.memory_space<hbm>>
      tpu.wait_dma2 semaphore(%run_scoped3A : memref<!tpu.dma_semaphore, #tpu.memory_space<semaphore_mem>>) src(%dma_wait3A_38 : memref<125x80xi32, #tpu.memory_space<hbm>>) dst(%arg5 : memref<125x80xi32, #tpu.memory_space<vmem>>)
      tpu.yield
    }) : () -> ()
    %scan3A = arith.constant 0 : i32
    %scan3A_3 = arith.constant 0 : i32
    %scan3A_4 = arith.constant 80 : i32
    %scan3A_5 = arith.addi %scan3A_3, %scan3A_4 : i32
    %scan3A_6 = arith.constant 1 : i32
    scf.for %scan3A_25 = %scan3A_3 to %scan3A_5 step %scan3A_6  : i32 {
      %broadcast_in_dim3A = arith.constant 0.000000e+00 : f32
      %broadcast_in_dim3A_26 = vector.broadcast %broadcast_in_dim3A : f32 to vector<16xf32>
      %swap3A = arith.index_cast %scan3A_25 : i32 to index
      %swap3A_27 = arith.constant 0 : index
      %swap3A_28 = tpu.vector_load %arg6[%swap3A, %swap3A_27] {strides = array<i32>} : memref<80x128xf32, #tpu.memory_space<vmem>>, vector<1x16xf32>,
      %swap3A_29 = vector.shape_cast %swap3A_28 : vector<1x16xf32> to vector<16xf32>
      %swap3A_30 = vector.shape_cast %broadcast_in_dim3A_26 : vector<16xf32> to vector<1x16xf32>
      tpu.vector_store %arg6[%swap3A, %swap3A_27], %swap3A_30 {strides = array<i32>} : memref<80x128xf32, #tpu.memory_space<vmem>>, vector<1x16xf32>,
      %broadcast_in_dim3A_31 = arith.constant 0.000000e+00 : f32
      %broadcast_in_dim3A_32 = vector.broadcast %broadcast_in_dim3A_31 : f32 to vector<16xf32>
      %swap3A_33 = arith.index_cast %scan3A_25 : i32 to index
      %swap3A_34 = arith.constant 16 : index
      %swap3A_35 = tpu.vector_load %arg6[%swap3A_33, %swap3A_34] {strides = array<i32>} : memref<80x128xf32, #tpu.memory_space<vmem>>, vector<1x16xf32>,
      %swap3A_36 = vector.shape_cast %swap3A_35 : vector<1x16xf32> to vector<16xf32>
      %swap3A_37 = vector.shape_cast %broadcast_in_dim3A_32 : vector<16xf32> to vector<1x16xf32>
      tpu.vector_store %arg6[%swap3A_33, %swap3A_34], %swap3A_37 {strides = array<i32>} : memref<80x128xf32, #tpu.memory_space<vmem>>, vector<1x16xf32>,
      %broadcast_in_dim3A_38 = arith.constant 0.000000e+00 : f32
      %broadcast_in_dim3A_39 = vector.broadcast %broadcast_in_dim3A_38 : f32 to vector<16xf32>
      %swap3A_40 = arith.index_cast %scan3A_25 : i32 to index
      %swap3A_41 = arith.constant 32 : index
      %swap3A_42 = tpu.vector_load %arg6[%swap3A_40, %swap3A_41] {strides = array<i32>} : memref<80x128xf32, #tpu.memory_space<vmem>>, vector<1x16xf32>,
      %swap3A_43 = vector.shape_cast %swap3A_42 : vector<1x16xf32> to vector<16xf32>
      %swap3A_44 = vector.shape_cast %broadcast_in_dim3A_39 : vector<16xf32> to vector<1x16xf32>
      tpu.vector_store %arg6[%swap3A_40, %swap3A_41], %swap3A_44 {strides = array<i32>} : memref<80x128xf32, #tpu.memory_space<vmem>>, vector<1x16xf32>,
      %broadcast_in_dim3A_45 = arith.constant 0.000000e+00 : f32
      %broadcast_in_dim3A_46 = vector.broadcast %broadcast_in_dim3A_45 : f32 to vector<16xf32>
      %swap3A_47 = arith.index_cast %scan3A_25 : i32 to index
      %swap3A_48 = arith.constant 48 : index
      %swap3A_49 = tpu.vector_load %arg6[%swap3A_47, %swap3A_48] {strides = array<i32>} : memref<80x128xf32, #tpu.memory_space<vmem>>, vector<1x16xf32>,
      %swap3A_50 = vector.shape_cast %swap3A_49 : vector<1x16xf32> to vector<16xf32>
      %swap3A_51 = vector.shape_cast %broadcast_in_dim3A_46 : vector<16xf32> to vector<1x16xf32>
      tpu.vector_store %arg6[%swap3A_47, %swap3A_48], %swap3A_51 {strides = array<i32>} : memref<80x128xf32, #tpu.memory_space<vmem>>, vector<1x16xf32>,
      %broadcast_in_dim3A_52 = arith.constant 0.000000e+00 : f32
      %broadcast_in_dim3A_53 = vector.broadcast %broadcast_in_dim3A_52 : f32 to vector<16xf32>
      %swap3A_54 = arith.index_cast %scan3A_25 : i32 to index
      %swap3A_55 = arith.constant 64 : index
      %swap3A_56 = tpu.vector_load %arg6[%swap3A_54, %swap3A_55] {strides = array<i32>} : memref<80x128xf32, #tpu.memory_space<vmem>>, vector<1x16xf32>,
      %swap3A_57 = vector.shape_cast %swap3A_56 : vector<1x16xf32> to vector<16xf32>
      %swap3A_58 = vector.shape_cast %broadcast_in_dim3A_53 : vector<16xf32> to vector<1x16xf32>
      tpu.vector_store %arg6[%swap3A_54, %swap3A_55], %swap3A_58 {strides = array<i32>} : memref<80x128xf32, #tpu.memory_space<vmem>>, vector<1x16xf32>,
      %broadcast_in_dim3A_59 = arith.constant 0.000000e+00 : f32
      %broadcast_in_dim3A_60 = vector.broadcast %broadcast_in_dim3A_59 : f32 to vector<16xf32>
      %swap3A_61 = arith.index_cast %scan3A_25 : i32 to index
      %swap3A_62 = arith.constant 80 : index
      %swap3A_63 = tpu.vector_load %arg6[%swap3A_61, %swap3A_62] {strides = array<i32>} : memref<80x128xf32, #tpu.memory_space<vmem>>, vector<1x16xf32>,
      %swap3A_64 = vector.shape_cast %swap3A_63 : vector<1x16xf32> to vector<16xf32>
      %swap3A_65 = vector.shape_cast %broadcast_in_dim3A_60 : vector<16xf32> to vector<1x16xf32>
      tpu.vector_store %arg6[%swap3A_61, %swap3A_62], %swap3A_65 {strides = array<i32>} : memref<80x128xf32, #tpu.memory_space<vmem>>, vector<1x16xf32>,
      %broadcast_in_dim3A_66 = arith.constant 0.000000e+00 : f32
      %broadcast_in_dim3A_67 = vector.broadcast %broadcast_in_dim3A_66 : f32 to vector<16xf32>
      %swap3A_68 = arith.index_cast %scan3A_25 : i32 to index
      %swap3A_69 = arith.constant 96 : index
      %swap3A_70 = tpu.vector_load %arg6[%swap3A_68, %swap3A_69] {strides = array<i32>} : memref<80x128xf32, #tpu.memory_space<vmem>>, vector<1x16xf32>,
      %swap3A_71 = vector.shape_cast %swap3A_70 : vector<1x16xf32> to vector<16xf32>
      %swap3A_72 = vector.shape_cast %broadcast_in_dim3A_67 : vector<16xf32> to vector<1x16xf32>
      tpu.vector_store %arg6[%swap3A_68, %swap3A_69], %swap3A_72 {strides = array<i32>} : memref<80x128xf32, #tpu.memory_space<vmem>>, vector<1x16xf32>,
      %broadcast_in_dim3A_73 = arith.constant 0.000000e+00 : f32
      %broadcast_in_dim3A_74 = vector.broadcast %broadcast_in_dim3A_73 : f32 to vector<16xf32>
      %swap3A_75 = arith.index_cast %scan3A_25 : i32 to index
      %swap3A_76 = arith.constant 112 : index
      %swap3A_77 = tpu.vector_load %arg6[%swap3A_75, %swap3A_76] {strides = array<i32>} : memref<80x128xf32, #tpu.memory_space<vmem>>, vector<1x16xf32>,
      %swap3A_78 = vector.shape_cast %swap3A_77 : vector<1x16xf32> to vector<16xf32>
      %swap3A_79 = vector.shape_cast %broadcast_in_dim3A_74 : vector<16xf32> to vector<1x16xf32>
      tpu.vector_store %arg6[%swap3A_75, %swap3A_76], %swap3A_79 {strides = array<i32>} : memref<80x128xf32, #tpu.memory_space<vmem>>, vector<1x16xf32>,
    }
    %scan3A_7 = arith.constant 80 : i32
    %scan3A_8 = arith.constant 0 : i32
    %scan3A_9 = arith.constant 0 : i32
    %scan3A_10 = arith.constant 8 : i32
    %scan3A_11 = arith.addi %scan3A_9, %scan3A_10 : i32
    %scan3A_12 = arith.constant 1 : i32
    scf.for %scan3A_25 = %scan3A_9 to %scan3A_11 step %scan3A_12  : i32 {
      %mul3A_26 = arith.constant 640 : i32
      %mul3A_27 = arith.muli %arg1, %mul3A_26 : i32
      %mul3A_28 = arith.constant 80 : i32
      %mul3A_29 = arith.muli %scan3A_25, %mul3A_28 : i32
      %add3A_30 = arith.addi %mul3A_27, %mul3A_29 : i32
      "tpu.region"() ({
        %run_scoped3A = tpu.sem_alloc : memref<!tpu.dma_semaphore, #tpu.memory_space<semaphore_mem>>
        %dma_start3A = arith.constant 0 : i32
        %dma_start3A_31 = tpu.memref_slice %arg7[%add3A_30, %dma_start3A] : memref<10240x128xf32, #tpu.memory_space<vmem_shared>> -> memref<80x128xf32, #tpu.memory_space<vmem_shared>>
        %dma_start3A_32 = arith.constant 0 : i32
        %dma_start3A_33 = tpu.memref_slice %arg7[%add3A_30, %dma_start3A_32] : memref<10240x128xf32, #tpu.memory_space<vmem_shared>> -> memref<80x128xf32, #tpu.memory_space<vmem_shared>>
        tpu.enqueue_dma source(%arg6 : memref<80x128xf32, #tpu.memory_space<vmem>>) target(%dma_start3A_33 : memref<80x128xf32, #tpu.memory_space<vmem_shared>>) target_semaphore(%run_scoped3A : memref<!tpu.dma_semaphore, #tpu.memory_space<semaphore_mem>>)
        %dma_wait3A = arith.constant 0 : i32
        %dma_wait3A_34 = tpu.memref_slice %arg7[%add3A_30, %dma_wait3A] : memref<10240x128xf32, #tpu.memory_space<vmem_shared>> -> memref<80x128xf32, #tpu.memory_space<vmem_shared>>
        %dma_wait3A_35 = arith.constant 0 : i32
        %dma_wait3A_36 = tpu.memref_slice %arg7[%add3A_30, %dma_wait3A_35] : memref<10240x128xf32, #tpu.memory_space<vmem_shared>> -> memref<80x128xf32, #tpu.memory_space<vmem_shared>>
        tpu.wait_dma2 semaphore(%run_scoped3A : memref<!tpu.dma_semaphore, #tpu.memory_space<semaphore_mem>>) src(%arg6 : memref<80x128xf32, #tpu.memory_space<vmem>>) dst(%dma_wait3A_36 : memref<80x128xf32, #tpu.memory_space<vmem_shared>>)
        tpu.yield
      }) : () -> ()
    }
    %scan3A_13 = arith.constant 8 : i32
    %barrier3A = arith.constant 0 : index
    tpu.barrier barrier_id(%barrier3A)
    %scan3A_14 = arith.constant 0 : i32
    %scan3A_15 = arith.constant 0 : i32
    %scan3A_16 = arith.constant 125 : i32
    %scan3A_17 = arith.addi %scan3A_15, %scan3A_16 : i32
    %scan3A_18 = arith.constant 1 : i32
    scf.for %scan3A_25 = %scan3A_15 to %scan3A_17 step %scan3A_18  : i32 {
      %mul3A_26 = arith.constant 80 : i32
      %mul3A_27 = arith.muli %scan3A_25, %mul3A_26 : i32
      %add3A_28 = arith.addi %mul3A_2, %mul3A_27 : i32
      "tpu.region"() ({
        %run_scoped3A = tpu.sem_alloc : memref<!tpu.dma_semaphore, #tpu.memory_space<semaphore_mem>>
        %dma_start3A = arith.constant 0 : i32
        %dma_start3A_29 = tpu.memref_slice %arg2[%add3A_28, %dma_start3A] : memref<320000x128xf32, #tpu.memory_space<hbm>> -> memref<80x128xf32, #tpu.memory_space<hbm>>
        %dma_start3A_30 = arith.constant 0 : i32
        %dma_start3A_31 = tpu.memref_slice %arg2[%add3A_28, %dma_start3A_30] : memref<320000x128xf32, #tpu.memory_space<hbm>> -> memref<80x128xf32, #tpu.memory_space<hbm>>
        tpu.enqueue_dma source(%dma_start3A_31 : memref<80x128xf32, #tpu.memory_space<hbm>>) target(%arg6 : memref<80x128xf32, #tpu.memory_space<vmem>>) target_semaphore(%run_scoped3A : memref<!tpu.dma_semaphore, #tpu.memory_space<semaphore_mem>>)
        %dma_wait3A = arith.constant 0 : i32
        %dma_wait3A_32 = tpu.memref_slice %arg2[%add3A_28, %dma_wait3A] : memref<320000x128xf32, #tpu.memory_space<hbm>> -> memref<80x128xf32, #tpu.memory_space<hbm>>
        %dma_wait3A_33 = arith.constant 0 : i32
        %dma_wait3A_34 = tpu.memref_slice %arg2[%add3A_28, %dma_wait3A_33] : memref<320000x128xf32, #tpu.memory_space<hbm>> -> memref<80x128xf32, #tpu.memory_space<hbm>>
        tpu.wait_dma2 semaphore(%run_scoped3A : memref<!tpu.dma_semaphore, #tpu.memory_space<semaphore_mem>>) src(%dma_wait3A_34 : memref<80x128xf32, #tpu.memory_space<hbm>>) dst(%arg6 : memref<80x128xf32, #tpu.memory_space<vmem>>)
        tpu.yield
      }) : () -> ()
      "tpu.region"() ({
        %run_scoped3A = tpu.sem_alloc : memref<!tpu.dma_semaphore, #tpu.memory_space<semaphore_mem>>
        %dma_start3A = arith.constant 0 : i32
        %dma_start3A_29 = tpu.memref_slice %arg5[%scan3A_25, %dma_start3A] : memref<125x80xi32, #tpu.memory_space<vmem>> -> memref<1x80xi32, #tpu.memory_space<vmem>>
        %dma_start3A_30 = tpu.memref_squeeze %dma_start3A_29 : memref<1x80xi32, #tpu.memory_space<vmem>> -> memref<80xi32, #tpu.memory_space<vmem>>
        %dma_start3A_31 = arith.constant 0 : i32
        %dma_start3A_32 = arith.constant 0 : i32
        %dma_start3A_33 = tpu.memref_slice %arg7[%dma_start3A_31, %dma_start3A_32] : memref<10240x128xf32, #tpu.memory_space<vmem_shared>> -> memref<10240x128xf32, #tpu.memory_space<vmem_shared>>
        tpu.enqueue_indirect_dma source(%arg6 : memref<80x128xf32, #tpu.memory_space<vmem>>) target(%dma_start3A_33 : memref<10240x128xf32, #tpu.memory_space<vmem_shared>>) offsets(%dma_start3A_30 : memref<80xi32, #tpu.memory_space<vmem>>) semaphore(%run_scoped3A : memref<!tpu.dma_semaphore, #tpu.memory_space<semaphore_mem>>) {add = true}
        %dma_wait3A = arith.constant 0 : i32
        %dma_wait3A_34 = tpu.memref_slice %arg5[%scan3A_25, %dma_wait3A] : memref<125x80xi32, #tpu.memory_space<vmem>> -> memref<1x80xi32, #tpu.memory_space<vmem>>
        %dma_wait3A_35 = tpu.memref_squeeze %dma_wait3A_34 : memref<1x80xi32, #tpu.memory_space<vmem>> -> memref<80xi32, #tpu.memory_space<vmem>>
        %dma_wait3A_36 = arith.constant 0 : i32
        %dma_wait3A_37 = arith.constant 0 : i32
        %dma_wait3A_38 = tpu.memref_slice %arg7[%dma_wait3A_36, %dma_wait3A_37] : memref<10240x128xf32, #tpu.memory_space<vmem_shared>> -> memref<10240x128xf32, #tpu.memory_space<vmem_shared>>
        tpu.wait_indirect_dma semaphore(%run_scoped3A : memref<!tpu.dma_semaphore, #tpu.memory_space<semaphore_mem>>) src(%arg6 : memref<80x128xf32, #tpu.memory_space<vmem>>) dst(%dma_wait3A_38 : memref<10240x128xf32, #tpu.memory_space<vmem_shared>>)
        tpu.yield
      }) : () -> ()
    }
    %scan3A_19 = arith.constant 125 : i32
    %barrier3A_20 = arith.constant 0 : index
    tpu.barrier barrier_id(%barrier3A_20)
    %mul3A_21 = arith.constant 640 : i32
    %mul3A_22 = arith.muli %arg1, %mul3A_21 : i32
    %mul3A_23 = arith.constant 640 : i32
    %mul3A_24 = arith.muli %arg1, %mul3A_23 : i32
    "tpu.region"() ({
      %run_scoped3A = tpu.sem_alloc : memref<!tpu.dma_semaphore, #tpu.memory_space<semaphore_mem>>
      %dma_start3A = arith.constant 0 : i32
      %dma_start3A_25 = tpu.memref_slice %arg4[%arg0, %mul3A_24, %dma_start3A] : memref<2x10240x128xf32, #tpu.memory_space<hbm>> -> memref<1x640x128xf32, #tpu.memory_space<hbm>>
      %dma_start3A_26 = tpu.memref_squeeze %dma_start3A_25 : memref<1x640x128xf32, #tpu.memory_space<hbm>> -> memref<640x128xf32, #tpu.memory_space<hbm>>
      %dma_start3A_27 = arith.constant 0 : i32
      %dma_start3A_28 = tpu.memref_slice %arg7[%mul3A_22, %dma_start3A_27] : memref<10240x128xf32, #tpu.memory_space<vmem_shared>> -> memref<640x128xf32, #tpu.memory_space<vmem_shared>>
      tpu.enqueue_dma source(%dma_start3A_28 : memref<640x128xf32, #tpu.memory_space<vmem_shared>>) target(%dma_start3A_26 : memref<640x128xf32, #tpu.memory_space<hbm>>) target_semaphore(%run_scoped3A : memref<!tpu.dma_semaphore, #tpu.memory_space<semaphore_mem>>)
      %dma_wait3A = arith.constant 0 : i32
      %dma_wait3A_29 = tpu.memref_slice %arg4[%arg0, %mul3A_24, %dma_wait3A] : memref<2x10240x128xf32, #tpu.memory_space<hbm>> -> memref<1x640x128xf32, #tpu.memory_space<hbm>>
      %dma_wait3A_30 = tpu.memref_squeeze %dma_wait3A_29 : memref<1x640x128xf32, #tpu.memory_space<hbm>> -> memref<640x128xf32, #tpu.memory_space<hbm>>
      %dma_wait3A_31 = arith.constant 0 : i32
      %dma_wait3A_32 = tpu.memref_slice %arg7[%mul3A_22, %dma_wait3A_31] : memref<10240x128xf32, #tpu.memory_space<vmem_shared>> -> memref<640x128xf32, #tpu.memory_space<vmem_shared>>
      tpu.wait_dma2 semaphore(%run_scoped3A : memref<!tpu.dma_semaphore, #tpu.memory_space<semaphore_mem>>) src(%dma_wait3A_32 : memref<640x128xf32, #tpu.memory_space<vmem_shared>>) dst(%dma_wait3A_30 : memref<640x128xf32, #tpu.memory_space<hbm>>)
      tpu.yield
    }) : () -> ()
    return
  }
}

module attributes {stable_mosaic.version = 14 : i64} {
  func.func @_enc_body(%arg0: i32, %arg1: memref<1000x128xf32, #tpu.memory_space<vmem>>, %arg2: memref<128x128xf32, #tpu.memory_space<vmem>>, %arg3: memref<1x128xf32, #tpu.memory_space<vmem>>, %arg4: memref<1x128xf32, #tpu.memory_space<vmem>>, %arg5: memref<1x128xf32, #tpu.memory_space<vmem>>, %arg6: memref<1000x128xf32, #tpu.memory_space<vmem>>) attributes {dimension_semantics = [#tpu.dimension_semantics<arbitrary>], iteration_bounds = array<i64: 10>, scalar_prefetch = 0 : i64, scratch_operands = 0 : i64, tpu.core_type = #tpu.core_type<tc>, window_params = [{transform_indices = @transform_0, window_bounds = array<i64: 1000, 128>}, {pipeline_mode = #tpu.pipeline_mode<synchronous>, transform_indices = @transform_1, window_bounds = array<i64: 128, 128>}, {pipeline_mode = #tpu.pipeline_mode<synchronous>, transform_indices = @transform_2, window_bounds = array<i64: 1, 128>}, {pipeline_mode = #tpu.pipeline_mode<synchronous>, transform_indices = @transform_3, window_bounds = array<i64: 1, 128>}, {pipeline_mode = #tpu.pipeline_mode<synchronous>, transform_indices = @transform_4, window_bounds = array<i64: 1, 128>}, {transform_indices = @transform_5, window_bounds = array<i64: 1000, 128>}]} {
    %get3A = arith.constant 0 : index
    %get3A_0 = arith.constant 0 : index
    %get3A_1 = vector.load %arg1[%get3A, %get3A_0] : memref<1000x128xf32, #tpu.memory_space<vmem>>, vector<1000x128xf32>
    %get3A_2 = arith.constant 0 : index
    %get3A_3 = arith.constant 0 : index
    %get3A_4 = vector.load %arg2[%get3A_2, %get3A_3] : memref<128x128xf32, #tpu.memory_space<vmem>>, vector<128x128xf32>
    %convert_element_type3A = arith.truncf %get3A_1 : vector<1000x128xf32> to vector<1000x128xbf16>
    %convert_element_type3A_5 = arith.truncf %get3A_4 : vector<128x128xf32> to vector<128x128xbf16>
    %dot_general3A = arith.constant dense<0.000000e+00> : vector<1000x128xf32>
    %dot_general3A_6 = tpu.matmul %convert_element_type3A, %convert_element_type3A_5, %dot_general3A {dimension_numbers = #tpu.dot_dimension_numbers<[1], [0], [0], [1], [0, 0, 1, 1], [], []>, transpose_lhs_hint = false} : vector<1000x128xbf16>, vector<128x128xbf16>, vector<1000x128xf32> -> vector<1000x128xf32>
    %get3A_7 = arith.constant 0 : index
    %get3A_8 = arith.constant 0 : index
    %get3A_9 = vector.load %arg3[%get3A_7, %get3A_8] : memref<1x128xf32, #tpu.memory_space<vmem>>, vector<1x128xf32>
    %add3A = vector.broadcast %get3A_9 : vector<1x128xf32> to vector<1000x128xf32>
    %add3A_10 = arith.addf %dot_general3A_6, %add3A : vector<1000x128xf32>
    %get3A_11 = arith.constant 0 : index
    %get3A_12 = arith.constant 0 : index
    %get3A_13 = vector.load %arg4[%get3A_11, %get3A_12] : memref<1x128xf32, #tpu.memory_space<vmem>>, vector<1x128xf32>
    %get3A_14 = arith.constant 0 : index
    %get3A_15 = arith.constant 0 : index
    %get3A_16 = vector.load %arg5[%get3A_14, %get3A_15] : memref<1x128xf32, #tpu.memory_space<vmem>>, vector<1x128xf32>
    %reduce_sum3A = arith.constant dense<0.000000e+00> : vector<1000xf32>
    %reduce_sum3A_17 = vector.multi_reduction <add>, %add3A_10, %reduce_sum3A [1] : vector<1000x128xf32> to vector<1000xf32>
    %broadcast_in_dim3A = vector.shape_cast %reduce_sum3A_17 : vector<1000xf32> to vector<1000x1xf32>
    %div3A = arith.constant 1.280000e+02 : f32
    %div3A_18 = vector.broadcast %div3A : f32 to vector<1000x1xf32>
    %div3A_19 = arith.divf %broadcast_in_dim3A, %div3A_18 : vector<1000x1xf32>
    %jit3A = arith.constant 0 : i32
    %reduce_sum3A_20 = arith.constant dense<0.000000e+00> : vector<1000xf32>
    %reduce_sum3A_21 = vector.multi_reduction <add>, %add3A_10, %reduce_sum3A_20 [1] : vector<1000x128xf32> to vector<1000xf32>
    %broadcast_in_dim3A_22 = vector.shape_cast %reduce_sum3A_21 : vector<1000xf32> to vector<1000x1xf32>
    %div3A_23 = arith.constant 1.280000e+02 : f32
    %div3A_24 = vector.broadcast %div3A_23 : f32 to vector<1000x1xf32>
    %div3A_25 = arith.divf %broadcast_in_dim3A_22, %div3A_24 : vector<1000x1xf32>
    %sub3A = vector.broadcast %div3A_25 : vector<1000x1xf32> to vector<1000x128xf32>
    %sub3A_26 = arith.subf %add3A_10, %sub3A : vector<1000x128xf32>
    %square3A = arith.mulf %sub3A_26, %sub3A_26 : vector<1000x128xf32>
    %convert_element_type3A_27 = arith.sitofp %jit3A : i32 to f32
    %sub3A_28 = arith.constant 1.280000e+02 : f32
    %sub3A_29 = arith.subf %sub3A_28, %convert_element_type3A_27 : f32
    %reduce_sum3A_30 = arith.constant dense<0.000000e+00> : vector<1000xf32>
    %reduce_sum3A_31 = vector.multi_reduction <add>, %square3A, %reduce_sum3A_30 [1] : vector<1000x128xf32> to vector<1000xf32>
    %broadcast_in_dim3A_32 = vector.shape_cast %reduce_sum3A_31 : vector<1000xf32> to vector<1000x1xf32>
    %div3A_33 = vector.broadcast %sub3A_29 : f32 to vector<1000x1xf32>
    %div3A_34 = arith.divf %broadcast_in_dim3A_32, %div3A_33 : vector<1000x1xf32>
    %gt3A = arith.constant 0.000000e+00 : f32
    %gt3A_35 = arith.cmpf ogt, %sub3A_29, %gt3A : f32
    %jit3A_36 = arith.constant 0x7FC00000 : f32
    %broadcast_in_dim3A_37 = vector.broadcast %jit3A_36 : f32 to vector<1000x1xf32>
    %select_n3A = arith.select %gt3A_35, %div3A_34, %broadcast_in_dim3A_37 : vector<1000x1xf32>
    %sub3A_38 = vector.broadcast %div3A_19 : vector<1000x1xf32> to vector<1000x128xf32>
    %sub3A_39 = arith.subf %add3A_10, %sub3A_38 : vector<1000x128xf32>
    %add3A_40 = arith.constant 9.99999974E-6 : f32
    %add3A_41 = vector.broadcast %add3A_40 : f32 to vector<1000x1xf32>
    %add3A_42 = arith.addf %select_n3A, %add3A_41 : vector<1000x1xf32>
    %sqrt3A = math.sqrt %add3A_42 : vector<1000x1xf32>
    %div3A_43 = vector.broadcast %sqrt3A : vector<1000x1xf32> to vector<1000x128xf32>
    %div3A_44 = arith.divf %sub3A_39, %div3A_43 : vector<1000x128xf32>
    %mul3A = vector.broadcast %get3A_13 : vector<1x128xf32> to vector<1000x128xf32>
    %mul3A_45 = arith.mulf %div3A_44, %mul3A : vector<1000x128xf32>
    %add3A_46 = vector.broadcast %get3A_16 : vector<1x128xf32> to vector<1000x128xf32>
    %add3A_47 = arith.addf %mul3A_45, %add3A_46 : vector<1000x128xf32>
    %swap3A = arith.constant 0 : index
    %swap3A_48 = arith.constant 0 : index
    %swap3A_49 = vector.load %arg6[%swap3A, %swap3A_48] : memref<1000x128xf32, #tpu.memory_space<vmem>>, vector<1000x128xf32>
    tpu.vector_store %arg6[%swap3A, %swap3A_48], %add3A_47 {strides = array<i32>} : memref<1000x128xf32, #tpu.memory_space<vmem>>, vector<1000x128xf32>,
    return
  }
  func.func @transform_0(%arg0: i32) -> (i32, i32) {
    %c0_i32 = arith.constant 0 : i32
    %c0_i32_0 = arith.constant 0 : i32
    return %arg0, %c0_i32 : i32, i32
  }
  func.func @transform_1(%arg0: i32) -> (i32, i32) {
    %c0_i32 = arith.constant 0 : i32
    %c0_i32_0 = arith.constant 0 : i32
    %c0_i32_1 = arith.constant 0 : i32
    return %c0_i32, %c0_i32_0 : i32, i32
  }
  func.func @transform_2(%arg0: i32) -> (i32, i32) {
    %c0_i32 = arith.constant 0 : i32
    %c0_i32_0 = arith.constant 0 : i32
    %c0_i32_1 = arith.constant 0 : i32
    return %c0_i32, %c0_i32_0 : i32, i32
  }
  func.func @transform_3(%arg0: i32) -> (i32, i32) {
    %c0_i32 = arith.constant 0 : i32
    %c0_i32_0 = arith.constant 0 : i32
    %c0_i32_1 = arith.constant 0 : i32
    return %c0_i32, %c0_i32_0 : i32, i32
  }
  func.func @transform_4(%arg0: i32) -> (i32, i32) {
    %c0_i32 = arith.constant 0 : i32
    %c0_i32_0 = arith.constant 0 : i32
    %c0_i32_1 = arith.constant 0 : i32
    return %c0_i32, %c0_i32_0 : i32, i32
  }
  func.func @transform_5(%arg0: i32) -> (i32, i32) {
    %c0_i32 = arith.constant 0 : i32
    %c0_i32_0 = arith.constant 0 : i32
    return %arg0, %c0_i32 : i32, i32
  }
}

module attributes {stable_mosaic.version = 14 : i64} {
  func.func @_proj_body(%arg0: i32, %arg1: memref<1000x128xf32, #tpu.memory_space<vmem>>, %arg2: memref<128x128xf32, #tpu.memory_space<vmem>>, %arg3: memref<128x128xf32, #tpu.memory_space<vmem>>, %arg4: memref<1000x128xf32, #tpu.memory_space<vmem>>, %arg5: memref<1000x128xf32, #tpu.memory_space<vmem>>) attributes {dimension_semantics = [#tpu.dimension_semantics<arbitrary>], iteration_bounds = array<i64: 10>, scalar_prefetch = 0 : i64, scratch_operands = 0 : i64, tpu.core_type = #tpu.core_type<tc>, window_params = [{transform_indices = @transform_0, window_bounds = array<i64: 1000, 128>}, {pipeline_mode = #tpu.pipeline_mode<synchronous>, transform_indices = @transform_1, window_bounds = array<i64: 128, 128>}, {pipeline_mode = #tpu.pipeline_mode<synchronous>, transform_indices = @transform_2, window_bounds = array<i64: 128, 128>}, {transform_indices = @transform_3, window_bounds = array<i64: 1000, 128>}, {transform_indices = @transform_4, window_bounds = array<i64: 1000, 128>}]} {
    %get3A = arith.constant 0 : index
    %get3A_0 = arith.constant 0 : index
    %get3A_1 = vector.load %arg1[%get3A, %get3A_0] : memref<1000x128xf32, #tpu.memory_space<vmem>>, vector<1000x128xf32>
    %get3A_2 = arith.constant 0 : index
    %get3A_3 = arith.constant 0 : index
    %get3A_4 = vector.load %arg2[%get3A_2, %get3A_3] : memref<128x128xf32, #tpu.memory_space<vmem>>, vector<128x128xf32>
    %convert_element_type3A = arith.truncf %get3A_1 : vector<1000x128xf32> to vector<1000x128xbf16>
    %convert_element_type3A_5 = arith.truncf %get3A_4 : vector<128x128xf32> to vector<128x128xbf16>
    %dot_general3A = arith.constant dense<0.000000e+00> : vector<1000x128xf32>
    %dot_general3A_6 = tpu.matmul %convert_element_type3A, %convert_element_type3A_5, %dot_general3A {dimension_numbers = #tpu.dot_dimension_numbers<[1], [0], [0], [1], [0, 0, 1, 1], [], []>, transpose_lhs_hint = false} : vector<1000x128xbf16>, vector<128x128xbf16>, vector<1000x128xf32> -> vector<1000x128xf32>
    %swap3A = arith.constant 0 : index
    %swap3A_7 = arith.constant 0 : index
    %swap3A_8 = vector.load %arg4[%swap3A, %swap3A_7] : memref<1000x128xf32, #tpu.memory_space<vmem>>, vector<1000x128xf32>
    tpu.vector_store %arg4[%swap3A, %swap3A_7], %dot_general3A_6 {strides = array<i32>} : memref<1000x128xf32, #tpu.memory_space<vmem>>, vector<1000x128xf32>,
    %get3A_9 = arith.constant 0 : index
    %get3A_10 = arith.constant 0 : index
    %get3A_11 = vector.load %arg1[%get3A_9, %get3A_10] : memref<1000x128xf32, #tpu.memory_space<vmem>>, vector<1000x128xf32>
    %get3A_12 = arith.constant 0 : index
    %get3A_13 = arith.constant 0 : index
    %get3A_14 = vector.load %arg3[%get3A_12, %get3A_13] : memref<128x128xf32, #tpu.memory_space<vmem>>, vector<128x128xf32>
    %convert_element_type3A_15 = arith.truncf %get3A_11 : vector<1000x128xf32> to vector<1000x128xbf16>
    %convert_element_type3A_16 = arith.truncf %get3A_14 : vector<128x128xf32> to vector<128x128xbf16>
    %dot_general3A_17 = arith.constant dense<0.000000e+00> : vector<1000x128xf32>
    %dot_general3A_18 = tpu.matmul %convert_element_type3A_15, %convert_element_type3A_16, %dot_general3A_17 {dimension_numbers = #tpu.dot_dimension_numbers<[1], [0], [0], [1], [0, 0, 1, 1], [], []>, transpose_lhs_hint = false} : vector<1000x128xbf16>, vector<128x128xbf16>, vector<1000x128xf32> -> vector<1000x128xf32>
    %swap3A_19 = arith.constant 0 : index
    %swap3A_20 = arith.constant 0 : index
    %swap3A_21 = vector.load %arg5[%swap3A_19, %swap3A_20] : memref<1000x128xf32, #tpu.memory_space<vmem>>, vector<1000x128xf32>
    tpu.vector_store %arg5[%swap3A_19, %swap3A_20], %dot_general3A_18 {strides = array<i32>} : memref<1000x128xf32, #tpu.memory_space<vmem>>, vector<1000x128xf32>,
    return
  }
  func.func @transform_0(%arg0: i32) -> (i32, i32) {
    %c0_i32 = arith.constant 0 : i32
    %c0_i32_0 = arith.constant 0 : i32
    return %arg0, %c0_i32 : i32, i32
  }
  func.func @transform_1(%arg0: i32) -> (i32, i32) {
    %c0_i32 = arith.constant 0 : i32
    %c0_i32_0 = arith.constant 0 : i32
    %c0_i32_1 = arith.constant 0 : i32
    return %c0_i32, %c0_i32_0 : i32, i32
  }
  func.func @transform_2(%arg0: i32) -> (i32, i32) {
    %c0_i32 = arith.constant 0 : i32
    %c0_i32_0 = arith.constant 0 : i32
    %c0_i32_1 = arith.constant 0 : i32
    return %c0_i32, %c0_i32_0 : i32, i32
  }
  func.func @transform_3(%arg0: i32) -> (i32, i32) {
    %c0_i32 = arith.constant 0 : i32
    %c0_i32_0 = arith.constant 0 : i32
    return %arg0, %c0_i32 : i32, i32
  }
  func.func @transform_4(%arg0: i32) -> (i32, i32) {
    %c0_i32 = arith.constant 0 : i32
    %c0_i32_0 = arith.constant 0 : i32
    return %arg0, %c0_i32 : i32, i32
  }
}

module attributes {stable_mosaic.version = 14 : i64} {
  func.func @_edge0_body(%arg0: i32, %arg1: memref<512x256xf32, #tpu.memory_space<vmem>>, %arg2: memref<512x256xf32, #tpu.memory_space<vmem>>, %arg3: memref<512x16xf32, #tpu.memory_space<vmem>>, %arg4: memref<1x128xf32, #tpu.memory_space<vmem>>, %arg5: memref<16x128xf32, #tpu.memory_space<vmem>>, %arg6: memref<1x128xf32, #tpu.memory_space<vmem>>, %arg7: memref<128x128xf32, #tpu.memory_space<vmem>>, %arg8: memref<1x128xf32, #tpu.memory_space<vmem>>, %arg9: memref<512x128xf32, #tpu.memory_space<vmem>>, %arg10: memref<512x1xf32, #tpu.memory_space<vmem>>) attributes {dimension_semantics = [#tpu.dimension_semantics<arbitrary>], iteration_bounds = array<i64: 625>, scalar_prefetch = 0 : i64, scratch_operands = 0 : i64, tpu.core_type = #tpu.core_type<tc>, window_params = [{transform_indices = @transform_0, window_bounds = array<i64: 512, 256>}, {transform_indices = @transform_1, window_bounds = array<i64: 512, 256>}, {transform_indices = @transform_2, window_bounds = array<i64: 512, 16>}, {pipeline_mode = #tpu.pipeline_mode<synchronous>, transform_indices = @transform_3, window_bounds = array<i64: 1, 128>}, {pipeline_mode = #tpu.pipeline_mode<synchronous>, transform_indices = @transform_4, window_bounds = array<i64: 16, 128>}, {pipeline_mode = #tpu.pipeline_mode<synchronous>, transform_indices = @transform_5, window_bounds = array<i64: 1, 128>}, {pipeline_mode = #tpu.pipeline_mode<synchronous>, transform_indices = @transform_6, window_bounds = array<i64: 128, 128>}, {pipeline_mode = #tpu.pipeline_mode<synchronous>, transform_indices = @transform_7, window_bounds = array<i64: 1, 128>}, {transform_indices = @transform_8, window_bounds = array<i64: 512, 128>}, {transform_indices = @transform_9, window_bounds = array<i64: 512, 1>}]} {
    %get3A = arith.constant 0 : index
    %get3A_0 = arith.constant 0 : index
    %get3A_1 = vector.load %arg1[%get3A, %get3A_0] : memref<512x256xf32, #tpu.memory_space<vmem>>, vector<512x256xf32>
    %get3A_2 = arith.constant 0 : index
    %get3A_3 = arith.constant 0 : index
    %get3A_4 = vector.load %arg2[%get3A_2, %get3A_3] : memref<512x256xf32, #tpu.memory_space<vmem>>, vector<512x256xf32>
    %slice3A = vector.extract_strided_slice %get3A_1 {offsets = [0, 128], sizes = [512, 128], strides = [1, 1]} : vector<512x256xf32> to vector<512x128xf32>
    %slice3A_5 = vector.extract_strided_slice %get3A_4 {offsets = [0, 128], sizes = [512, 128], strides = [1, 1]} : vector<512x256xf32> to vector<512x128xf32>
    %sub3A = arith.subf %slice3A, %slice3A_5 : vector<512x128xf32>
    %mul3A = arith.mulf %sub3A, %sub3A : vector<512x128xf32>
    %reduce_sum3A = arith.constant dense<0.000000e+00> : vector<512xf32>
    %reduce_sum3A_6 = vector.multi_reduction <add>, %mul3A, %reduce_sum3A [1] : vector<512x128xf32> to vector<512xf32>
    %broadcast_in_dim3A = vector.shape_cast %reduce_sum3A_6 : vector<512xf32> to vector<512x1xf32>
    %slice3A_7 = vector.extract_strided_slice %get3A_1 {offsets = [0, 0], sizes = [512, 128], strides = [1, 1]} : vector<512x256xf32> to vector<512x128xf32>
    %slice3A_8 = vector.extract_strided_slice %get3A_4 {offsets = [0, 0], sizes = [512, 128], strides = [1, 1]} : vector<512x256xf32> to vector<512x128xf32>
    %add3A = arith.addf %slice3A_7, %slice3A_8 : vector<512x128xf32>
    %convert_element_type3A = arith.truncf %broadcast_in_dim3A : vector<512x1xf32> to vector<512x1xbf16>
    %convert_element_type3A_9 = arith.extf %convert_element_type3A : vector<512x1xbf16> to vector<512x1xf32>
    %get3A_10 = arith.constant 0 : index
    %get3A_11 = arith.constant 0 : index
    %get3A_12 = vector.load %arg4[%get3A_10, %get3A_11] : memref<1x128xf32, #tpu.memory_space<vmem>>, vector<1x128xf32>
    %convert_element_type3A_13 = arith.truncf %get3A_12 : vector<1x128xf32> to vector<1x128xbf16>
    %convert_element_type3A_14 = arith.extf %convert_element_type3A_13 : vector<1x128xbf16> to vector<1x128xf32>
    %mul3A_15 = vector.broadcast %convert_element_type3A_9 : vector<512x1xf32> to vector<512x128xf32>
    %mul3A_16 = vector.broadcast %convert_element_type3A_14 : vector<1x128xf32> to vector<512x128xf32>
    %mul3A_17 = arith.mulf %mul3A_15, %mul3A_16 : vector<512x128xf32>
    %add3A_18 = arith.addf %add3A, %mul3A_17 : vector<512x128xf32>
    %get3A_19 = arith.constant 0 : index
    %get3A_20 = arith.constant 0 : index
    %get3A_21 = vector.load %arg3[%get3A_19, %get3A_20] : memref<512x16xf32, #tpu.memory_space<vmem>>, vector<512x16xf32>
    %get3A_22 = arith.constant 0 : index
    %get3A_23 = arith.constant 0 : index
    %get3A_24 = vector.load %arg5[%get3A_22, %get3A_23] : memref<16x128xf32, #tpu.memory_space<vmem>>, vector<16x128xf32>
    %convert_element_type3A_25 = arith.truncf %get3A_21 : vector<512x16xf32> to vector<512x16xbf16>
    %convert_element_type3A_26 = arith.truncf %get3A_24 : vector<16x128xf32> to vector<16x128xbf16>
    %dot_general3A = arith.constant dense<0.000000e+00> : vector<512x128xf32>
    %dot_general3A_27 = tpu.matmul %convert_element_type3A_25, %convert_element_type3A_26, %dot_general3A {dimension_numbers = #tpu.dot_dimension_numbers<[1], [0], [0], [1], [0, 0, 1, 1], [], []>, transpose_lhs_hint = false} : vector<512x16xbf16>, vector<16x128xbf16>, vector<512x128xf32> -> vector<512x128xf32>
    %add3A_28 = arith.addf %add3A_18, %dot_general3A_27 : vector<512x128xf32>
    %get3A_29 = arith.constant 0 : index
    %get3A_30 = arith.constant 0 : index
    %get3A_31 = vector.load %arg6[%get3A_29, %get3A_30] : memref<1x128xf32, #tpu.memory_space<vmem>>, vector<1x128xf32>
    %add3A_32 = vector.broadcast %get3A_31 : vector<1x128xf32> to vector<512x128xf32>
    %add3A_33 = arith.addf %add3A_28, %add3A_32 : vector<512x128xf32>
    %logistic3A = arith.negf %add3A_33 : vector<512x128xf32>
    %logistic3A_34 = math.exp %logistic3A : vector<512x128xf32>
    %logistic3A_35 = arith.constant 1.000000e+00 : f32
    %logistic3A_36 = vector.broadcast %logistic3A_35 : f32 to vector<512x128xf32>
    %logistic3A_37 = arith.addf %logistic3A_36, %logistic3A_34 : vector<512x128xf32>
    %logistic3A_38 = arith.divf %logistic3A_36, %logistic3A_37 : vector<512x128xf32>
    %mul3A_39 = arith.mulf %add3A_33, %logistic3A_38 : vector<512x128xf32>
    %get3A_40 = arith.constant 0 : index
    %get3A_41 = arith.constant 0 : index
    %get3A_42 = vector.load %arg7[%get3A_40, %get3A_41] : memref<128x128xf32, #tpu.memory_space<vmem>>, vector<128x128xf32>
    %convert_element_type3A_43 = arith.truncf %mul3A_39 : vector<512x128xf32> to vector<512x128xbf16>
    %convert_element_type3A_44 = arith.truncf %get3A_42 : vector<128x128xf32> to vector<128x128xbf16>
    %dot_general3A_45 = arith.constant dense<0.000000e+00> : vector<512x128xf32>
    %dot_general3A_46 = tpu.matmul %convert_element_type3A_43, %convert_element_type3A_44, %dot_general3A_45 {dimension_numbers = #tpu.dot_dimension_numbers<[1], [0], [0], [1], [0, 0, 1, 1], [], []>, transpose_lhs_hint = false} : vector<512x128xbf16>, vector<128x128xbf16>, vector<512x128xf32> -> vector<512x128xf32>
    %get3A_47 = arith.constant 0 : index
    %get3A_48 = arith.constant 0 : index
    %get3A_49 = vector.load %arg8[%get3A_47, %get3A_48] : memref<1x128xf32, #tpu.memory_space<vmem>>, vector<1x128xf32>
    %add3A_50 = vector.broadcast %get3A_49 : vector<1x128xf32> to vector<512x128xf32>
    %add3A_51 = arith.addf %dot_general3A_46, %add3A_50 : vector<512x128xf32>
    %logistic3A_52 = arith.negf %add3A_51 : vector<512x128xf32>
    %logistic3A_53 = math.exp %logistic3A_52 : vector<512x128xf32>
    %logistic3A_54 = arith.constant 1.000000e+00 : f32
    %logistic3A_55 = vector.broadcast %logistic3A_54 : f32 to vector<512x128xf32>
    %logistic3A_56 = arith.addf %logistic3A_55, %logistic3A_53 : vector<512x128xf32>
    %logistic3A_57 = arith.divf %logistic3A_55, %logistic3A_56 : vector<512x128xf32>
    %mul3A_58 = arith.mulf %add3A_51, %logistic3A_57 : vector<512x128xf32>
    %swap3A = arith.constant 0 : index
    %swap3A_59 = arith.constant 0 : index
    %swap3A_60 = vector.load %arg9[%swap3A, %swap3A_59] : memref<512x128xf32, #tpu.memory_space<vmem>>, vector<512x128xf32>
    tpu.vector_store %arg9[%swap3A, %swap3A_59], %mul3A_58 {strides = array<i32>} : memref<512x128xf32, #tpu.memory_space<vmem>>, vector<512x128xf32>,
    %swap3A_61 = arith.constant 0 : index
    %swap3A_62 = arith.constant 0 : index
    %swap3A_63 = vector.load %arg10[%swap3A_61, %swap3A_62] : memref<512x1xf32, #tpu.memory_space<vmem>>, vector<512x1xf32>
    tpu.vector_store %arg10[%swap3A_61, %swap3A_62], %broadcast_in_dim3A {strides = array<i32>} : memref<512x1xf32, #tpu.memory_space<vmem>>, vector<512x1xf32>,
    return
  }
  func.func @transform_0(%arg0: i32) -> (i32, i32) {
    %c0_i32 = arith.constant 0 : i32
    %c0_i32_0 = arith.constant 0 : i32
    return %arg0, %c0_i32 : i32, i32
  }
  func.func @transform_1(%arg0: i32) -> (i32, i32) {
    %c0_i32 = arith.constant 0 : i32
    %c0_i32_0 = arith.constant 0 : i32
    return %arg0, %c0_i32 : i32, i32
  }
  func.func @transform_2(%arg0: i32) -> (i32, i32) {
    %c0_i32 = arith.constant 0 : i32
    %c0_i32_0 = arith.constant 0 : i32
    return %arg0, %c0_i32 : i32, i32
  }
  func.func @transform_3(%arg0: i32) -> (i32, i32) {
    %c0_i32 = arith.constant 0 : i32
    %c0_i32_0 = arith.constant 0 : i32
    %c0_i32_1 = arith.constant 0 : i32
    return %c0_i32, %c0_i32_0 : i32, i32
  }
  func.func @transform_4(%arg0: i32) -> (i32, i32) {
    %c0_i32 = arith.constant 0 : i32
    %c0_i32_0 = arith.constant 0 : i32
    %c0_i32_1 = arith.constant 0 : i32
    return %c0_i32, %c0_i32_0 : i32, i32
  }
  func.func @transform_5(%arg0: i32) -> (i32, i32) {
    %c0_i32 = arith.constant 0 : i32
    %c0_i32_0 = arith.constant 0 : i32
    %c0_i32_1 = arith.constant 0 : i32
    return %c0_i32, %c0_i32_0 : i32, i32
  }
  func.func @transform_6(%arg0: i32) -> (i32, i32) {
    %c0_i32 = arith.constant 0 : i32
    %c0_i32_0 = arith.constant 0 : i32
    %c0_i32_1 = arith.constant 0 : i32
    return %c0_i32, %c0_i32_0 : i32, i32
  }
  func.func @transform_7(%arg0: i32) -> (i32, i32) {
    %c0_i32 = arith.constant 0 : i32
    %c0_i32_0 = arith.constant 0 : i32
    %c0_i32_1 = arith.constant 0 : i32
    return %c0_i32, %c0_i32_0 : i32, i32
  }
  func.func @transform_8(%arg0: i32) -> (i32, i32) {
    %c0_i32 = arith.constant 0 : i32
    %c0_i32_0 = arith.constant 0 : i32
    return %arg0, %c0_i32 : i32, i32
  }
  func.func @transform_9(%arg0: i32) -> (i32, i32) {
    %c0_i32 = arith.constant 0 : i32
    %c0_i32_0 = arith.constant 0 : i32
    return %arg0, %c0_i32 : i32, i32
  }
}

module attributes {stable_mosaic.version = 14 : i64} {
  func.func @_node_mid_body(%arg0: i32, %arg1: memref<1000x128xf32, #tpu.memory_space<vmem>>, %arg2: memref<1000x128xf32, #tpu.memory_space<vmem>>, %arg3: memref<1000x128xf32, #tpu.memory_space<vmem>>, %arg4: memref<128x128xf32, #tpu.memory_space<vmem>>, %arg5: memref<128x128xf32, #tpu.memory_space<vmem>>, %arg6: memref<1x128xf32, #tpu.memory_space<vmem>>, %arg7: memref<128x128xf32, #tpu.memory_space<vmem>>, %arg8: memref<1x128xf32, #tpu.memory_space<vmem>>, %arg9: memref<1x128xf32, #tpu.memory_space<vmem>>, %arg10: memref<1x128xf32, #tpu.memory_space<vmem>>, %arg11: memref<128x128xf32, #tpu.memory_space<vmem>>, %arg12: memref<128x128xf32, #tpu.memory_space<vmem>>, %arg13: memref<1000x128xf32, #tpu.memory_space<vmem>>, %arg14: memref<1000x128xf32, #tpu.memory_space<vmem>>, %arg15: memref<1000x128xf32, #tpu.memory_space<vmem>>) attributes {dimension_semantics = [#tpu.dimension_semantics<arbitrary>], iteration_bounds = array<i64: 10>, scalar_prefetch = 0 : i64, scratch_operands = 0 : i64, tpu.core_type = #tpu.core_type<tc>, window_params = [{transform_indices = @transform_0, window_bounds = array<i64: 1000, 128>}, {transform_indices = @transform_1, window_bounds = array<i64: 1000, 128>}, {transform_indices = @transform_2, window_bounds = array<i64: 1000, 128>}, {pipeline_mode = #tpu.pipeline_mode<synchronous>, transform_indices = @transform_3, window_bounds = array<i64: 128, 128>}, {pipeline_mode = #tpu.pipeline_mode<synchronous>, transform_indices = @transform_4, window_bounds = array<i64: 128, 128>}, {pipeline_mode = #tpu.pipeline_mode<synchronous>, transform_indices = @transform_5, window_bounds = array<i64: 1, 128>}, {pipeline_mode = #tpu.pipeline_mode<synchronous>, transform_indices = @transform_6, window_bounds = array<i64: 128, 128>}, {pipeline_mode = #tpu.pipeline_mode<synchronous>, transform_indices = @transform_7, window_bounds = array<i64: 1, 128>}, {pipeline_mode = #tpu.pipeline_mode<synchronous>, transform_indices = @transform_8, window_bounds = array<i64: 1, 128>}, {pipeline_mode = #tpu.pipeline_mode<synchronous>, transform_indices = @transform_9, window_bounds = array<i64: 1, 128>}, {pipeline_mode = #tpu.pipeline_mode<synchronous>, transform_indices = @transform_10, window_bounds = array<i64: 128, 128>}, {pipeline_mode = #tpu.pipeline_mode<synchronous>, transform_indices = @transform_11, window_bounds = array<i64: 128, 128>}, {transform_indices = @transform_12, window_bounds = array<i64: 1000, 128>}, {transform_indices = @transform_13, window_bounds = array<i64: 1000, 128>}, {transform_indices = @transform_14, window_bounds = array<i64: 1000, 128>}]} {
    %get3A = arith.constant 0 : index
    %get3A_0 = arith.constant 0 : index
    %get3A_1 = vector.load %arg2[%get3A, %get3A_0] : memref<1000x128xf32, #tpu.memory_space<vmem>>, vector<1000x128xf32>
    %get3A_2 = arith.constant 0 : index
    %get3A_3 = arith.constant 0 : index
    %get3A_4 = vector.load %arg3[%get3A_2, %get3A_3] : memref<1000x128xf32, #tpu.memory_space<vmem>>, vector<1000x128xf32>
    %add3A = arith.addf %get3A_1, %get3A_4 : vector<1000x128xf32>
    %get3A_5 = arith.constant 0 : index
    %get3A_6 = arith.constant 0 : index
    %get3A_7 = vector.load %arg1[%get3A_5, %get3A_6] : memref<1000x128xf32, #tpu.memory_space<vmem>>, vector<1000x128xf32>
    %get3A_8 = arith.constant 0 : index
    %get3A_9 = arith.constant 0 : index
    %get3A_10 = vector.load %arg4[%get3A_8, %get3A_9] : memref<128x128xf32, #tpu.memory_space<vmem>>, vector<128x128xf32>
    %convert_element_type3A = arith.truncf %get3A_7 : vector<1000x128xf32> to vector<1000x128xbf16>
    %convert_element_type3A_11 = arith.truncf %get3A_10 : vector<128x128xf32> to vector<128x128xbf16>
    %dot_general3A = arith.constant dense<0.000000e+00> : vector<1000x128xf32>
    %dot_general3A_12 = tpu.matmul %convert_element_type3A, %convert_element_type3A_11, %dot_general3A {dimension_numbers = #tpu.dot_dimension_numbers<[1], [0], [0], [1], [0, 0, 1, 1], [], []>, transpose_lhs_hint = false} : vector<1000x128xbf16>, vector<128x128xbf16>, vector<1000x128xf32> -> vector<1000x128xf32>
    %get3A_13 = arith.constant 0 : index
    %get3A_14 = arith.constant 0 : index
    %get3A_15 = vector.load %arg5[%get3A_13, %get3A_14] : memref<128x128xf32, #tpu.memory_space<vmem>>, vector<128x128xf32>
    %convert_element_type3A_16 = arith.truncf %add3A : vector<1000x128xf32> to vector<1000x128xbf16>
    %convert_element_type3A_17 = arith.truncf %get3A_15 : vector<128x128xf32> to vector<128x128xbf16>
    %dot_general3A_18 = arith.constant dense<0.000000e+00> : vector<1000x128xf32>
    %dot_general3A_19 = tpu.matmul %convert_element_type3A_16, %convert_element_type3A_17, %dot_general3A_18 {dimension_numbers = #tpu.dot_dimension_numbers<[1], [0], [0], [1], [0, 0, 1, 1], [], []>, transpose_lhs_hint = false} : vector<1000x128xbf16>, vector<128x128xbf16>, vector<1000x128xf32> -> vector<1000x128xf32>
    %add3A_20 = arith.addf %dot_general3A_12, %dot_general3A_19 : vector<1000x128xf32>
    %get3A_21 = arith.constant 0 : index
    %get3A_22 = arith.constant 0 : index
    %get3A_23 = vector.load %arg6[%get3A_21, %get3A_22] : memref<1x128xf32, #tpu.memory_space<vmem>>, vector<1x128xf32>
    %add3A_24 = vector.broadcast %get3A_23 : vector<1x128xf32> to vector<1000x128xf32>
    %add3A_25 = arith.addf %add3A_20, %add3A_24 : vector<1000x128xf32>
    %logistic3A = arith.negf %add3A_25 : vector<1000x128xf32>
    %logistic3A_26 = math.exp %logistic3A : vector<1000x128xf32>
    %logistic3A_27 = arith.constant 1.000000e+00 : f32
    %logistic3A_28 = vector.broadcast %logistic3A_27 : f32 to vector<1000x128xf32>
    %logistic3A_29 = arith.addf %logistic3A_28, %logistic3A_26 : vector<1000x128xf32>
    %logistic3A_30 = arith.divf %logistic3A_28, %logistic3A_29 : vector<1000x128xf32>
    %mul3A = arith.mulf %add3A_25, %logistic3A_30 : vector<1000x128xf32>
    %get3A_31 = arith.constant 0 : index
    %get3A_32 = arith.constant 0 : index
    %get3A_33 = vector.load %arg7[%get3A_31, %get3A_32] : memref<128x128xf32, #tpu.memory_space<vmem>>, vector<128x128xf32>
    %convert_element_type3A_34 = arith.truncf %mul3A : vector<1000x128xf32> to vector<1000x128xbf16>
    %convert_element_type3A_35 = arith.truncf %get3A_33 : vector<128x128xf32> to vector<128x128xbf16>
    %dot_general3A_36 = arith.constant dense<0.000000e+00> : vector<1000x128xf32>
    %dot_general3A_37 = tpu.matmul %convert_element_type3A_34, %convert_element_type3A_35, %dot_general3A_36 {dimension_numbers = #tpu.dot_dimension_numbers<[1], [0], [0], [1], [0, 0, 1, 1], [], []>, transpose_lhs_hint = false} : vector<1000x128xbf16>, vector<128x128xbf16>, vector<1000x128xf32> -> vector<1000x128xf32>
    %get3A_38 = arith.constant 0 : index
    %get3A_39 = arith.constant 0 : index
    %get3A_40 = vector.load %arg8[%get3A_38, %get3A_39] : memref<1x128xf32, #tpu.memory_space<vmem>>, vector<1x128xf32>
    %add3A_41 = vector.broadcast %get3A_40 : vector<1x128xf32> to vector<1000x128xf32>
    %add3A_42 = arith.addf %dot_general3A_37, %add3A_41 : vector<1000x128xf32>
    %get3A_43 = arith.constant 0 : index
    %get3A_44 = arith.constant 0 : index
    %get3A_45 = vector.load %arg9[%get3A_43, %get3A_44] : memref<1x128xf32, #tpu.memory_space<vmem>>, vector<1x128xf32>
    %get3A_46 = arith.constant 0 : index
    %get3A_47 = arith.constant 0 : index
    %get3A_48 = vector.load %arg10[%get3A_46, %get3A_47] : memref<1x128xf32, #tpu.memory_space<vmem>>, vector<1x128xf32>
    %reduce_sum3A = arith.constant dense<0.000000e+00> : vector<1000xf32>
    %reduce_sum3A_49 = vector.multi_reduction <add>, %add3A_42, %reduce_sum3A [1] : vector<1000x128xf32> to vector<1000xf32>
    %broadcast_in_dim3A = vector.shape_cast %reduce_sum3A_49 : vector<1000xf32> to vector<1000x1xf32>
    %div3A = arith.constant 1.280000e+02 : f32
    %div3A_50 = vector.broadcast %div3A : f32 to vector<1000x1xf32>
    %div3A_51 = arith.divf %broadcast_in_dim3A, %div3A_50 : vector<1000x1xf32>
    %jit3A = arith.constant 0 : i32
    %reduce_sum3A_52 = arith.constant dense<0.000000e+00> : vector<1000xf32>
    %reduce_sum3A_53 = vector.multi_reduction <add>, %add3A_42, %reduce_sum3A_52 [1] : vector<1000x128xf32> to vector<1000xf32>
    %broadcast_in_dim3A_54 = vector.shape_cast %reduce_sum3A_53 : vector<1000xf32> to vector<1000x1xf32>
    %div3A_55 = arith.constant 1.280000e+02 : f32
    %div3A_56 = vector.broadcast %div3A_55 : f32 to vector<1000x1xf32>
    %div3A_57 = arith.divf %broadcast_in_dim3A_54, %div3A_56 : vector<1000x1xf32>
    %sub3A = vector.broadcast %div3A_57 : vector<1000x1xf32> to vector<1000x128xf32>
    %sub3A_58 = arith.subf %add3A_42, %sub3A : vector<1000x128xf32>
    %square3A = arith.mulf %sub3A_58, %sub3A_58 : vector<1000x128xf32>
    %convert_element_type3A_59 = arith.sitofp %jit3A : i32 to f32
    %sub3A_60 = arith.constant 1.280000e+02 : f32
    %sub3A_61 = arith.subf %sub3A_60, %convert_element_type3A_59 : f32
    %reduce_sum3A_62 = arith.constant dense<0.000000e+00> : vector<1000xf32>
    %reduce_sum3A_63 = vector.multi_reduction <add>, %square3A, %reduce_sum3A_62 [1] : vector<1000x128xf32> to vector<1000xf32>
    %broadcast_in_dim3A_64 = vector.shape_cast %reduce_sum3A_63 : vector<1000xf32> to vector<1000x1xf32>
    %div3A_65 = vector.broadcast %sub3A_61 : f32 to vector<1000x1xf32>
    %div3A_66 = arith.divf %broadcast_in_dim3A_64, %div3A_65 : vector<1000x1xf32>
    %gt3A = arith.constant 0.000000e+00 : f32
    %gt3A_67 = arith.cmpf ogt, %sub3A_61, %gt3A : f32
    %jit3A_68 = arith.constant 0x7FC00000 : f32
    %broadcast_in_dim3A_69 = vector.broadcast %jit3A_68 : f32 to vector<1000x1xf32>
    %select_n3A = arith.select %gt3A_67, %div3A_66, %broadcast_in_dim3A_69 : vector<1000x1xf32>
    %sub3A_70 = vector.broadcast %div3A_51 : vector<1000x1xf32> to vector<1000x128xf32>
    %sub3A_71 = arith.subf %add3A_42, %sub3A_70 : vector<1000x128xf32>
    %add3A_72 = arith.constant 9.99999974E-6 : f32
    %add3A_73 = vector.broadcast %add3A_72 : f32 to vector<1000x1xf32>
    %add3A_74 = arith.addf %select_n3A, %add3A_73 : vector<1000x1xf32>
    %sqrt3A = math.sqrt %add3A_74 : vector<1000x1xf32>
    %div3A_75 = vector.broadcast %sqrt3A : vector<1000x1xf32> to vector<1000x128xf32>
    %div3A_76 = arith.divf %sub3A_71, %div3A_75 : vector<1000x128xf32>
    %mul3A_77 = vector.broadcast %get3A_45 : vector<1x128xf32> to vector<1000x128xf32>
    %mul3A_78 = arith.mulf %div3A_76, %mul3A_77 : vector<1000x128xf32>
    %add3A_79 = vector.broadcast %get3A_48 : vector<1x128xf32> to vector<1000x128xf32>
    %add3A_80 = arith.addf %mul3A_78, %add3A_79 : vector<1000x128xf32>
    %swap3A = arith.constant 0 : index
    %swap3A_81 = arith.constant 0 : index
    %swap3A_82 = vector.load %arg13[%swap3A, %swap3A_81] : memref<1000x128xf32, #tpu.memory_space<vmem>>, vector<1000x128xf32>
    tpu.vector_store %arg13[%swap3A, %swap3A_81], %add3A_80 {strides = array<i32>} : memref<1000x128xf32, #tpu.memory_space<vmem>>, vector<1000x128xf32>,
    %get3A_83 = arith.constant 0 : index
    %get3A_84 = arith.constant 0 : index
    %get3A_85 = vector.load %arg11[%get3A_83, %get3A_84] : memref<128x128xf32, #tpu.memory_space<vmem>>, vector<128x128xf32>
    %convert_element_type3A_86 = arith.truncf %add3A_80 : vector<1000x128xf32> to vector<1000x128xbf16>
    %convert_element_type3A_87 = arith.truncf %get3A_85 : vector<128x128xf32> to vector<128x128xbf16>
    %dot_general3A_88 = arith.constant dense<0.000000e+00> : vector<1000x128xf32>
    %dot_general3A_89 = tpu.matmul %convert_element_type3A_86, %convert_element_type3A_87, %dot_general3A_88 {dimension_numbers = #tpu.dot_dimension_numbers<[1], [0], [0], [1], [0, 0, 1, 1], [], []>, transpose_lhs_hint = false} : vector<1000x128xbf16>, vector<128x128xbf16>, vector<1000x128xf32> -> vector<1000x128xf32>
    %swap3A_90 = arith.constant 0 : index
    %swap3A_91 = arith.constant 0 : index
    %swap3A_92 = vector.load %arg14[%swap3A_90, %swap3A_91] : memref<1000x128xf32, #tpu.memory_space<vmem>>, vector<1000x128xf32>
    tpu.vector_store %arg14[%swap3A_90, %swap3A_91], %dot_general3A_89 {strides = array<i32>} : memref<1000x128xf32, #tpu.memory_space<vmem>>, vector<1000x128xf32>,
    %get3A_93 = arith.constant 0 : index
    %get3A_94 = arith.constant 0 : index
    %get3A_95 = vector.load %arg12[%get3A_93, %get3A_94] : memref<128x128xf32, #tpu.memory_space<vmem>>, vector<128x128xf32>
    %convert_element_type3A_96 = arith.truncf %add3A_80 : vector<1000x128xf32> to vector<1000x128xbf16>
    %convert_element_type3A_97 = arith.truncf %get3A_95 : vector<128x128xf32> to vector<128x128xbf16>
    %dot_general3A_98 = arith.constant dense<0.000000e+00> : vector<1000x128xf32>
    %dot_general3A_99 = tpu.matmul %convert_element_type3A_96, %convert_element_type3A_97, %dot_general3A_98 {dimension_numbers = #tpu.dot_dimension_numbers<[1], [0], [0], [1], [0, 0, 1, 1], [], []>, transpose_lhs_hint = false} : vector<1000x128xbf16>, vector<128x128xbf16>, vector<1000x128xf32> -> vector<1000x128xf32>
    %swap3A_100 = arith.constant 0 : index
    %swap3A_101 = arith.constant 0 : index
    %swap3A_102 = vector.load %arg15[%swap3A_100, %swap3A_101] : memref<1000x128xf32, #tpu.memory_space<vmem>>, vector<1000x128xf32>
    tpu.vector_store %arg15[%swap3A_100, %swap3A_101], %dot_general3A_99 {strides = array<i32>} : memref<1000x128xf32, #tpu.memory_space<vmem>>, vector<1000x128xf32>,
    return
  }
  func.func @transform_0(%arg0: i32) -> (i32, i32) {
    %c0_i32 = arith.constant 0 : i32
    %c0_i32_0 = arith.constant 0 : i32
    return %arg0, %c0_i32 : i32, i32
  }
  func.func @transform_1(%arg0: i32) -> (i32, i32) {
    %c0_i32 = arith.constant 0 : i32
    %c0_i32_0 = arith.constant 0 : i32
    return %arg0, %c0_i32 : i32, i32
  }
  func.func @transform_2(%arg0: i32) -> (i32, i32) {
    %c0_i32 = arith.constant 0 : i32
    %c0_i32_0 = arith.constant 0 : i32
    return %arg0, %c0_i32 : i32, i32
  }
  func.func @transform_3(%arg0: i32) -> (i32, i32) {
    %c0_i32 = arith.constant 0 : i32
    %c0_i32_0 = arith.constant 0 : i32
    %c0_i32_1 = arith.constant 0 : i32
    return %c0_i32, %c0_i32_0 : i32, i32
  }
  func.func @transform_4(%arg0: i32) -> (i32, i32) {
    %c0_i32 = arith.constant 0 : i32
    %c0_i32_0 = arith.constant 0 : i32
    %c0_i32_1 = arith.constant 0 : i32
    return %c0_i32, %c0_i32_0 : i32, i32
  }
  func.func @transform_5(%arg0: i32) -> (i32, i32) {
    %c0_i32 = arith.constant 0 : i32
    %c0_i32_0 = arith.constant 0 : i32
    %c0_i32_1 = arith.constant 0 : i32
    return %c0_i32, %c0_i32_0 : i32, i32
  }
  func.func @transform_6(%arg0: i32) -> (i32, i32) {
    %c0_i32 = arith.constant 0 : i32
    %c0_i32_0 = arith.constant 0 : i32
    %c0_i32_1 = arith.constant 0 : i32
    return %c0_i32, %c0_i32_0 : i32, i32
  }
  func.func @transform_7(%arg0: i32) -> (i32, i32) {
    %c0_i32 = arith.constant 0 : i32
    %c0_i32_0 = arith.constant 0 : i32
    %c0_i32_1 = arith.constant 0 : i32
    return %c0_i32, %c0_i32_0 : i32, i32
  }
  func.func @transform_8(%arg0: i32) -> (i32, i32) {
    %c0_i32 = arith.constant 0 : i32
    %c0_i32_0 = arith.constant 0 : i32
    %c0_i32_1 = arith.constant 0 : i32
    return %c0_i32, %c0_i32_0 : i32, i32
  }
  func.func @transform_9(%arg0: i32) -> (i32, i32) {
    %c0_i32 = arith.constant 0 : i32
    %c0_i32_0 = arith.constant 0 : i32
    %c0_i32_1 = arith.constant 0 : i32
    return %c0_i32, %c0_i32_0 : i32, i32
  }
  func.func @transform_10(%arg0: i32) -> (i32, i32) {
    %c0_i32 = arith.constant 0 : i32
    %c0_i32_0 = arith.constant 0 : i32
    %c0_i32_1 = arith.constant 0 : i32
    return %c0_i32, %c0_i32_0 : i32, i32
  }
  func.func @transform_11(%arg0: i32) -> (i32, i32) {
    %c0_i32 = arith.constant 0 : i32
    %c0_i32_0 = arith.constant 0 : i32
    %c0_i32_1 = arith.constant 0 : i32
    return %c0_i32, %c0_i32_0 : i32, i32
  }
  func.func @transform_12(%arg0: i32) -> (i32, i32) {
    %c0_i32 = arith.constant 0 : i32
    %c0_i32_0 = arith.constant 0 : i32
    return %arg0, %c0_i32 : i32, i32
  }
  func.func @transform_13(%arg0: i32) -> (i32, i32) {
    %c0_i32 = arith.constant 0 : i32
    %c0_i32_0 = arith.constant 0 : i32
    return %arg0, %c0_i32 : i32, i32
  }
  func.func @transform_14(%arg0: i32) -> (i32, i32) {
    %c0_i32 = arith.constant 0 : i32
    %c0_i32_0 = arith.constant 0 : i32
    return %arg0, %c0_i32 : i32, i32
  }
}

module attributes {stable_mosaic.version = 14 : i64} {
  func.func @_edge1_body(%arg0: i32, %arg1: memref<512x128xf32, #tpu.memory_space<vmem>>, %arg2: memref<512x128xf32, #tpu.memory_space<vmem>>, %arg3: memref<512x16xf32, #tpu.memory_space<vmem>>, %arg4: memref<512x1xf32, #tpu.memory_space<vmem>>, %arg5: memref<1x128xf32, #tpu.memory_space<vmem>>, %arg6: memref<16x128xf32, #tpu.memory_space<vmem>>, %arg7: memref<1x128xf32, #tpu.memory_space<vmem>>, %arg8: memref<128x128xf32, #tpu.memory_space<vmem>>, %arg9: memref<1x128xf32, #tpu.memory_space<vmem>>, %arg10: memref<512x128xf32, #tpu.memory_space<vmem>>) attributes {dimension_semantics = [#tpu.dimension_semantics<arbitrary>], iteration_bounds = array<i64: 625>, scalar_prefetch = 0 : i64, scratch_operands = 0 : i64, tpu.core_type = #tpu.core_type<tc>, window_params = [{transform_indices = @transform_0, window_bounds = array<i64: 512, 128>}, {transform_indices = @transform_1, window_bounds = array<i64: 512, 128>}, {transform_indices = @transform_2, window_bounds = array<i64: 512, 16>}, {transform_indices = @transform_3, window_bounds = array<i64: 512, 1>}, {pipeline_mode = #tpu.pipeline_mode<synchronous>, transform_indices = @transform_4, window_bounds = array<i64: 1, 128>}, {pipeline_mode = #tpu.pipeline_mode<synchronous>, transform_indices = @transform_5, window_bounds = array<i64: 16, 128>}, {pipeline_mode = #tpu.pipeline_mode<synchronous>, transform_indices = @transform_6, window_bounds = array<i64: 1, 128>}, {pipeline_mode = #tpu.pipeline_mode<synchronous>, transform_indices = @transform_7, window_bounds = array<i64: 128, 128>}, {pipeline_mode = #tpu.pipeline_mode<synchronous>, transform_indices = @transform_8, window_bounds = array<i64: 1, 128>}, {transform_indices = @transform_9, window_bounds = array<i64: 512, 128>}]} {
    %get3A = arith.constant 0 : index
    %get3A_0 = arith.constant 0 : index
    %get3A_1 = vector.load %arg1[%get3A, %get3A_0] : memref<512x128xf32, #tpu.memory_space<vmem>>, vector<512x128xf32>
    %get3A_2 = arith.constant 0 : index
    %get3A_3 = arith.constant 0 : index
    %get3A_4 = vector.load %arg2[%get3A_2, %get3A_3] : memref<512x128xf32, #tpu.memory_space<vmem>>, vector<512x128xf32>
    %add3A = arith.addf %get3A_1, %get3A_4 : vector<512x128xf32>
    %get3A_5 = arith.constant 0 : index
    %get3A_6 = arith.constant 0 : index
    %get3A_7 = vector.load %arg4[%get3A_5, %get3A_6] : memref<512x1xf32, #tpu.memory_space<vmem>>, vector<512x1xf32>
    %convert_element_type3A = arith.truncf %get3A_7 : vector<512x1xf32> to vector<512x1xbf16>
    %convert_element_type3A_8 = arith.extf %convert_element_type3A : vector<512x1xbf16> to vector<512x1xf32>
    %get3A_9 = arith.constant 0 : index
    %get3A_10 = arith.constant 0 : index
    %get3A_11 = vector.load %arg5[%get3A_9, %get3A_10] : memref<1x128xf32, #tpu.memory_space<vmem>>, vector<1x128xf32>
    %convert_element_type3A_12 = arith.truncf %get3A_11 : vector<1x128xf32> to vector<1x128xbf16>
    %convert_element_type3A_13 = arith.extf %convert_element_type3A_12 : vector<1x128xbf16> to vector<1x128xf32>
    %mul3A = vector.broadcast %convert_element_type3A_8 : vector<512x1xf32> to vector<512x128xf32>
    %mul3A_14 = vector.broadcast %convert_element_type3A_13 : vector<1x128xf32> to vector<512x128xf32>
    %mul3A_15 = arith.mulf %mul3A, %mul3A_14 : vector<512x128xf32>
    %add3A_16 = arith.addf %add3A, %mul3A_15 : vector<512x128xf32>
    %get3A_17 = arith.constant 0 : index
    %get3A_18 = arith.constant 0 : index
    %get3A_19 = vector.load %arg3[%get3A_17, %get3A_18] : memref<512x16xf32, #tpu.memory_space<vmem>>, vector<512x16xf32>
    %get3A_20 = arith.constant 0 : index
    %get3A_21 = arith.constant 0 : index
    %get3A_22 = vector.load %arg6[%get3A_20, %get3A_21] : memref<16x128xf32, #tpu.memory_space<vmem>>, vector<16x128xf32>
    %convert_element_type3A_23 = arith.truncf %get3A_19 : vector<512x16xf32> to vector<512x16xbf16>
    %convert_element_type3A_24 = arith.truncf %get3A_22 : vector<16x128xf32> to vector<16x128xbf16>
    %dot_general3A = arith.constant dense<0.000000e+00> : vector<512x128xf32>
    %dot_general3A_25 = tpu.matmul %convert_element_type3A_23, %convert_element_type3A_24, %dot_general3A {dimension_numbers = #tpu.dot_dimension_numbers<[1], [0], [0], [1], [0, 0, 1, 1], [], []>, transpose_lhs_hint = false} : vector<512x16xbf16>, vector<16x128xbf16>, vector<512x128xf32> -> vector<512x128xf32>
    %add3A_26 = arith.addf %add3A_16, %dot_general3A_25 : vector<512x128xf32>
    %get3A_27 = arith.constant 0 : index
    %get3A_28 = arith.constant 0 : index
    %get3A_29 = vector.load %arg7[%get3A_27, %get3A_28] : memref<1x128xf32, #tpu.memory_space<vmem>>, vector<1x128xf32>
    %add3A_30 = vector.broadcast %get3A_29 : vector<1x128xf32> to vector<512x128xf32>
    %add3A_31 = arith.addf %add3A_26, %add3A_30 : vector<512x128xf32>
    %logistic3A = arith.negf %add3A_31 : vector<512x128xf32>
    %logistic3A_32 = math.exp %logistic3A : vector<512x128xf32>
    %logistic3A_33 = arith.constant 1.000000e+00 : f32
    %logistic3A_34 = vector.broadcast %logistic3A_33 : f32 to vector<512x128xf32>
    %logistic3A_35 = arith.addf %logistic3A_34, %logistic3A_32 : vector<512x128xf32>
    %logistic3A_36 = arith.divf %logistic3A_34, %logistic3A_35 : vector<512x128xf32>
    %mul3A_37 = arith.mulf %add3A_31, %logistic3A_36 : vector<512x128xf32>
    %get3A_38 = arith.constant 0 : index
    %get3A_39 = arith.constant 0 : index
    %get3A_40 = vector.load %arg8[%get3A_38, %get3A_39] : memref<128x128xf32, #tpu.memory_space<vmem>>, vector<128x128xf32>
    %convert_element_type3A_41 = arith.truncf %mul3A_37 : vector<512x128xf32> to vector<512x128xbf16>
    %convert_element_type3A_42 = arith.truncf %get3A_40 : vector<128x128xf32> to vector<128x128xbf16>
    %dot_general3A_43 = arith.constant dense<0.000000e+00> : vector<512x128xf32>
    %dot_general3A_44 = tpu.matmul %convert_element_type3A_41, %convert_element_type3A_42, %dot_general3A_43 {dimension_numbers = #tpu.dot_dimension_numbers<[1], [0], [0], [1], [0, 0, 1, 1], [], []>, transpose_lhs_hint = false} : vector<512x128xbf16>, vector<128x128xbf16>, vector<512x128xf32> -> vector<512x128xf32>
    %get3A_45 = arith.constant 0 : index
    %get3A_46 = arith.constant 0 : index
    %get3A_47 = vector.load %arg9[%get3A_45, %get3A_46] : memref<1x128xf32, #tpu.memory_space<vmem>>, vector<1x128xf32>
    %add3A_48 = vector.broadcast %get3A_47 : vector<1x128xf32> to vector<512x128xf32>
    %add3A_49 = arith.addf %dot_general3A_44, %add3A_48 : vector<512x128xf32>
    %logistic3A_50 = arith.negf %add3A_49 : vector<512x128xf32>
    %logistic3A_51 = math.exp %logistic3A_50 : vector<512x128xf32>
    %logistic3A_52 = arith.constant 1.000000e+00 : f32
    %logistic3A_53 = vector.broadcast %logistic3A_52 : f32 to vector<512x128xf32>
    %logistic3A_54 = arith.addf %logistic3A_53, %logistic3A_51 : vector<512x128xf32>
    %logistic3A_55 = arith.divf %logistic3A_53, %logistic3A_54 : vector<512x128xf32>
    %mul3A_56 = arith.mulf %add3A_49, %logistic3A_55 : vector<512x128xf32>
    %swap3A = arith.constant 0 : index
    %swap3A_57 = arith.constant 0 : index
    %swap3A_58 = vector.load %arg10[%swap3A, %swap3A_57] : memref<512x128xf32, #tpu.memory_space<vmem>>, vector<512x128xf32>
    tpu.vector_store %arg10[%swap3A, %swap3A_57], %mul3A_56 {strides = array<i32>} : memref<512x128xf32, #tpu.memory_space<vmem>>, vector<512x128xf32>,
    return
  }
  func.func @transform_0(%arg0: i32) -> (i32, i32) {
    %c0_i32 = arith.constant 0 : i32
    %c0_i32_0 = arith.constant 0 : i32
    return %arg0, %c0_i32 : i32, i32
  }
  func.func @transform_1(%arg0: i32) -> (i32, i32) {
    %c0_i32 = arith.constant 0 : i32
    %c0_i32_0 = arith.constant 0 : i32
    return %arg0, %c0_i32 : i32, i32
  }
  func.func @transform_2(%arg0: i32) -> (i32, i32) {
    %c0_i32 = arith.constant 0 : i32
    %c0_i32_0 = arith.constant 0 : i32
    return %arg0, %c0_i32 : i32, i32
  }
  func.func @transform_3(%arg0: i32) -> (i32, i32) {
    %c0_i32 = arith.constant 0 : i32
    %c0_i32_0 = arith.constant 0 : i32
    return %arg0, %c0_i32 : i32, i32
  }
  func.func @transform_4(%arg0: i32) -> (i32, i32) {
    %c0_i32 = arith.constant 0 : i32
    %c0_i32_0 = arith.constant 0 : i32
    %c0_i32_1 = arith.constant 0 : i32
    return %c0_i32, %c0_i32_0 : i32, i32
  }
  func.func @transform_5(%arg0: i32) -> (i32, i32) {
    %c0_i32 = arith.constant 0 : i32
    %c0_i32_0 = arith.constant 0 : i32
    %c0_i32_1 = arith.constant 0 : i32
    return %c0_i32, %c0_i32_0 : i32, i32
  }
  func.func @transform_6(%arg0: i32) -> (i32, i32) {
    %c0_i32 = arith.constant 0 : i32
    %c0_i32_0 = arith.constant 0 : i32
    %c0_i32_1 = arith.constant 0 : i32
    return %c0_i32, %c0_i32_0 : i32, i32
  }
  func.func @transform_7(%arg0: i32) -> (i32, i32) {
    %c0_i32 = arith.constant 0 : i32
    %c0_i32_0 = arith.constant 0 : i32
    %c0_i32_1 = arith.constant 0 : i32
    return %c0_i32, %c0_i32_0 : i32, i32
  }
  func.func @transform_8(%arg0: i32) -> (i32, i32) {
    %c0_i32 = arith.constant 0 : i32
    %c0_i32_0 = arith.constant 0 : i32
    %c0_i32_1 = arith.constant 0 : i32
    return %c0_i32, %c0_i32_0 : i32, i32
  }
  func.func @transform_9(%arg0: i32) -> (i32, i32) {
    %c0_i32 = arith.constant 0 : i32
    %c0_i32_0 = arith.constant 0 : i32
    return %arg0, %c0_i32 : i32, i32
  }
}

module attributes {stable_mosaic.version = 14 : i64} {
  func.func @_node_final_body(%arg0: i32, %arg1: memref<1000x128xf32, #tpu.memory_space<vmem>>, %arg2: memref<1000x128xf32, #tpu.memory_space<vmem>>, %arg3: memref<1000x128xf32, #tpu.memory_space<vmem>>, %arg4: memref<1000x64xf32, #tpu.memory_space<vmem>>, %arg5: memref<128x128xf32, #tpu.memory_space<vmem>>, %arg6: memref<128x128xf32, #tpu.memory_space<vmem>>, %arg7: memref<1x128xf32, #tpu.memory_space<vmem>>, %arg8: memref<128x128xf32, #tpu.memory_space<vmem>>, %arg9: memref<1x128xf32, #tpu.memory_space<vmem>>, %arg10: memref<128x64xf32, #tpu.memory_space<vmem>>, %arg11: memref<1x64xf32, #tpu.memory_space<vmem>>, %arg12: memref<128x64xf32, #tpu.memory_space<vmem>>, %arg13: memref<1x64xf32, #tpu.memory_space<vmem>>, %arg14: memref<1000x64xf32, #tpu.memory_space<vmem>>, %arg15: memref<1000x64xf32, #tpu.memory_space<vmem>>, %arg16: memref<1000x64xf32, #tpu.memory_space<vmem>>) attributes {dimension_semantics = [#tpu.dimension_semantics<arbitrary>], iteration_bounds = array<i64: 10>, scalar_prefetch = 0 : i64, scratch_operands = 0 : i64, tpu.core_type = #tpu.core_type<tc>, window_params = [{transform_indices = @transform_0, window_bounds = array<i64: 1000, 128>}, {transform_indices = @transform_1, window_bounds = array<i64: 1000, 128>}, {transform_indices = @transform_2, window_bounds = array<i64: 1000, 128>}, {transform_indices = @transform_3, window_bounds = array<i64: 1000, 64>}, {pipeline_mode = #tpu.pipeline_mode<synchronous>, transform_indices = @transform_4, window_bounds = array<i64: 128, 128>}, {pipeline_mode = #tpu.pipeline_mode<synchronous>, transform_indices = @transform_5, window_bounds = array<i64: 128, 128>}, {pipeline_mode = #tpu.pipeline_mode<synchronous>, transform_indices = @transform_6, window_bounds = array<i64: 1, 128>}, {pipeline_mode = #tpu.pipeline_mode<synchronous>, transform_indices = @transform_7, window_bounds = array<i64: 128, 128>}, {pipeline_mode = #tpu.pipeline_mode<synchronous>, transform_indices = @transform_8, window_bounds = array<i64: 1, 128>}, {pipeline_mode = #tpu.pipeline_mode<synchronous>, transform_indices = @transform_9, window_bounds = array<i64: 128, 64>}, {pipeline_mode = #tpu.pipeline_mode<synchronous>, transform_indices = @transform_10, window_bounds = array<i64: 1, 64>}, {pipeline_mode = #tpu.pipeline_mode<synchronous>, transform_indices = @transform_11, window_bounds = array<i64: 128, 64>}, {pipeline_mode = #tpu.pipeline_mode<synchronous>, transform_indices = @transform_12, window_bounds = array<i64: 1, 64>}, {transform_indices = @transform_13, window_bounds = array<i64: 1000, 64>}, {transform_indices = @transform_14, window_bounds = array<i64: 1000, 64>}, {transform_indices = @transform_15, window_bounds = array<i64: 1000, 64>}]} {
    %get3A = arith.constant 0 : index
    %get3A_0 = arith.constant 0 : index
    %get3A_1 = vector.load %arg2[%get3A, %get3A_0] : memref<1000x128xf32, #tpu.memory_space<vmem>>, vector<1000x128xf32>
    %get3A_2 = arith.constant 0 : index
    %get3A_3 = arith.constant 0 : index
    %get3A_4 = vector.load %arg3[%get3A_2, %get3A_3] : memref<1000x128xf32, #tpu.memory_space<vmem>>, vector<1000x128xf32>
    %add3A = arith.addf %get3A_1, %get3A_4 : vector<1000x128xf32>
    %get3A_5 = arith.constant 0 : index
    %get3A_6 = arith.constant 0 : index
    %get3A_7 = vector.load %arg1[%get3A_5, %get3A_6] : memref<1000x128xf32, #tpu.memory_space<vmem>>, vector<1000x128xf32>
    %get3A_8 = arith.constant 0 : index
    %get3A_9 = arith.constant 0 : index
    %get3A_10 = vector.load %arg5[%get3A_8, %get3A_9] : memref<128x128xf32, #tpu.memory_space<vmem>>, vector<128x128xf32>
    %convert_element_type3A = arith.truncf %get3A_7 : vector<1000x128xf32> to vector<1000x128xbf16>
    %convert_element_type3A_11 = arith.truncf %get3A_10 : vector<128x128xf32> to vector<128x128xbf16>
    %dot_general3A = arith.constant dense<0.000000e+00> : vector<1000x128xf32>
    %dot_general3A_12 = tpu.matmul %convert_element_type3A, %convert_element_type3A_11, %dot_general3A {dimension_numbers = #tpu.dot_dimension_numbers<[1], [0], [0], [1], [0, 0, 1, 1], [], []>, transpose_lhs_hint = false} : vector<1000x128xbf16>, vector<128x128xbf16>, vector<1000x128xf32> -> vector<1000x128xf32>
    %get3A_13 = arith.constant 0 : index
    %get3A_14 = arith.constant 0 : index
    %get3A_15 = vector.load %arg6[%get3A_13, %get3A_14] : memref<128x128xf32, #tpu.memory_space<vmem>>, vector<128x128xf32>
    %convert_element_type3A_16 = arith.truncf %add3A : vector<1000x128xf32> to vector<1000x128xbf16>
    %convert_element_type3A_17 = arith.truncf %get3A_15 : vector<128x128xf32> to vector<128x128xbf16>
    %dot_general3A_18 = arith.constant dense<0.000000e+00> : vector<1000x128xf32>
    %dot_general3A_19 = tpu.matmul %convert_element_type3A_16, %convert_element_type3A_17, %dot_general3A_18 {dimension_numbers = #tpu.dot_dimension_numbers<[1], [0], [0], [1], [0, 0, 1, 1], [], []>, transpose_lhs_hint = false} : vector<1000x128xbf16>, vector<128x128xbf16>, vector<1000x128xf32> -> vector<1000x128xf32>
    %add3A_20 = arith.addf %dot_general3A_12, %dot_general3A_19 : vector<1000x128xf32>
    %get3A_21 = arith.constant 0 : index
    %get3A_22 = arith.constant 0 : index
    %get3A_23 = vector.load %arg7[%get3A_21, %get3A_22] : memref<1x128xf32, #tpu.memory_space<vmem>>, vector<1x128xf32>
    %add3A_24 = vector.broadcast %get3A_23 : vector<1x128xf32> to vector<1000x128xf32>
    %add3A_25 = arith.addf %add3A_20, %add3A_24 : vector<1000x128xf32>
    %logistic3A = arith.negf %add3A_25 : vector<1000x128xf32>
    %logistic3A_26 = math.exp %logistic3A : vector<1000x128xf32>
    %logistic3A_27 = arith.constant 1.000000e+00 : f32
    %logistic3A_28 = vector.broadcast %logistic3A_27 : f32 to vector<1000x128xf32>
    %logistic3A_29 = arith.addf %logistic3A_28, %logistic3A_26 : vector<1000x128xf32>
    %logistic3A_30 = arith.divf %logistic3A_28, %logistic3A_29 : vector<1000x128xf32>
    %mul3A = arith.mulf %add3A_25, %logistic3A_30 : vector<1000x128xf32>
    %get3A_31 = arith.constant 0 : index
    %get3A_32 = arith.constant 0 : index
    %get3A_33 = vector.load %arg8[%get3A_31, %get3A_32] : memref<128x128xf32, #tpu.memory_space<vmem>>, vector<128x128xf32>
    %convert_element_type3A_34 = arith.truncf %mul3A : vector<1000x128xf32> to vector<1000x128xbf16>
    %convert_element_type3A_35 = arith.truncf %get3A_33 : vector<128x128xf32> to vector<128x128xbf16>
    %dot_general3A_36 = arith.constant dense<0.000000e+00> : vector<1000x128xf32>
    %dot_general3A_37 = tpu.matmul %convert_element_type3A_34, %convert_element_type3A_35, %dot_general3A_36 {dimension_numbers = #tpu.dot_dimension_numbers<[1], [0], [0], [1], [0, 0, 1, 1], [], []>, transpose_lhs_hint = false} : vector<1000x128xbf16>, vector<128x128xbf16>, vector<1000x128xf32> -> vector<1000x128xf32>
    %get3A_38 = arith.constant 0 : index
    %get3A_39 = arith.constant 0 : index
    %get3A_40 = vector.load %arg9[%get3A_38, %get3A_39] : memref<1x128xf32, #tpu.memory_space<vmem>>, vector<1x128xf32>
    %add3A_41 = vector.broadcast %get3A_40 : vector<1x128xf32> to vector<1000x128xf32>
    %add3A_42 = arith.addf %dot_general3A_37, %add3A_41 : vector<1000x128xf32>
    %get3A_43 = arith.constant 0 : index
    %get3A_44 = arith.constant 0 : index
    %get3A_45 = vector.load %arg10[%get3A_43, %get3A_44] : memref<128x64xf32, #tpu.memory_space<vmem>>, vector<128x64xf32>
    %convert_element_type3A_46 = arith.truncf %add3A_42 : vector<1000x128xf32> to vector<1000x128xbf16>
    %convert_element_type3A_47 = arith.truncf %get3A_45 : vector<128x64xf32> to vector<128x64xbf16>
    %dot_general3A_48 = arith.constant dense<0.000000e+00> : vector<1000x64xf32>
    %dot_general3A_49 = tpu.matmul %convert_element_type3A_46, %convert_element_type3A_47, %dot_general3A_48 {dimension_numbers = #tpu.dot_dimension_numbers<[1], [0], [0], [1], [0, 0, 1, 1], [], []>, transpose_lhs_hint = false} : vector<1000x128xbf16>, vector<128x64xbf16>, vector<1000x64xf32> -> vector<1000x64xf32>
    %get3A_50 = arith.constant 0 : index
    %get3A_51 = arith.constant 0 : index
    %get3A_52 = vector.load %arg11[%get3A_50, %get3A_51] : memref<1x64xf32, #tpu.memory_space<vmem>>, vector<1x64xf32>
    %add3A_53 = vector.broadcast %get3A_52 : vector<1x64xf32> to vector<1000x64xf32>
    %add3A_54 = arith.addf %dot_general3A_49, %add3A_53 : vector<1000x64xf32>
    %get3A_55 = arith.constant 0 : index
    %get3A_56 = arith.constant 0 : index
    %get3A_57 = vector.load %arg12[%get3A_55, %get3A_56] : memref<128x64xf32, #tpu.memory_space<vmem>>, vector<128x64xf32>
    %convert_element_type3A_58 = arith.truncf %add3A_42 : vector<1000x128xf32> to vector<1000x128xbf16>
    %convert_element_type3A_59 = arith.truncf %get3A_57 : vector<128x64xf32> to vector<128x64xbf16>
    %dot_general3A_60 = arith.constant dense<0.000000e+00> : vector<1000x64xf32>
    %dot_general3A_61 = tpu.matmul %convert_element_type3A_58, %convert_element_type3A_59, %dot_general3A_60 {dimension_numbers = #tpu.dot_dimension_numbers<[1], [0], [0], [1], [0, 0, 1, 1], [], []>, transpose_lhs_hint = false} : vector<1000x128xbf16>, vector<128x64xbf16>, vector<1000x64xf32> -> vector<1000x64xf32>
    %get3A_62 = arith.constant 0 : index
    %get3A_63 = arith.constant 0 : index
    %get3A_64 = vector.load %arg13[%get3A_62, %get3A_63] : memref<1x64xf32, #tpu.memory_space<vmem>>, vector<1x64xf32>
    %add3A_65 = vector.broadcast %get3A_64 : vector<1x64xf32> to vector<1000x64xf32>
    %add3A_66 = arith.addf %dot_general3A_61, %add3A_65 : vector<1000x64xf32>
    %swap3A = arith.constant 0 : index
    %swap3A_67 = arith.constant 0 : index
    %swap3A_68 = vector.load %arg15[%swap3A, %swap3A_67] : memref<1000x64xf32, #tpu.memory_space<vmem>>, vector<1000x64xf32>
    tpu.vector_store %arg15[%swap3A, %swap3A_67], %add3A_54 {strides = array<i32>} : memref<1000x64xf32, #tpu.memory_space<vmem>>, vector<1000x64xf32>,
    %swap3A_69 = arith.constant 0 : index
    %swap3A_70 = arith.constant 0 : index
    %swap3A_71 = vector.load %arg16[%swap3A_69, %swap3A_70] : memref<1000x64xf32, #tpu.memory_space<vmem>>, vector<1000x64xf32>
    tpu.vector_store %arg16[%swap3A_69, %swap3A_70], %add3A_66 {strides = array<i32>} : memref<1000x64xf32, #tpu.memory_space<vmem>>, vector<1000x64xf32>,
    %get3A_72 = arith.constant 0 : index
    %get3A_73 = arith.constant 0 : index
    %get3A_74 = vector.load %arg4[%get3A_72, %get3A_73] : memref<1000x64xf32, #tpu.memory_space<vmem>>, vector<1000x64xf32>
    %exp3A = math.exp %add3A_66 : vector<1000x64xf32>
    %mul3A_75 = arith.mulf %get3A_74, %exp3A : vector<1000x64xf32>
    %add3A_76 = arith.addf %mul3A_75, %add3A_54 : vector<1000x64xf32>
    %swap3A_77 = arith.constant 0 : index
    %swap3A_78 = arith.constant 0 : index
    %swap3A_79 = vector.load %arg14[%swap3A_77, %swap3A_78] : memref<1000x64xf32, #tpu.memory_space<vmem>>, vector<1000x64xf32>
    tpu.vector_store %arg14[%swap3A_77, %swap3A_78], %add3A_76 {strides = array<i32>} : memref<1000x64xf32, #tpu.memory_space<vmem>>, vector<1000x64xf32>,
    return
  }
  func.func @transform_0(%arg0: i32) -> (i32, i32) {
    %c0_i32 = arith.constant 0 : i32
    %c0_i32_0 = arith.constant 0 : i32
    return %arg0, %c0_i32 : i32, i32
  }
  func.func @transform_1(%arg0: i32) -> (i32, i32) {
    %c0_i32 = arith.constant 0 : i32
    %c0_i32_0 = arith.constant 0 : i32
    return %arg0, %c0_i32 : i32, i32
  }
  func.func @transform_2(%arg0: i32) -> (i32, i32) {
    %c0_i32 = arith.constant 0 : i32
    %c0_i32_0 = arith.constant 0 : i32
    return %arg0, %c0_i32 : i32, i32
  }
  func.func @transform_3(%arg0: i32) -> (i32, i32) {
    %c0_i32 = arith.constant 0 : i32
    %c0_i32_0 = arith.constant 0 : i32
    return %arg0, %c0_i32 : i32, i32
  }
  func.func @transform_4(%arg0: i32) -> (i32, i32) {
    %c0_i32 = arith.constant 0 : i32
    %c0_i32_0 = arith.constant 0 : i32
    %c0_i32_1 = arith.constant 0 : i32
    return %c0_i32, %c0_i32_0 : i32, i32
  }
  func.func @transform_5(%arg0: i32) -> (i32, i32) {
    %c0_i32 = arith.constant 0 : i32
    %c0_i32_0 = arith.constant 0 : i32
    %c0_i32_1 = arith.constant 0 : i32
    return %c0_i32, %c0_i32_0 : i32, i32
  }
  func.func @transform_6(%arg0: i32) -> (i32, i32) {
    %c0_i32 = arith.constant 0 : i32
    %c0_i32_0 = arith.constant 0 : i32
    %c0_i32_1 = arith.constant 0 : i32
    return %c0_i32, %c0_i32_0 : i32, i32
  }
  func.func @transform_7(%arg0: i32) -> (i32, i32) {
    %c0_i32 = arith.constant 0 : i32
    %c0_i32_0 = arith.constant 0 : i32
    %c0_i32_1 = arith.constant 0 : i32
    return %c0_i32, %c0_i32_0 : i32, i32
  }
  func.func @transform_8(%arg0: i32) -> (i32, i32) {
    %c0_i32 = arith.constant 0 : i32
    %c0_i32_0 = arith.constant 0 : i32
    %c0_i32_1 = arith.constant 0 : i32
    return %c0_i32, %c0_i32_0 : i32, i32
  }
  func.func @transform_9(%arg0: i32) -> (i32, i32) {
    %c0_i32 = arith.constant 0 : i32
    %c0_i32_0 = arith.constant 0 : i32
    %c0_i32_1 = arith.constant 0 : i32
    return %c0_i32, %c0_i32_0 : i32, i32
  }
  func.func @transform_10(%arg0: i32) -> (i32, i32) {
    %c0_i32 = arith.constant 0 : i32
    %c0_i32_0 = arith.constant 0 : i32
    %c0_i32_1 = arith.constant 0 : i32
    return %c0_i32, %c0_i32_0 : i32, i32
  }
  func.func @transform_11(%arg0: i32) -> (i32, i32) {
    %c0_i32 = arith.constant 0 : i32
    %c0_i32_0 = arith.constant 0 : i32
    %c0_i32_1 = arith.constant 0 : i32
    return %c0_i32, %c0_i32_0 : i32, i32
  }
  func.func @transform_12(%arg0: i32) -> (i32, i32) {
    %c0_i32 = arith.constant 0 : i32
    %c0_i32_0 = arith.constant 0 : i32
    %c0_i32_1 = arith.constant 0 : i32
    return %c0_i32, %c0_i32_0 : i32, i32
  }
  func.func @transform_13(%arg0: i32) -> (i32, i32) {
    %c0_i32 = arith.constant 0 : i32
    %c0_i32_0 = arith.constant 0 : i32
    return %arg0, %c0_i32 : i32, i32
  }
  func.func @transform_14(%arg0: i32) -> (i32, i32) {
    %c0_i32 = arith.constant 0 : i32
    %c0_i32_0 = arith.constant 0 : i32
    return %arg0, %c0_i32 : i32, i32
  }
  func.func @transform_15(%arg0: i32) -> (i32, i32) {
    %c0_i32 = arith.constant 0 : i32
    %c0_i32_0 = arith.constant 0 : i32
    return %arg0, %c0_i32 : i32, i32
  }
}

</mosaic_0001>

<sc_bundles>
// kernel: kernel.13.cloned.1.call-start
scs
__scs_entry_jumppad:
0x0: {  	(pc) =	sbr.rel $0x88, $3  }
0x1: {  	(tag) =	ssettag $0x0;
	lr =	simm.s32 $0x1  }
0x2: {  	[smem:$0x3F7E] =	sst lr;
	_ =	strace $0xD0000000  }
0x3: {  	_ = 	snop  }
0x4: {  	_ = 	snop  }
0x5: {  	_ = 	snop  }
0x6: {  	_ = 	snop  }
0x7: {  	_ = 	snop  }
__scs_overlays_trampoline_lowered:
0x8: {  	[smem:$0x3F8D] =	sst s0  }
0x9: {  	[smem:$0x3F8E] =	sst s1  }
0xa: {  	[smem:$0x3F8F] =	sst s2  }
0xb: {  	[smem:$0x3F90] =	sst s3  }
0xc: {  	[smem:$0x3F91] =	sst s4  }
0xd: {  	[smem:$0x3F92] =	sst s5  }
0xe: {  	[smem:$0x3F93] =	sst s6  }
0xf: {  	[smem:$0x3F94] =	sst s7  }
0x10: {  	[smem:$0x3F95] =	sst s8  }
0x11: {  	[smem:$0x3F96] =	sst s9;
	s0 =	simm.s32 @!p0 $0x0  }
0x12: {  	s1 =	sld [smem:$0x3F7C];
	s0 =	simm.s32 @p0 $0x1  }
0x13: {  	[smem:$0x3F97] =	sst s0;
	s0 =	simm.s32 @!p1 $0x0  }
0x14: {  	s2 =	sld [smem:$0x3F7B];
	s0 =	simm.s32 @p1 $0x1  }
0x15: {  	[smem:$0x3F98] =	sst s0;
	s0 =	simm.s32 @!p2 $0x0  }
0x16: {  	s3 =	sld [smem:$0x3FDB];
	s0 =	simm.s32 @p2 $0x1  }
0x17: {  	s4 =	simm.s32 $0x1BF5;
	[smem:$0x3F9A] =	sst s0  }
0x18: {  	s0 =	sld [smem:$0x3F7D];
	_ =	swait.ge [sflag:s4], $0x0  }
0x19: {  	s7 =	sld [smem:$0x3F7E]  }
0x1a: {  	s8 =	sadd.s32 $0xFFFFE003, lr  }
0x1b: {  	s9 =	sadd.s32 $0xFFFFFEF7, lr;
	s5 =	simm.s32 $0xFFFFFFFF;
	p2 =	slt.u32 s8, $0xFFFFF086  }
0x1c: {  	p1 =	slt.u32 s9, $0xF7A;
	s5 =	simm.s32 @!p2 $0x0  }
0x1d: {  	s5 =	simm.s32 @p1 $0x1;
	p0 =	seq.s32 s7, s2  }
0x1e: {  	s7 =	smul.u32 @!p0 $0xF7A, s2;
	p2 =	seq.s32 @!p0 s5, $0x0  }
0x1f: {  	s9 =	smul.u32 $0xF7A, s1;
	s8 =	simm.s32 @!p0 $0x1BF5;
	p2 =	por !p2, p0  }
0x20: {  	[sflag:s8] =	ssyncset.s32 @!p0 $0xFFFFF086;
	s6 =	sadd.s32 @!p0 s3, s7;
	s7 =	simm.s32 @!p0 $0x108  }
0x21: {  	s3 =	sadd.s32 s3, s9;
	s6 =	sadd.s32 @!p0 $0x88, s6;
	s7 =	simm.s32 @p2 $0x1082  }
0x22: {  	[simem:s7], [sflag:s8] =	dma.local @!p0 [hbm:s6], $0xF7A  }
0x23: {  	s9 =	sor.u32 $0xD0000000, s2;
	s6 =	simm.s32 $0x108;
	_ =	swait.ge @!p0 [sflag:s8], $0x0  }
0x24: {  	s3 =	sadd.s32 $0x88, s3;
	s6 =	simm.s32 @!p1 $0x1082;
	[sflag:s4] =	ssyncset.s32 $0xFFFFF086  }
0x25: {  	[simem:s6], [sflag:s4] =	dma.local [hbm:s3], $0xF7A  }
0x26: {  	[smem:$0x3F7E] =	sst s1;
	(tag) =	ssettag s2;
	_ =	strace s9  }
0x27: {  	s1 =	sld [smem:$0x3F8E]  }
0x28: {  	s2 =	sld [smem:$0x3F8F]  }
0x29: {  	s4 =	sld [smem:$0x3F91]  }
0x2a: {  	p0 =	seq.s32 s5, $0x0;
	s5 =	sld [smem:$0x3F92]  }
0x2b: {  	s6 =	sld [smem:$0x3F93]  }
0x2c: {  	s7 =	sld [smem:$0x3F94]  }
0x2d: {  	s3 =	simm.s32 $0x108;
	s8 =	sld [smem:$0x3F95]  }
0x2e: {  	s3 =	simm.s32 @!p0 $0x1082;
	s9 =	sld [smem:$0x3F96]  }
0x2f: {  	lr =	sadd.s32 s0, s3;
	s0 =	sld [smem:$0x3F8D]  }
0x30: {  	s3 =	sld [smem:$0x3F90]  }
0x31: {  	[smem:$0x3F99] =	sst s10  }
0x32: {  	s10 =	sld [smem:$0x3F97];
	_ =	sdelay $0x3  }
0x33: {  	p0 =	seq.s32 s10, $0x1;
	s10 =	sld [smem:$0x3F99];
	_ =	sdelay $0x3  }
0x34: {  	[smem:$0x3F99] =	sst s10  }
0x35: {  	s10 =	sld [smem:$0x3F98];
	_ =	sdelay $0x3  }
0x36: {  	p1 =	seq.s32 s10, $0x1;
	s10 =	sld [smem:$0x3F99];
	_ =	sdelay $0x3  }
0x37: {  	[smem:$0x3F99] =	sst s10  }
0x38: {  	s10 =	sld [smem:$0x3F9A]  }
0x39: {  	_ = 	snop;
	(pc) =	sbr.ind lr, $3  }
0x3a: {  	_ = 	snop  }
0x3b: {  	_ = 	snop  }
0x3c: {  	p2 =	seq.s32 s10, $0x1;
	s10 =	sld [smem:$0x3F99]  }
0x3d: {  	_ =	shalt  }
0x3e: {  	_ =	shalt  }
0x3f: {  	_ =	shalt  }
0x40: {  	_ =	shalt  }
0x41: {  	_ =	shalt  }
0x42: {  	_ =	shalt  }
0x43: {  	_ =	shalt  }
0x44: {  	_ =	shalt  }
0x45: {  	_ =	shalt  }
0x46: {  	_ =	shalt  }
0x47: {  	_ =	shalt  }
0x48: {  	_ =	shalt  }
0x49: {  	_ =	shalt  }
0x4a: {  	_ =	shalt  }
0x4b: {  	_ =	shalt  }
0x4c: {  	_ =	shalt  }
0x4d: {  	_ =	shalt  }
0x4e: {  	_ =	shalt  }
0x4f: {  	_ =	shalt  }
0x50: {  	_ =	shalt  }
0x51: {  	_ =	shalt  }
0x52: {  	_ =	shalt  }
0x53: {  	_ =	shalt  }
0x54: {  	_ =	shalt  }
0x55: {  	_ =	shalt  }
0x56: {  	_ =	shalt  }
0x57: {  	_ =	shalt  }
0x58: {  	_ =	shalt  }
0x59: {  	_ =	shalt  }
0x5a: {  	_ =	shalt  }
0x5b: {  	_ =	shalt  }
0x5c: {  	_ =	shalt  }
0x5d: {  	_ =	shalt  }
0x5e: {  	_ =	shalt  }
0x5f: {  	_ =	shalt  }
0x60: {  	_ =	shalt  }
0x61: {  	_ =	shalt  }
0x62: {  	_ =	shalt  }
0x63: {  	_ =	shalt  }
0x64: {  	_ =	shalt  }
0x65: {  	_ =	shalt  }
0x66: {  	_ =	shalt  }
0x67: {  	_ =	shalt  }
0x68: {  	_ =	shalt  }
0x69: {  	_ =	shalt  }
0x6a: {  	_ =	shalt  }
0x6b: {  	_ =	shalt  }
0x6c: {  	_ =	shalt  }
0x6d: {  	_ =	shalt  }
0x6e: {  	_ =	shalt  }
0x6f: {  	_ =	shalt  }
0x70: {  	_ =	shalt  }
0x71: {  	_ =	shalt  }
0x72: {  	_ =	shalt  }
0x73: {  	_ =	shalt  }
0x74: {  	_ =	shalt  }
0x75: {  	_ =	shalt  }
0x76: {  	_ =	shalt  }
0x77: {  	_ =	shalt  }
0x78: {  	_ =	shalt  }
0x79: {  	_ =	shalt  }
0x7a: {  	_ =	shalt  }
0x7b: {  	_ =	shalt  }
0x7c: {  	_ =	shalt  }
0x7d: {  	_ =	shalt  }
0x7e: {  	_ =	shalt  }
0x7f: {  	_ =	shalt  }
0x80: {  	_ =	shalt  }
0x81: {  	_ =	shalt  }
0x82: {  	_ =	shalt  }
0x83: {  	_ =	shalt  }
0x84: {  	_ =	shalt  }
0x85: {  	_ =	shalt  }
0x86: {  	_ =	shalt  }
0x87: {  	_ =	shalt  }
.Lfunc_end0:
.L_simem_size_0:
called_computation_lowered:
.L_overlay_start_0:
0x88: {  	s2 =	sld [smem:$0x3FD9]  }
0x89: {  	s3 =	sld [smem:$0x3FFE];
	_ =	sdelay $0x1  }
0x8a: {  	s1 =	srdreg.scid  }
0x8b: {  	s0 =	sand.u32 $0x1, s1  }
0x8c: {  	s14 =	sshll.u32 s0, $0xA;
	s2 =	sadd.s32 s3, s2  }
0x8d: {  	s2 =	sadd.s32 s2, s14  }
0x8e: {  	[smem:$0x3FA5] =	sst s2  }
0x8f: {  	_ = 	snop  }
0x90: {  	s2 =	sld [smem:$0x3FD0];
	_ =	sdelay $0x2  }
0x91: {  	s15 =	simm.s32 $0xA;
	s4 =	simm.s32 $0x10  }
0x92: {  	[smem:s4], [sflag:s15] =	dma.local [hbm:s2], $0x1  }
0x93: {  	_ =	swait.eq [sflag:s15], $0x1  }
0x94: {  	[sflag:s15] =	ssyncset.done $0x0  }
0x95: {  	s16 =	sld [smem:$0x11];
	[sflag:s15] =	ssyncadd.s32 $0xFFFFFFFF  }
0x96: {  	s17 =	sld [smem:$0x12];
	(tm) =	ssettm $0x1  }
0x97: {  	s18 =	sld [smem:$0x3FFB];
	_ =	sdelay $0x3  }
0x98: {  	_ =	strace s18  }
0x99: {  	s4 =	sld [smem:$0x3FFC];
	_ =	sdelay $0x3  }
0x9a: {  	_ =	strace s4  }
0x9b: {  	s4 =	sld [smem:$0x3FFD];
	_ =	sdelay $0x3  }
0x9c: {  	_ =	strace s4  }
0x9d: {  	_ =	strace $0x8FFFFFFF  }
0x9e: {  	s19 =	sld [smem:$0x3FDB];
	_ =	sdelay $0x1  }
0x9f: {  	s5 =	simm.s32 $_scs_section_size  }
0xa0: {  	s6 =	simm.s32 $_size__tile_overlayer_lowered;
	s7 =	simm.s32 $_tile_overlayer_lowered  }
0xa1: {  	s22 =	simm.s32 $0x1BFF;
	s21 =	sshll.u32 s7, $0x1;
	s4 =	sadd.s32 s5, s19  }
0xa2: {  	s8 =	simm.s32 $0x0;
	s20 =	sshll.u32 s6, $0x1;
	s6 =	sadd.s32 s21, s4  }
0xa3: {  	[timem:s8], [sflag:s22] =	dma.local [hbm:s6], s20  }
0xa4: {  	_ =	swait.ge [sflag:s22], s20  }
0xa5: {  	s5 =	ssub.s32 $0x0, s20;
	[sflag:s22] =	ssyncset.done $0x0  }
0xa6: {  	[sflag:s22] =	ssyncadd.s32 s5;
	_ =	sdelay $0x1  }
0xa7: {  	s23 =	simm.s32 $0x1B8B  }
0xa8: {  	_ =	swait.ge [sflag:s23], $0x1  }
0xa9: {  	[sflag:s23] =	ssyncset.done $0x0  }
0xaa: {  	s25 =	simm.s32 $0x1B8E;
	s24 =	sld [smem:$0x3FFE];
	[sflag:s23] =	ssyncadd.s32 $0xFFFFFFFF  }
0xab: {  	s26 =	simm.s32 $execute0_lowered;
	[smem:$0x3FD2] =	sst s25  }
0xac: {  	s6 =	sshll.u32 s26, $0x1;
	_ =	strace $0x80000046;
	[dreg:$0x1] =	wrdreg $0xFFFFFFFF  }
0xad: {  	s28 =	simm.s32 $_size_execute0_lowered;
	s4 =	sadd.s32 s4, s6;
	[dreg:$0x0] =	wrdreg $0x0  }
0xae: {  	s6 =	sshll.u32 s28, $0x1;
	[dreg:$0x2] =	wrdreg s4  }
0xaf: {  	[dreg:$0x3] =	wrdreg s6  }
0xb0: {  	[dreg:$0x4] =	wrdreg $0xC0  }
0xb1: {  	_ =	task [dreg:s8], $0x5FFFF  }
0xb2: {  	[dreg:$0x1] =	wrdreg $0xFFFFFFFF  }
0xb3: {  	[dreg:$0x0] =	wrdreg $0x60  }
0xb4: {  	[dreg:$0x2] =	wrdreg s24  }
0xb5: {  	[dreg:$0x3] =	wrdreg s17  }
0xb6: {  	[dreg:$0x4] =	wrdreg s16  }
0xb7: {  	[dreg:$0x5] =	wrdreg $0x9  }
0xb8: {  	_ =	task.clear_ibuf [dreg:s8], $0x6FFFF;
	_ =	strace $0x90000046  }
0xb9: {  	s29 =	simm.s32 $0x9;
	_ =	strace $0x80000048  }
0xba: {  	_ =	swait.ge [sflag:s29], $0x1  }
0xbb: {  	[sflag:s29] =	ssyncadd.s32 $0xFFFFFFFF  }
0xbc: {  	_ =	strace $0x90000048  }
0xbd: {  	_ =	sfence  }
0xbe: {  	s30 =	sld [smem:$0x0];
	_ =	sdelay $0x2  }
0xbf: {  	s31 =	sshll.u32 s1, $0xD;
	s1 =	sshrl.u32 s1, $0x2  }
0xc0: {  	s3 =	sand.u32 $0x4000, s31;
	s1 =	sadd.s32 s1, s30  }
0xc1: {  	s0 =	sor.u32 s3, s0;
	s1 =	sshll.u32 s1, $0x11  }
0xc2: {  	s0 =	sor.u32 s1, s0  }
0xc3: {  	s0 =	sadd.s32 $0x8F2B, s0  }
0xc4: {  	[sflag:s0] =	ssyncadd.remote.s32 $0x1  }
0xc5: {  	_ =	sfence.sel $0xFFFF  }
0xc6: {  	[dreg:$0x0] =	wrdreg $0xFFFFFFFF;
	(pc) =	sbr.abs _section_cstart, $3  }
0xc7: {  	[dreg:$0x1] =	wrdreg $0xFFFFFFFF  }
0xc8: {  	_ =	task.clear_ibuf [dreg:s8], $0x2FFFF;
	_ =	strace $0x9FFFFFFF  }
0xc9: {  	(tm) =	ssettm $0x7FFFFFFF  }
tec
execute0_lowered:
.L_overlay_start_1:
0x0: {  	(tag) =	ssettag $0x1  }
0x1: {  	s0 =	rddreg [dreg:$0x0]  }
0x2: {  	s1 =	rddreg [dreg:$0x1]  }
0x3: {  	s6 =	rddreg [dreg:$0x2];
	s2 =	simm.s32 $0x0;
	s10 =	stileid.u32  }
0x4: {  	s3 =	srdreg.scid;
	s25 =	simm.s32 $0x8800;
	s26 =	simm.s32 $0x9000  }
0x5: {  	s11 =	simm.s32 $0x9800;
	s12 =	simm.s32 $0xA000;
	s13 =	simm.s32 $0xA800  }
0x6: {  	s14 =	simm.s32 $0xB000;
	s15 =	simm.s32 $0xB800;
	s16 =	simm.s32 $0xC000  }
0x7: {  	s17 =	simm.s32 $0xC800;
	s18 =	simm.s32 $0xD000;
	s19 =	simm.s32 $0xD800  }
0x8: {  	s20 =	simm.s32 $0xE000;
	s21 =	simm.s32 $0xE800;
	s22 =	simm.s32 $0xF000  }
0x9: {  	s28 =	simm.s32 $0x11800;
	s29 =	simm.s32 $0x1;
	s30 =	simm.s32 $0x2  }
0xa: {  	s31 =	simm.s32 $0x0;
	[smem:$0x7FF] =	sst s2;
	s5 =	smul.u32 $0x9C400, s10  }
0xb: {  	s7 =	sand.u32 $0x1, s3;
	s3 =	sadd.s32 $0x7E800, s0;
	s4 =	sadd.s32 $0x30600, s0  }
0xc: {  	s10 =	sshll.u32 s10, $0xC;
	_ =	strace $0x80000047;
	s8 =	ssub.s32 $0x2, s7  }
0xd: {  	s9 =	smul.u32 $0x4E200, s7;
	s7 =	sshll.u32 s7, $0xB;
	[dreg:$0x6] =	wrdreg s25  }
0xe: {  	[dreg:$0x7] =	wrdreg s26;
	s25 =	simm.s32 $0x10800;
	s26 =	simm.s32 $0x11000  }
0xf: {  	s0 =	sadd.s32 s5, s0;
	s23 =	sshrl.u32 s8, $0x1;
	s7 =	sor.u32 s7, s10  }
0x10: {  	s10 =	simm.s32 $0x8000;
	s0 =	sadd.s32 s9, s0;
	s1 =	sadd.s32 s1, s7  }
0x11: {  	s8 =	ssub.s32 s8, s23;
	s24 =	sadd.s32 s6, s7;
	[dreg:$0x8] =	wrdreg s1  }
0x12: {  	v2 =	vlaneseq.u32;
	s23 =	simm.s32 $0xF800;
	s9 =	sadd.s32 $0xA90A00, s0;
	[dreg:$0x9] =	wrdreg s24  }
0x13: {  	vm0 =	vmmov $0xffff;
	v1 =	vshrl.u32 v2, $0x3;
	s0 =	sadd.s32 $0xCCA00, s0;
	s7 =	smax.u32 s8, $0x1;
	[dreg:$0x4] =	wrdreg s9  }
0x14: {  	v0 =	vand.u32 $0x7, v2;
	v2 =	vor.u32 $0x8, v2;
	v1 =	vmul.u32 $0x8, v1;
	s8 =	simm.s32 $0x3;
	s24 =	simm.s32 $0x10000;
	[dreg:$0x5] =	wrdreg s0  }
.LBB2_1:
0x15: {  	s0 =	rddreg [dreg:$0x8]  }
0x16: {  	[tilespmem:s2], [sflag:$0x3] =	stream.linear.gather [hbm4b:s0+s2], $0x3E80, $0x38;
	[tilespmem:$0x12000] =	vst v63  }
0x17: {  	_ =	swait.ge [sflag:s8], $0x3E80  }
0x18: {  	[sflag:s8] =	ssyncset.done $0x0  }
0x19: {  	s1 =	simm.s32 $0x4000;
	s9 =	rddreg [dreg:$0x9];
	[sflag:s8] =	ssyncadd.s32 $0xFFFFC180  }
0x1a: {  	[tilespmem:s1], [sflag:$0x3] =	stream.linear.gather [hbm4b:s9+s2], $0x3E80, $0x38;
	[tilespmem:$0x12000] =	vst v63  }
0x1b: {  	_ =	swait.ge [sflag:s8], $0x3E80  }
0x1c: {  	s0 =	simm.s32 $0x4020;
	[sflag:s8] =	ssyncset.done $0x0  }
0x1d: {  	s1 =	simm.s32 $0x20;
	s9 =	simm.s32 $0x0;
	[sflag:s8] =	ssyncadd.s32 $0xFFFFC180  }
.LBB2_2:
0x1e: {  	v3 =	vld [tilespmem:s1+$0xFFFFFFE0];
	_ =	sdelay $0x4  }
0x1f: {  	v4 =	vshll.u32 v3, $0x1  }
0x20: {  	v3 =	vand.u32 $0x7, v3;
	v4 =	vand.u32 $0xFFFFFFF0, v4  }
0x21: {  	v3 =	vor.u32 v3, v4  }
0x22: {  	v4 =	vperm.xlane v3, v0;
	_ =	sdelay $0x1  }
0x23: {  	v3 =	vperm.xlane v3, v2;
	v4 =	vadd.s32 v1, v4;
	_ =	sdelay $0x1  }
0x24: {  	v3 =	vadd.s32 v1, v3;
	_ =	sdelay $0x2  }
0x25: {  	[tilespmem:s10], [sflag:$0x1] =	stream.indirect_vreg.gather [hbm4b:s3+s2], $0x80, v4, vm0, $0xb8;
	[tilespmem:$0x12000] =	vst v63  }
0x26: {  	s5 =	rddreg [dreg:$0x6]  }
0x27: {  	[tilespmem:s5], [sflag:$0x1] =	stream.indirect_vreg.gather [hbm4b:s3+s2], $0x80, v3, vm0, $0xb8;
	[tilespmem:$0x12000] =	vst v63  }
0x28: {  	v3 =	vld [tilespmem:s1+$0xFFFFFFF0];
	_ =	sdelay $0x4  }
0x29: {  	v55 =	vshll.u32 v3, $0x1  }
0x2a: {  	v3 =	vand.u32 $0x7, v3;
	v4 =	vand.u32 $0xFFFFFFF0, v55  }
0x2b: {  	v3 =	vor.u32 v3, v4  }
0x2c: {  	v4 =	vperm.xlane v3, v0;
	_ =	sdelay $0x1  }
0x2d: {  	v3 =	vperm.xlane v3, v2;
	v4 =	vadd.s32 v1, v4;
	_ =	sdelay $0x1  }
0x2e: {  	v3 =	vadd.s32 v1, v3;
	_ =	sdelay $0x1  }
0x2f: {  	s6 =	rddreg [dreg:$0x7]  }
0x30: {  	[tilespmem:s6], [sflag:$0x1] =	stream.indirect_vreg.gather [hbm4b:s3+s2], $0x80, v4, vm0, $0xb8;
	[tilespmem:$0x12000] =	vst v63  }
0x31: {  	_ = 	snop  }
0x32: {  	[tilespmem:s11], [sflag:$0x1] =	stream.indirect_vreg.gather [hbm4b:s3+s2], $0x80, v3, vm0, $0xb8;
	[tilespmem:$0x12000] =	vst v63  }
0x33: {  	v3 =	vld [tilespmem:s1+$0x0];
	_ =	sdelay $0x4  }
0x34: {  	v56 =	vshll.u32 v3, $0x1  }
0x35: {  	v3 =	vand.u32 $0x7, v3;
	v4 =	vand.u32 $0xFFFFFFF0, v56  }
0x36: {  	v3 =	vor.u32 v3, v4  }
0x37: {  	v4 =	vperm.xlane v3, v0;
	_ =	sdelay $0x1  }
0x38: {  	v3 =	vperm.xlane v3, v2;
	v4 =	vadd.s32 v1, v4;
	_ =	sdelay $0x1  }
0x39: {  	v3 =	vadd.s32 v1, v3;
	_ =	sdelay $0x2  }
0x3a: {  	[tilespmem:s12], [sflag:$0x1] =	stream.indirect_vreg.gather [hbm4b:s3+s2], $0x80, v4, vm0, $0xb8;
	[tilespmem:$0x12000] =	vst v63  }
0x3b: {  	_ = 	snop  }
0x3c: {  	[tilespmem:s13], [sflag:$0x1] =	stream.indirect_vreg.gather [hbm4b:s3+s2], $0x80, v3, vm0, $0xb8;
	[tilespmem:$0x12000] =	vst v63  }
0x3d: {  	v3 =	vld [tilespmem:s1+$0x10];
	_ =	sdelay $0x4  }
0x3e: {  	v57 =	vshll.u32 v3, $0x1  }
0x3f: {  	v3 =	vand.u32 $0x7, v3;
	v4 =	vand.u32 $0xFFFFFFF0, v57  }
0x40: {  	v3 =	vor.u32 v3, v4  }
0x41: {  	v4 =	vperm.xlane v3, v0;
	_ =	sdelay $0x1  }
0x42: {  	v3 =	vperm.xlane v3, v2;
	v4 =	vadd.s32 v1, v4;
	_ =	sdelay $0x1  }
0x43: {  	v3 =	vadd.s32 v1, v3;
	_ =	sdelay $0x2  }
0x44: {  	[tilespmem:s14], [sflag:$0x1] =	stream.indirect_vreg.gather [hbm4b:s3+s2], $0x80, v4, vm0, $0xb8;
	[tilespmem:$0x12000] =	vst v63  }
0x45: {  	_ = 	snop  }
0x46: {  	[tilespmem:s15], [sflag:$0x1] =	stream.indirect_vreg.gather [hbm4b:s3+s2], $0x80, v3, vm0, $0xb8;
	[tilespmem:$0x12000] =	vst v63  }
0x47: {  	v3 =	vld [tilespmem:s1+$0x20];
	_ =	sdelay $0x4  }
0x48: {  	v58 =	vshll.u32 v3, $0x1  }
0x49: {  	v3 =	vand.u32 $0x7, v3;
	v4 =	vand.u32 $0xFFFFFFF0, v58  }
0x4a: {  	v3 =	vor.u32 v3, v4  }
0x4b: {  	v4 =	vperm.xlane v3, v0;
	_ =	sdelay $0x1  }
0x4c: {  	v3 =	vperm.xlane v3, v2;
	v4 =	vadd.s32 v1, v4;
	_ =	sdelay $0x1  }
0x4d: {  	v3 =	vadd.s32 v1, v3;
	_ =	sdelay $0x2  }
0x4e: {  	[tilespmem:s16], [sflag:$0x1] =	stream.indirect_vreg.gather [hbm4b:s3+s2], $0x80, v4, vm0, $0xb8;
	[tilespmem:$0x12000] =	vst v63  }
0x4f: {  	_ = 	snop  }
0x50: {  	[tilespmem:s17], [sflag:$0x1] =	stream.indirect_vreg.gather [hbm4b:s3+s2], $0x80, v3, vm0, $0xb8;
	[tilespmem:$0x12000] =	vst v63  }
0x51: {  	v3 =	vld [tilespmem:s0+$0xFFFFFFE0];
	_ =	sdelay $0x4  }
0x52: {  	v59 =	vshll.u32 v3, $0x1  }
0x53: {  	v3 =	vand.u32 $0x7, v3;
	v4 =	vand.u32 $0xFFFFFFF0, v59  }
0x54: {  	v3 =	vor.u32 v3, v4  }
0x55: {  	v4 =	vperm.xlane v3, v0;
	_ =	sdelay $0x1  }
0x56: {  	v3 =	vperm.xlane v3, v2;
	v4 =	vadd.s32 v1, v4;
	_ =	sdelay $0x1  }
0x57: {  	v3 =	vadd.s32 v1, v3;
	_ =	sdelay $0x2  }
0x58: {  	[tilespmem:s18], [sflag:$0x2] =	stream.indirect_vreg.gather [hbm4b:s4+s2], $0x80, v4, vm0, $0xb8;
	[tilespmem:$0x12000] =	vst v63  }
0x59: {  	_ = 	snop  }
0x5a: {  	[tilespmem:s19], [sflag:$0x2] =	stream.indirect_vreg.gather [hbm4b:s4+s2], $0x80, v3, vm0, $0xb8;
	[tilespmem:$0x12000] =	vst v63  }
0x5b: {  	v3 =	vld [tilespmem:s0+$0xFFFFFFF0];
	_ =	sdelay $0x4  }
0x5c: {  	v60 =	vshll.u32 v3, $0x1  }
0x5d: {  	v3 =	vand.u32 $0x7, v3;
	v4 =	vand.u32 $0xFFFFFFF0, v60  }
0x5e: {  	v3 =	vor.u32 v3, v4  }
0x5f: {  	v4 =	vperm.xlane v3, v0;
	_ =	sdelay $0x1  }
0x60: {  	v3 =	vperm.xlane v3, v2;
	v4 =	vadd.s32 v1, v4;
	_ =	sdelay $0x1  }
0x61: {  	v3 =	vadd.s32 v1, v3;
	_ =	sdelay $0x2  }
0x62: {  	[tilespmem:s20], [sflag:$0x2] =	stream.indirect_vreg.gather [hbm4b:s4+s2], $0x80, v4, vm0, $0xb8;
	[tilespmem:$0x12000] =	vst v63  }
0x63: {  	_ = 	snop  }
0x64: {  	[tilespmem:s21], [sflag:$0x2] =	stream.indirect_vreg.gather [hbm4b:s4+s2], $0x80, v3, vm0, $0xb8;
	[tilespmem:$0x12000] =	vst v63  }
0x65: {  	v3 =	vld [tilespmem:s0+$0x0];
	_ =	sdelay $0x4  }
0x66: {  	v61 =	vshll.u32 v3, $0x1  }
0x67: {  	v3 =	vand.u32 $0x7, v3;
	v4 =	vand.u32 $0xFFFFFFF0, v61  }
0x68: {  	v3 =	vor.u32 v3, v4  }
0x69: {  	v4 =	vperm.xlane v3, v0;
	_ =	sdelay $0x1  }
0x6a: {  	v3 =	vperm.xlane v3, v2;
	v4 =	vadd.s32 v1, v4;
	_ =	sdelay $0x1  }
0x6b: {  	v3 =	vadd.s32 v1, v3;
	_ =	sdelay $0x2  }
0x6c: {  	[tilespmem:s22], [sflag:$0x2] =	stream.indirect_vreg.gather [hbm4b:s4+s2], $0x80, v4, vm0, $0xb8;
	[tilespmem:$0x12000] =	vst v63  }
0x6d: {  	_ = 	snop  }
0x6e: {  	[tilespmem:s23], [sflag:$0x2] =	stream.indirect_vreg.gather [hbm4b:s4+s2], $0x80, v3, vm0, $0xb8;
	[tilespmem:$0x12000] =	vst v63  }
0x6f: {  	v3 =	vld [tilespmem:s0+$0x10];
	_ =	sdelay $0x4  }
0x70: {  	v62 =	vshll.u32 v3, $0x1  }
0x71: {  	v3 =	vand.u32 $0x7, v3;
	v4 =	vand.u32 $0xFFFFFFF0, v62  }
0x72: {  	v3 =	vor.u32 v3, v4  }
0x73: {  	v4 =	vperm.xlane v3, v0;
	_ =	sdelay $0x1  }
0x74: {  	v3 =	vperm.xlane v3, v2;
	v4 =	vadd.s32 v1, v4;
	_ =	sdelay $0x1  }
0x75: {  	v3 =	vadd.s32 v1, v3;
	_ =	sdelay $0x2  }
0x76: {  	[tilespmem:s24], [sflag:$0x2] =	stream.indirect_vreg.gather [hbm4b:s4+s2], $0x80, v4, vm0, $0xb8;
	[tilespmem:$0x12000] =	vst v63  }
0x77: {  	_ = 	snop  }
0x78: {  	[tilespmem:s25], [sflag:$0x2] =	stream.indirect_vreg.gather [hbm4b:s4+s2], $0x80, v3, vm0, $0xb8;
	[tilespmem:$0x12000] =	vst v63  }
0x79: {  	v3 =	vld [tilespmem:s0+$0x20];
	_ =	sdelay $0x4  }
0x7a: {  	v63 =	vshll.u32 v3, $0x1  }
0x7b: {  	v3 =	vand.u32 $0x7, v3;
	v4 =	vand.u32 $0xFFFFFFF0, v63  }
0x7c: {  	v3 =	vor.u32 v3, v4  }
0x7d: {  	v4 =	vperm.xlane v3, v0;
	_ =	sdelay $0x1  }
0x7e: {  	v3 =	vperm.xlane v3, v2;
	v4 =	vadd.s32 v1, v4;
	_ =	sdelay $0x1  }
0x7f: {  	v3 =	vadd.s32 v1, v3;
	_ =	sdelay $0x2  }
0x80: {  	[tilespmem:s26], [sflag:$0x2] =	stream.indirect_vreg.gather [hbm4b:s4+s2], $0x80, v4, vm0, $0xb8;
	[tilespmem:$0x12000] =	vst v63  }
0x81: {  	_ = 	snop  }
0x82: {  	[tilespmem:s28], [sflag:$0x2] =	stream.indirect_vreg.gather [hbm4b:s4+s2], $0x80, v3, vm0, $0xb8;
	[tilespmem:$0x12000] =	vst v63  }
0x83: {  	_ =	swait.ge [sflag:s29], $0x5000  }
0x84: {  	[sflag:s29] =	ssyncset.done $0x0  }
0x85: {  	[sflag:s29] =	ssyncadd.s32 $0xFFFFB000  }
0x86: {  	_ =	swait.ge [sflag:s30], $0x5000  }
0x87: {  	s5 =	rddreg [dreg:$0x5];
	[sflag:s30] =	ssyncset.done $0x0  }
0x88: {  	s6 =	rddreg [dreg:$0x4];
	[sflag:s30] =	ssyncadd.s32 $0xFFFFB000;
	s5 =	sadd.s32 s9, s5  }
0x89: {  	[hbm4b:s5+s2] =	stream.linear.scatter [tilespmem:s10], [sflag:$0x1], $0x5000, $0x38;
	[tilespmem:$0x12000] =	vst v63  }
0x8a: {  	s6 =	sadd.s32 s9, s6  }
0x8b: {  	[hbm4b:s6+s2] =	stream.linear.scatter [tilespmem:s18], [sflag:$0x2], $0x5000, $0x38;
	[tilespmem:$0x12000] =	vst v63  }
0x8c: {  	p0 =	sne.s32 s9, $0x4D800;
	_ =	swait.ge [sflag:s29], $0x5000  }
.Ltmp0:
0x8d: {  	[sflag:s29] =	ssyncset.done $0x0;
	(pc) =	sbr.rel @p0 .LBB2_2-.Ltmp0, $4  }
0x8e: {  	[sflag:s29] =	ssyncadd.s32 $0xFFFFB000  }
0x8f: {  	_ =	swait.ge [sflag:s30], $0x5000  }
0x90: {  	s1 =	sadd.s32 $0x80, s1;
	[sflag:s30] =	ssyncset.done $0x0  }
0x91: {  	s0 =	sadd.s32 $0x80, s0;
	s9 =	sadd.s32 $0xA00, s9;
	[sflag:s30] =	ssyncadd.s32 $0xFFFFB000  }
0x92: {  	s31 =	sadd.s32 $0x1, s31  }
0x93: {  	p0 =	sne.s32 s31, s7  }
.Ltmp1:
0x94: {  	_ = 	snop;
	(pc) =	sbr.rel @p0 .LBB2_1-.Ltmp1, $1  }
0x95: {  	_ =	sdelay $0x3  }
0x96: {  	_ =	sfence.sel $0x180000  }
0x97: {  	[bflag:$0x0] =	sbarrier.arrive $0xFFFF  }
0x98: {  	_ =	strace $0x90000047  }
0x99: {  	s0 =	stileid.u32;
	[bflag:$0x2] =	sbarrier.arrive $0xFFFF  }
0x9a: {  	p0 =	sne.s32 s0, $0x0;
	s0 =	rddreg [dreg:$0x3]  }
0x9b: {  	s0 =	sadd.s32 @!p0 $0x100000, s0  }
0x9c: {  	[sflag:s0] =	ssyncadd.tile.s32 @!p0 $0x1;
	_ =	shalt  }
.Lfunc_end2:
_tile_overlayer_lowered:
.L_overlay_start_2:
0x9d: {  	(tag) =	ssettag $0x2  }
0x9e: {  	s0 =	rddreg [dreg:$0x0];
	s2 =	stileid.u32  }
0x9f: {  	s1 =	rddreg [dreg:$0x1];
	p0 =	sne.s32 s2, $0x0  }
0xa0: {  	s3 =	rddreg [dreg:$0x2];
	[bflag:$0x3] =	sbarrier.arrive $0xFFFF;
	s2 =	simm.s32 @!p0 $0x1C03  }
0xa1: {  	[timem:s3], [sflag:s2] =	dma.local @!p0 [hbm:s0], s1  }
0xa2: {  	s0 =	simm.s32 @!p0 $0x3  }
0xa3: {  	_ =	swait.ge @!p0 [sflag:s0], s1  }
0xa4: {  	s1 =	ssub.s32 @!p0 $0x0, s1;
	[sflag:s0] =	ssyncset.done @!p0 $0x0  }
0xa5: {  	[sflag:s0] =	ssyncadd.s32 @!p0 s1  }
0xa6: {  	[bflag:$0x3] =	sbarrier.arrive $0xFFFF  }
0xa7: {  	_ =	shalt  }

// kernel: kernel.16.cloned.1.call-start
scs
__scs_entry_jumppad:
0x0: {  	(pc) =	sbr.rel $0x88, $3  }
0x1: {  	(tag) =	ssettag $0x0;
	lr =	simm.s32 $0x1  }
0x2: {  	[smem:$0x3F7E] =	sst lr;
	_ =	strace $0xD0000000  }
0x3: {  	_ = 	snop  }
0x4: {  	_ = 	snop  }
0x5: {  	_ = 	snop  }
0x6: {  	_ = 	snop  }
0x7: {  	_ = 	snop  }
__scs_overlays_trampoline_lowered:
0x8: {  	[smem:$0x3F8D] =	sst s0  }
0x9: {  	[smem:$0x3F8E] =	sst s1  }
0xa: {  	[smem:$0x3F8F] =	sst s2  }
0xb: {  	[smem:$0x3F90] =	sst s3  }
0xc: {  	[smem:$0x3F91] =	sst s4  }
0xd: {  	[smem:$0x3F92] =	sst s5  }
0xe: {  	[smem:$0x3F93] =	sst s6  }
0xf: {  	[smem:$0x3F94] =	sst s7  }
0x10: {  	[smem:$0x3F95] =	sst s8  }
0x11: {  	[smem:$0x3F96] =	sst s9;
	s0 =	simm.s32 @!p0 $0x0  }
0x12: {  	s1 =	sld [smem:$0x3F7C];
	s0 =	simm.s32 @p0 $0x1  }
0x13: {  	[smem:$0x3F97] =	sst s0;
	s0 =	simm.s32 @!p1 $0x0  }
0x14: {  	s2 =	sld [smem:$0x3F7B];
	s0 =	simm.s32 @p1 $0x1  }
0x15: {  	[smem:$0x3F98] =	sst s0;
	s0 =	simm.s32 @!p2 $0x0  }
0x16: {  	s3 =	sld [smem:$0x3FDB];
	s0 =	simm.s32 @p2 $0x1  }
0x17: {  	s4 =	simm.s32 $0x1BF5;
	[smem:$0x3F9A] =	sst s0  }
0x18: {  	s0 =	sld [smem:$0x3F7D];
	_ =	swait.ge [sflag:s4], $0x0  }
0x19: {  	s7 =	sld [smem:$0x3F7E]  }
0x1a: {  	s8 =	sadd.s32 $0xFFFFE003, lr  }
0x1b: {  	s9 =	sadd.s32 $0xFFFFFEF7, lr;
	s5 =	simm.s32 $0xFFFFFFFF;
	p2 =	slt.u32 s8, $0xFFFFF086  }
0x1c: {  	p1 =	slt.u32 s9, $0xF7A;
	s5 =	simm.s32 @!p2 $0x0  }
0x1d: {  	s5 =	simm.s32 @p1 $0x1;
	p0 =	seq.s32 s7, s2  }
0x1e: {  	s7 =	smul.u32 @!p0 $0xF7A, s2;
	p2 =	seq.s32 @!p0 s5, $0x0  }
0x1f: {  	s9 =	smul.u32 $0xF7A, s1;
	s8 =	simm.s32 @!p0 $0x1BF5;
	p2 =	por !p2, p0  }
0x20: {  	[sflag:s8] =	ssyncset.s32 @!p0 $0xFFFFF086;
	s6 =	sadd.s32 @!p0 s3, s7;
	s7 =	simm.s32 @!p0 $0x108  }
0x21: {  	s3 =	sadd.s32 s3, s9;
	s6 =	sadd.s32 @!p0 $0x88, s6;
	s7 =	simm.s32 @p2 $0x1082  }
0x22: {  	[simem:s7], [sflag:s8] =	dma.local @!p0 [hbm:s6], $0xF7A  }
0x23: {  	s9 =	sor.u32 $0xD0000000, s2;
	s6 =	simm.s32 $0x108;
	_ =	swait.ge @!p0 [sflag:s8], $0x0  }
0x24: {  	s3 =	sadd.s32 $0x88, s3;
	s6 =	simm.s32 @!p1 $0x1082;
	[sflag:s4] =	ssyncset.s32 $0xFFFFF086  }
0x25: {  	[simem:s6], [sflag:s4] =	dma.local [hbm:s3], $0xF7A  }
0x26: {  	[smem:$0x3F7E] =	sst s1;
	(tag) =	ssettag s2;
	_ =	strace s9  }
0x27: {  	s1 =	sld [smem:$0x3F8E]  }
0x28: {  	s2 =	sld [smem:$0x3F8F]  }
0x29: {  	s4 =	sld [smem:$0x3F91]  }
0x2a: {  	p0 =	seq.s32 s5, $0x0;
	s5 =	sld [smem:$0x3F92]  }
0x2b: {  	s6 =	sld [smem:$0x3F93]  }
0x2c: {  	s7 =	sld [smem:$0x3F94]  }
0x2d: {  	s3 =	simm.s32 $0x108;
	s8 =	sld [smem:$0x3F95]  }
0x2e: {  	s3 =	simm.s32 @!p0 $0x1082;
	s9 =	sld [smem:$0x3F96]  }
0x2f: {  	lr =	sadd.s32 s0, s3;
	s0 =	sld [smem:$0x3F8D]  }
0x30: {  	s3 =	sld [smem:$0x3F90]  }
0x31: {  	[smem:$0x3F99] =	sst s10  }
0x32: {  	s10 =	sld [smem:$0x3F97];
	_ =	sdelay $0x3  }
0x33: {  	p0 =	seq.s32 s10, $0x1;
	s10 =	sld [smem:$0x3F99];
	_ =	sdelay $0x3  }
0x34: {  	[smem:$0x3F99] =	sst s10  }
0x35: {  	s10 =	sld [smem:$0x3F98];
	_ =	sdelay $0x3  }
0x36: {  	p1 =	seq.s32 s10, $0x1;
	s10 =	sld [smem:$0x3F99];
	_ =	sdelay $0x3  }
0x37: {  	[smem:$0x3F99] =	sst s10  }
0x38: {  	s10 =	sld [smem:$0x3F9A]  }
0x39: {  	_ = 	snop;
	(pc) =	sbr.ind lr, $3  }
0x3a: {  	_ = 	snop  }
0x3b: {  	_ = 	snop  }
0x3c: {  	p2 =	seq.s32 s10, $0x1;
	s10 =	sld [smem:$0x3F99]  }
0x3d: {  	_ =	shalt  }
0x3e: {  	_ =	shalt  }
0x3f: {  	_ =	shalt  }
0x40: {  	_ =	shalt  }
0x41: {  	_ =	shalt  }
0x42: {  	_ =	shalt  }
0x43: {  	_ =	shalt  }
0x44: {  	_ =	shalt  }
0x45: {  	_ =	shalt  }
0x46: {  	_ =	shalt  }
0x47: {  	_ =	shalt  }
0x48: {  	_ =	shalt  }
0x49: {  	_ =	shalt  }
0x4a: {  	_ =	shalt  }
0x4b: {  	_ =	shalt  }
0x4c: {  	_ =	shalt  }
0x4d: {  	_ =	shalt  }
0x4e: {  	_ =	shalt  }
0x4f: {  	_ =	shalt  }
0x50: {  	_ =	shalt  }
0x51: {  	_ =	shalt  }
0x52: {  	_ =	shalt  }
0x53: {  	_ =	shalt  }
0x54: {  	_ =	shalt  }
0x55: {  	_ =	shalt  }
0x56: {  	_ =	shalt  }
0x57: {  	_ =	shalt  }
0x58: {  	_ =	shalt  }
0x59: {  	_ =	shalt  }
0x5a: {  	_ =	shalt  }
0x5b: {  	_ =	shalt  }
0x5c: {  	_ =	shalt  }
0x5d: {  	_ =	shalt  }
0x5e: {  	_ =	shalt  }
0x5f: {  	_ =	shalt  }
0x60: {  	_ =	shalt  }
0x61: {  	_ =	shalt  }
0x62: {  	_ =	shalt  }
0x63: {  	_ =	shalt  }
0x64: {  	_ =	shalt  }
0x65: {  	_ =	shalt  }
0x66: {  	_ =	shalt  }
0x67: {  	_ =	shalt  }
0x68: {  	_ =	shalt  }
0x69: {  	_ =	shalt  }
0x6a: {  	_ =	shalt  }
0x6b: {  	_ =	shalt  }
0x6c: {  	_ =	shalt  }
0x6d: {  	_ =	shalt  }
0x6e: {  	_ =	shalt  }
0x6f: {  	_ =	shalt  }
0x70: {  	_ =	shalt  }
0x71: {  	_ =	shalt  }
0x72: {  	_ =	shalt  }
0x73: {  	_ =	shalt  }
0x74: {  	_ =	shalt  }
0x75: {  	_ =	shalt  }
0x76: {  	_ =	shalt  }
0x77: {  	_ =	shalt  }
0x78: {  	_ =	shalt  }
0x79: {  	_ =	shalt  }
0x7a: {  	_ =	shalt  }
0x7b: {  	_ =	shalt  }
0x7c: {  	_ =	shalt  }
0x7d: {  	_ =	shalt  }
0x7e: {  	_ =	shalt  }
0x7f: {  	_ =	shalt  }
0x80: {  	_ =	shalt  }
0x81: {  	_ =	shalt  }
0x82: {  	_ =	shalt  }
0x83: {  	_ =	shalt  }
0x84: {  	_ =	shalt  }
0x85: {  	_ =	shalt  }
0x86: {  	_ =	shalt  }
0x87: {  	_ =	shalt  }
.Lfunc_end0:
.L_simem_size_0:
called_computation.1_lowered:
.L_overlay_start_0:
0x88: {  	s2 =	sld [smem:$0x3FD9]  }
0x89: {  	s3 =	sld [smem:$0x3FFE];
	_ =	sdelay $0x1  }
0x8a: {  	s1 =	srdreg.scid  }
0x8b: {  	s0 =	sand.u32 $0x1, s1  }
0x8c: {  	s14 =	sshll.u32 s0, $0xA;
	s2 =	sadd.s32 s3, s2  }
0x8d: {  	s2 =	sadd.s32 s2, s14  }
0x8e: {  	[smem:$0x3FA5] =	sst s2  }
0x8f: {  	_ = 	snop  }
0x90: {  	s2 =	sld [smem:$0x3FD0];
	_ =	sdelay $0x2  }
0x91: {  	s15 =	simm.s32 $0xA;
	s4 =	simm.s32 $0x10  }
0x92: {  	[smem:s4], [sflag:s15] =	dma.local [hbm:s2], $0x1  }
0x93: {  	_ =	swait.eq [sflag:s15], $0x1  }
0x94: {  	[sflag:s15] =	ssyncset.done $0x0  }
0x95: {  	[sflag:s15] =	ssyncadd.s32 $0xFFFFFFFF  }
0x96: {  	s16 =	sld [smem:$0x11];
	(tm) =	ssettm $0x1  }
0x97: {  	s17 =	sld [smem:$0x3FFB];
	_ =	sdelay $0x3  }
0x98: {  	_ =	strace s17  }
0x99: {  	s3 =	sld [smem:$0x3FFC];
	_ =	sdelay $0x3  }
0x9a: {  	_ =	strace s3  }
0x9b: {  	s3 =	sld [smem:$0x3FFD];
	_ =	sdelay $0x3  }
0x9c: {  	_ =	strace s3  }
0x9d: {  	_ =	strace $0x8FFFFFFF  }
0x9e: {  	s18 =	sld [smem:$0x3FDB];
	_ =	sdelay $0x1  }
0x9f: {  	s19 =	simm.s32 $_scs_section_size  }
0xa0: {  	s5 =	simm.s32 $_size__tile_overlayer_lowered;
	s6 =	simm.s32 $_tile_overlayer_lowered  }
0xa1: {  	s22 =	simm.s32 $0x1BFF;
	s21 =	sshll.u32 s6, $0x1;
	s3 =	sadd.s32 s19, s18  }
0xa2: {  	s7 =	simm.s32 $0x0;
	s20 =	sshll.u32 s5, $0x1;
	s5 =	sadd.s32 s21, s3  }
0xa3: {  	[timem:s7], [sflag:s22] =	dma.local [hbm:s5], s20  }
0xa4: {  	_ =	swait.ge [sflag:s22], s20  }
0xa5: {  	s4 =	ssub.s32 $0x0, s20;
	[sflag:s22] =	ssyncset.done $0x0  }
0xa6: {  	[sflag:s22] =	ssyncadd.s32 s4;
	_ =	sdelay $0x1  }
0xa7: {  	s23 =	simm.s32 $0x1B8B  }
0xa8: {  	_ =	swait.ge [sflag:s23], $0x1  }
0xa9: {  	[sflag:s23] =	ssyncset.done $0x0  }
0xaa: {  	s25 =	simm.s32 $0x1B8E;
	s24 =	sld [smem:$0x3FFE];
	[sflag:s23] =	ssyncadd.s32 $0xFFFFFFFF  }
0xab: {  	s26 =	simm.s32 $execute0_lowered;
	[smem:$0x3FD2] =	sst s25  }
0xac: {  	s5 =	sshll.u32 s26, $0x1;
	_ =	strace $0x80000049;
	[dreg:$0x1] =	wrdreg $0xFFFFFFFF  }
0xad: {  	s28 =	simm.s32 $_size_execute0_lowered;
	s3 =	sadd.s32 s3, s5;
	[dreg:$0x0] =	wrdreg $0x0  }
0xae: {  	s5 =	sshll.u32 s28, $0x1;
	[dreg:$0x2] =	wrdreg s3  }
0xaf: {  	[dreg:$0x3] =	wrdreg s5  }
0xb0: {  	[dreg:$0x4] =	wrdreg $0xC0  }
0xb1: {  	_ =	task [dreg:s7], $0x5FFFF  }
0xb2: {  	[dreg:$0x1] =	wrdreg $0xFFFFFFFF  }
0xb3: {  	[dreg:$0x0] =	wrdreg $0x60  }
0xb4: {  	[dreg:$0x2] =	wrdreg s24  }
0xb5: {  	[dreg:$0x3] =	wrdreg s16  }
0xb6: {  	[dreg:$0x4] =	wrdreg $0x68000  }
0xb7: {  	[dreg:$0x5] =	wrdreg $0x9  }
0xb8: {  	_ =	task.clear_ibuf [dreg:s7], $0x6FFFF;
	_ =	strace $0x90000049  }
0xb9: {  	s29 =	simm.s32 $0x9;
	_ =	strace $0x8000004B  }
0xba: {  	_ =	swait.ge [sflag:s29], $0x1  }
0xbb: {  	[sflag:s29] =	ssyncadd.s32 $0xFFFFFFFF  }
0xbc: {  	_ =	strace $0x9000004B  }
0xbd: {  	_ =	sfence  }
0xbe: {  	s30 =	sld [smem:$0x0];
	_ =	sdelay $0x2  }
0xbf: {  	s31 =	sshll.u32 s1, $0xD;
	s1 =	sshrl.u32 s1, $0x2  }
0xc0: {  	s3 =	sand.u32 $0x4000, s31;
	s1 =	sadd.s32 s1, s30  }
0xc1: {  	s0 =	sor.u32 s3, s0;
	s1 =	sshll.u32 s1, $0x11  }
0xc2: {  	s0 =	sor.u32 s1, s0  }
0xc3: {  	s0 =	sadd.s32 $0x8F2B, s0  }
0xc4: {  	[sflag:s0] =	ssyncadd.remote.s32 $0x1  }
0xc5: {  	_ =	sfence.sel $0xFFFF  }
0xc6: {  	[dreg:$0x0] =	wrdreg $0xFFFFFFFF;
	(pc) =	sbr.abs _section_cstart, $3  }
0xc7: {  	[dreg:$0x1] =	wrdreg $0xFFFFFFFF  }
0xc8: {  	_ =	task.clear_ibuf [dreg:s7], $0x2FFFF;
	_ =	strace $0x9FFFFFFF  }
0xc9: {  	(tm) =	ssettm $0x7FFFFFFF  }
tec
execute0_lowered:
.L_overlay_start_1:
0x0: {  	(tag) =	ssettag $0x1  }
0x1: {  	s4 =	rddreg [dreg:$0x0]  }
0x2: {  	s5 =	rddreg [dreg:$0x1]  }
0x3: {  	s0 =	srdreg.scid;
	s2 =	rddreg [dreg:$0x2]  }
0x4: {  	s1 =	rddreg [dreg:$0x3];
	s3 =	simm.s32 $0x0;
	s9 =	sand.u32 $0x1, s0  }
0x5: {  	s16 =	simm.s32 $0x1;
	s0 =	stileid.u32;
	s6 =	smul.u32 $0x140000, s9  }
0x6: {  	s17 =	simm.s32 $0x4000;
	s18 =	simm.s32 $0x50;
	s7 =	smul.u32 $0x14000, s0  }
0x7: {  	s21 =	simm.s32 $0x0;
	[smem:$0x7FF] =	sst s3;
	s8 =	smul.u32 $0x4E200, s0  }
0x8: {  	_ =	strace $0x8000004A;
	s28 =	ssub.s32 $0x2, s9;
	s29 =	smul.u32 $0x50000, s0  }
0x9: {  	s10 =	sshll.u32 s0, $0xC;
	s11 =	sshll.u32 s9, $0xB;
	s15 =	smul.u32 $0x27100, s9  }
0xa: {  	s19 =	sshll.u32 s0, $0x6;
	s30 =	sshrl.u32 s28, $0x1;
	s31 =	sor.u32 s11, s10  }
0xb: {  	s19 =	sor.u32 $0x1C01, s19;
	s6 =	sadd.s32 s7, s6;
	s14 =	sadd.s32 s8, s4  }
0xc: {  	s8 =	ssub.s32 s28, s30;
	s7 =	sshrl.u32 s29, $0x2;
	s6 =	sshrl.u32 s6, $0x3  }
0xd: {  	s15 =	sadd.s32 s15, s14;
	s6 =	sadd.s32 s6, s4;
	s4 =	sadd.s32 s5, s31  }
0xe: {  	s15 =	sadd.s32 $0x1936A00, s15;
	s5 =	sadd.s32 $0x30600, s6;
	s6 =	sadd.s32 s7, s2  }
0xf: {  	s7 =	smax.u32 s8, $0x1;
	s8 =	sadd.s32 $0x2800, s6;
	s9 =	sadd.s32 $0x5000, s6  }
0x10: {  	s10 =	sadd.s32 $0x7800, s6;
	s11 =	sadd.s32 $0xA000, s6;
	s12 =	sadd.s32 $0xC800, s6  }
0x11: {  	v0 =	vimm.f32 $0.0e+00;
	s13 =	sadd.s32 $0xF000, s6;
	s14 =	sadd.s32 $0x11800, s6;
	s20 =	sshrl.u32 s6, $0x3  }
.LBB2_1:
0x12: {  	[tilespmem:s3], [sflag:$0x1] =	stream.linear.gather [hbm4b:s4+s3], $0x3E80, $0x38;
	[tilespmem:$0x1A800] =	vst v63  }
0x13: {  	_ =	swait.ge [sflag:s16], $0x3E80  }
0x14: {  	[sflag:s16] =	ssyncset.done $0x0  }
0x15: {  	s22 =	simm.s32 $0x0;
	s23 =	simm.s32 $0x200;
	[sflag:s16] =	ssyncadd.s32 $0xFFFFC180  }
.LBB2_2:
0x16: {  	p0 =	sne.s32 s23, $0x9E00;
	[tilespmem:s22+$0x4070] =	vst v0  }
0x17: {  	[tilespmem:s22+$0x4000] =	vst v0  }
0x18: {  	[tilespmem:s22+$0x4010] =	vst v0  }
.Ltmp0:
0x19: {  	[tilespmem:s22+$0x4020] =	vst v0;
	(pc) =	sbr.rel @p0 .LBB2_2-.Ltmp0, $4  }
0x1a: {  	[tilespmem:s22+$0x4030] =	vst v0  }
0x1b: {  	[tilespmem:s22+$0x4040] =	vst v0  }
0x1c: {  	[tilespmem:s22+$0x4050] =	vst v0  }
0x1d: {  	[tilespmem:s22+$0x4060] =	vst v0;
	s22 =	sshra.s32 s23, $0x2;
	s23 =	sadd.s32 $0x200, s23  }
0x1e: {  	[tilespmem:s22+$0x4070] =	vst v0  }
0x1f: {  	[tilespmem:s22+$0x4000] =	vst v0  }
0x20: {  	[tilespmem:s22+$0x4010] =	vst v0  }
0x21: {  	[tilespmem:s22+$0x4020] =	vst v0  }
0x22: {  	[tilespmem:s22+$0x4030] =	vst v0  }
0x23: {  	[tilespmem:s22+$0x4040] =	vst v0  }
0x24: {  	[tilespmem:s22+$0x4050] =	vst v0  }
0x25: {  	[tilespmem:s22+$0x4060] =	vst v0  }
0x26: {  	[spmem:s6] =	stream.linear.scatter [tilespmem:s17], [sflag:$0x1], $0x2800, $0x38;
	[tilespmem:$0x1A800] =	vst v63  }
0x27: {  	_ =	swait.ge [sflag:s16], $0x2800  }
0x28: {  	[sflag:s16] =	ssyncset.done $0x0  }
0x29: {  	[sflag:s16] =	ssyncadd.s32 $0xFFFFD800  }
0x2a: {  	[spmem:s8] =	stream.linear.scatter [tilespmem:s17], [sflag:$0x1], $0x2800, $0x38;
	[tilespmem:$0x1A800] =	vst v63  }
0x2b: {  	_ =	swait.ge [sflag:s16], $0x2800  }
0x2c: {  	[sflag:s16] =	ssyncset.done $0x0  }
0x2d: {  	[sflag:s16] =	ssyncadd.s32 $0xFFFFD800  }
0x2e: {  	[spmem:s9] =	stream.linear.scatter [tilespmem:s17], [sflag:$0x1], $0x2800, $0x38;
	[tilespmem:$0x1A800] =	vst v63  }
0x2f: {  	_ =	swait.ge [sflag:s16], $0x2800  }
0x30: {  	[sflag:s16] =	ssyncset.done $0x0  }
0x31: {  	[sflag:s16] =	ssyncadd.s32 $0xFFFFD800  }
0x32: {  	[spmem:s10] =	stream.linear.scatter [tilespmem:s17], [sflag:$0x1], $0x2800, $0x38;
	[tilespmem:$0x1A800] =	vst v63  }
0x33: {  	_ =	swait.ge [sflag:s16], $0x2800  }
0x34: {  	[sflag:s16] =	ssyncset.done $0x0  }
0x35: {  	[sflag:s16] =	ssyncadd.s32 $0xFFFFD800  }
0x36: {  	[spmem:s11] =	stream.linear.scatter [tilespmem:s17], [sflag:$0x1], $0x2800, $0x38;
	[tilespmem:$0x1A800] =	vst v63  }
0x37: {  	_ =	swait.ge [sflag:s16], $0x2800  }
0x38: {  	[sflag:s16] =	ssyncset.done $0x0  }
0x39: {  	[sflag:s16] =	ssyncadd.s32 $0xFFFFD800  }
0x3a: {  	[spmem:s12] =	stream.linear.scatter [tilespmem:s17], [sflag:$0x1], $0x2800, $0x38;
	[tilespmem:$0x1A800] =	vst v63  }
0x3b: {  	_ =	swait.ge [sflag:s16], $0x2800  }
0x3c: {  	[sflag:s16] =	ssyncset.done $0x0  }
0x3d: {  	[sflag:s16] =	ssyncadd.s32 $0xFFFFD800  }
0x3e: {  	[spmem:s13] =	stream.linear.scatter [tilespmem:s17], [sflag:$0x1], $0x2800, $0x38;
	[tilespmem:$0x1A800] =	vst v63  }
0x3f: {  	_ =	swait.ge [sflag:s16], $0x2800  }
0x40: {  	[sflag:s16] =	ssyncset.done $0x0  }
0x41: {  	[sflag:s16] =	ssyncadd.s32 $0xFFFFD800  }
0x42: {  	[spmem:s14] =	stream.linear.scatter [tilespmem:s17], [sflag:$0x1], $0x2800, $0x38;
	[tilespmem:$0x1A800] =	vst v63  }
0x43: {  	_ =	swait.ge [sflag:s16], $0x2800  }
0x44: {  	[sflag:s16] =	ssyncset.done $0x0  }
0x45: {  	[sflag:s16] =	ssyncadd.s32 $0xFFFFD800  }
0x46: {  	[bflag:$0x0] =	sbarrier.arrive $0xFFFF  }
0x47: {  	[tilespmem:s17], [sflag:$0x1] =	stream.linear.gather [hbm4b:s15+s3], $0x2800, $0x38;
	[tilespmem:$0x1A800] =	vst v63  }
0x48: {  	_ =	swait.ge [sflag:s16], $0x2800  }
0x49: {  	[sflag:s16] =	ssyncset.done $0x0  }
0x4a: {  	s31 =	simm.s32 $0x0;
	[sflag:s16] =	ssyncadd.s32 $0xFFFFD800  }
0x4b: {  	[spmem:s2] =	stream.indirect.scatter.add.f32 [tilespmem:s17], [sflag:$0x1], $0x80, s31, s18, $0xb8;
	[tilespmem:$0x1A800] =	vst v63  }
0x4c: {  	_ =	swait.ge [sflag:s16], $0x2800  }
0x4d: {  	s22 =	simm.s32 $0x200;
	s23 =	smov.u32 s15;
	[sflag:s16] =	ssyncset.done $0x0  }
.LBB2_4:
0x4e: {  	p0 =	sne.s32 s22, $0xF800;
	[sflag:s16] =	ssyncadd.s32 $0xFFFFD800;
	s23 =	sadd.s32 $0x500, s23  }
0x4f: {  	[tilespmem:s17], [sflag:$0x1] =	stream.linear.gather [hbm4b:s23+s3], $0x2800, $0x38;
	[tilespmem:$0x1A800] =	vst v63  }
0x50: {  	s24 =	smov.u32 s22;
	s22 =	sadd.s32 $0x200, s22;
	_ =	swait.ge [sflag:s16], $0x2800  }
.Ltmp1:
0x51: {  	[sflag:s16] =	ssyncset.done $0x0;
	(pc) =	sbr.rel @p0 .LBB2_4-.Ltmp1, $4  }
0x52: {  	s24 =	sshra.s32 s24, $0x2;
	[sflag:s16] =	ssyncadd.s32 $0xFFFFD800  }
0x53: {  	[spmem:s2] =	stream.indirect.scatter.add.f32 [tilespmem:s17], [sflag:$0x1], $0x80, s24, s18, $0xb8;
	[tilespmem:$0x1A800] =	vst v63  }
0x54: {  	_ =	swait.ge [sflag:s16], $0x2800  }
0x55: {  	[sflag:s16] =	ssyncset.done $0x0  }
0x56: {  	s21 =	sadd.s32 $0x1, s21  }
0x57: {  	[sflag:s16] =	ssyncadd.s32 $0xFFFFD800;
	p0 =	sne.s32 s21, s7  }
.Ltmp2:
0x58: {  	[bflag:$0x0] =	sbarrier.arrive $0xFFFF;
	(pc) =	sbr.rel @p0 .LBB2_1-.Ltmp2, $4  }
0x59: {  	[hbm:s5], [sflag:s19] =	dma.local [spmem:s20], $0x2800  }
0x5a: {  	_ =	swait.ge [sflag:s16], $0x2800  }
0x5b: {  	[sflag:s16] =	ssyncset.done $0x0  }
0x5c: {  	[sflag:s16] =	ssyncadd.s32 $0xFFFFD800  }
0x5d: {  	_ =	sfence.sel $0x180000  }
0x5e: {  	[bflag:$0x0] =	sbarrier.arrive $0xFFFF  }
0x5f: {  	p0 =	sne.s32 s0, $0x0;
	_ =	strace $0x9000004A  }
0x60: {  	s0 =	sadd.s32 @!p0 $0x100000, s1;
	[bflag:$0x2] =	sbarrier.arrive $0xFFFF  }
0x61: {  	[sflag:s0] =	ssyncadd.tile.s32 @!p0 $0x1;
	_ =	shalt  }
.Lfunc_end2:
_tile_overlayer_lowered:
.L_overlay_start_2:
0x62: {  	(tag) =	ssettag $0x2  }
0x63: {  	s0 =	rddreg [dreg:$0x0];
	s2 =	stileid.u32  }
0x64: {  	s1 =	rddreg [dreg:$0x1];
	p0 =	sne.s32 s2, $0x0  }
0x65: {  	s3 =	rddreg [dreg:$0x2];
	[bflag:$0x3] =	sbarrier.arrive $0xFFFF;
	s2 =	simm.s32 @!p0 $0x1C01  }
0x66: {  	[timem:s3], [sflag:s2] =	dma.local @!p0 [hbm:s0], s1  }
0x67: {  	s0 =	simm.s32 @!p0 $0x1  }
0x68: {  	_ =	swait.ge @!p0 [sflag:s0], s1  }
0x69: {  	s1 =	ssub.s32 @!p0 $0x0, s1;
	[sflag:s0] =	ssyncset.done @!p0 $0x0  }
0x6a: {  	[sflag:s0] =	ssyncadd.s32 @!p0 s1  }
0x6b: {  	[bflag:$0x3] =	sbarrier.arrive $0xFFFF  }
0x6c: {  	_ =	shalt  }

// kernel: kernel.19.cloned.1.call-start
scs
__scs_entry_jumppad:
0x0: {  	(pc) =	sbr.rel $0x88, $3  }
0x1: {  	(tag) =	ssettag $0x0;
	lr =	simm.s32 $0x1  }
0x2: {  	[smem:$0x3F7E] =	sst lr;
	_ =	strace $0xD0000000  }
0x3: {  	_ = 	snop  }
0x4: {  	_ = 	snop  }
0x5: {  	_ = 	snop  }
0x6: {  	_ = 	snop  }
0x7: {  	_ = 	snop  }
__scs_overlays_trampoline_lowered:
0x8: {  	[smem:$0x3F8D] =	sst s0  }
0x9: {  	[smem:$0x3F8E] =	sst s1  }
0xa: {  	[smem:$0x3F8F] =	sst s2  }
0xb: {  	[smem:$0x3F90] =	sst s3  }
0xc: {  	[smem:$0x3F91] =	sst s4  }
0xd: {  	[smem:$0x3F92] =	sst s5  }
0xe: {  	[smem:$0x3F93] =	sst s6  }
0xf: {  	[smem:$0x3F94] =	sst s7  }
0x10: {  	[smem:$0x3F95] =	sst s8  }
0x11: {  	[smem:$0x3F96] =	sst s9;
	s0 =	simm.s32 @!p0 $0x0  }
0x12: {  	s1 =	sld [smem:$0x3F7C];
	s0 =	simm.s32 @p0 $0x1  }
0x13: {  	[smem:$0x3F97] =	sst s0;
	s0 =	simm.s32 @!p1 $0x0  }
0x14: {  	s2 =	sld [smem:$0x3F7B];
	s0 =	simm.s32 @p1 $0x1  }
0x15: {  	[smem:$0x3F98] =	sst s0;
	s0 =	simm.s32 @!p2 $0x0  }
0x16: {  	s3 =	sld [smem:$0x3FDB];
	s0 =	simm.s32 @p2 $0x1  }
0x17: {  	s4 =	simm.s32 $0x1BF5;
	[smem:$0x3F9A] =	sst s0  }
0x18: {  	s0 =	sld [smem:$0x3F7D];
	_ =	swait.ge [sflag:s4], $0x0  }
0x19: {  	s7 =	sld [smem:$0x3F7E]  }
0x1a: {  	s8 =	sadd.s32 $0xFFFFE003, lr  }
0x1b: {  	s9 =	sadd.s32 $0xFFFFFEF7, lr;
	s5 =	simm.s32 $0xFFFFFFFF;
	p2 =	slt.u32 s8, $0xFFFFF086  }
0x1c: {  	p1 =	slt.u32 s9, $0xF7A;
	s5 =	simm.s32 @!p2 $0x0  }
0x1d: {  	s5 =	simm.s32 @p1 $0x1;
	p0 =	seq.s32 s7, s2  }
0x1e: {  	s7 =	smul.u32 @!p0 $0xF7A, s2;
	p2 =	seq.s32 @!p0 s5, $0x0  }
0x1f: {  	s9 =	smul.u32 $0xF7A, s1;
	s8 =	simm.s32 @!p0 $0x1BF5;
	p2 =	por !p2, p0  }
0x20: {  	[sflag:s8] =	ssyncset.s32 @!p0 $0xFFFFF086;
	s6 =	sadd.s32 @!p0 s3, s7;
	s7 =	simm.s32 @!p0 $0x108  }
0x21: {  	s3 =	sadd.s32 s3, s9;
	s6 =	sadd.s32 @!p0 $0x88, s6;
	s7 =	simm.s32 @p2 $0x1082  }
0x22: {  	[simem:s7], [sflag:s8] =	dma.local @!p0 [hbm:s6], $0xF7A  }
0x23: {  	s9 =	sor.u32 $0xD0000000, s2;
	s6 =	simm.s32 $0x108;
	_ =	swait.ge @!p0 [sflag:s8], $0x0  }
0x24: {  	s3 =	sadd.s32 $0x88, s3;
	s6 =	simm.s32 @!p1 $0x1082;
	[sflag:s4] =	ssyncset.s32 $0xFFFFF086  }
0x25: {  	[simem:s6], [sflag:s4] =	dma.local [hbm:s3], $0xF7A  }
0x26: {  	[smem:$0x3F7E] =	sst s1;
	(tag) =	ssettag s2;
	_ =	strace s9  }
0x27: {  	s1 =	sld [smem:$0x3F8E]  }
0x28: {  	s2 =	sld [smem:$0x3F8F]  }
0x29: {  	s4 =	sld [smem:$0x3F91]  }
0x2a: {  	p0 =	seq.s32 s5, $0x0;
	s5 =	sld [smem:$0x3F92]  }
0x2b: {  	s6 =	sld [smem:$0x3F93]  }
0x2c: {  	s7 =	sld [smem:$0x3F94]  }
0x2d: {  	s3 =	simm.s32 $0x108;
	s8 =	sld [smem:$0x3F95]  }
0x2e: {  	s3 =	simm.s32 @!p0 $0x1082;
	s9 =	sld [smem:$0x3F96]  }
0x2f: {  	lr =	sadd.s32 s0, s3;
	s0 =	sld [smem:$0x3F8D]  }
0x30: {  	s3 =	sld [smem:$0x3F90]  }
0x31: {  	[smem:$0x3F99] =	sst s10  }
0x32: {  	s10 =	sld [smem:$0x3F97];
	_ =	sdelay $0x3  }
0x33: {  	p0 =	seq.s32 s10, $0x1;
	s10 =	sld [smem:$0x3F99];
	_ =	sdelay $0x3  }
0x34: {  	[smem:$0x3F99] =	sst s10  }
0x35: {  	s10 =	sld [smem:$0x3F98];
	_ =	sdelay $0x3  }
0x36: {  	p1 =	seq.s32 s10, $0x1;
	s10 =	sld [smem:$0x3F99];
	_ =	sdelay $0x3  }
0x37: {  	[smem:$0x3F99] =	sst s10  }
0x38: {  	s10 =	sld [smem:$0x3F9A]  }
0x39: {  	_ = 	snop;
	(pc) =	sbr.ind lr, $3  }
0x3a: {  	_ = 	snop  }
0x3b: {  	_ = 	snop  }
0x3c: {  	p2 =	seq.s32 s10, $0x1;
	s10 =	sld [smem:$0x3F99]  }
0x3d: {  	_ =	shalt  }
0x3e: {  	_ =	shalt  }
0x3f: {  	_ =	shalt  }
0x40: {  	_ =	shalt  }
0x41: {  	_ =	shalt  }
0x42: {  	_ =	shalt  }
0x43: {  	_ =	shalt  }
0x44: {  	_ =	shalt  }
0x45: {  	_ =	shalt  }
0x46: {  	_ =	shalt  }
0x47: {  	_ =	shalt  }
0x48: {  	_ =	shalt  }
0x49: {  	_ =	shalt  }
0x4a: {  	_ =	shalt  }
0x4b: {  	_ =	shalt  }
0x4c: {  	_ =	shalt  }
0x4d: {  	_ =	shalt  }
0x4e: {  	_ =	shalt  }
0x4f: {  	_ =	shalt  }
0x50: {  	_ =	shalt  }
0x51: {  	_ =	shalt  }
0x52: {  	_ =	shalt  }
0x53: {  	_ =	shalt  }
0x54: {  	_ =	shalt  }
0x55: {  	_ =	shalt  }
0x56: {  	_ =	shalt  }
0x57: {  	_ =	shalt  }
0x58: {  	_ =	shalt  }
0x59: {  	_ =	shalt  }
0x5a: {  	_ =	shalt  }
0x5b: {  	_ =	shalt  }
0x5c: {  	_ =	shalt  }
0x5d: {  	_ =	shalt  }
0x5e: {  	_ =	shalt  }
0x5f: {  	_ =	shalt  }
0x60: {  	_ =	shalt  }
0x61: {  	_ =	shalt  }
0x62: {  	_ =	shalt  }
0x63: {  	_ =	shalt  }
0x64: {  	_ =	shalt  }
0x65: {  	_ =	shalt  }
0x66: {  	_ =	shalt  }
0x67: {  	_ =	shalt  }
0x68: {  	_ =	shalt  }
0x69: {  	_ =	shalt  }
0x6a: {  	_ =	shalt  }
0x6b: {  	_ =	shalt  }
0x6c: {  	_ =	shalt  }
0x6d: {  	_ =	shalt  }
0x6e: {  	_ =	shalt  }
0x6f: {  	_ =	shalt  }
0x70: {  	_ =	shalt  }
0x71: {  	_ =	shalt  }
0x72: {  	_ =	shalt  }
0x73: {  	_ =	shalt  }
0x74: {  	_ =	shalt  }
0x75: {  	_ =	shalt  }
0x76: {  	_ =	shalt  }
0x77: {  	_ =	shalt  }
0x78: {  	_ =	shalt  }
0x79: {  	_ =	shalt  }
0x7a: {  	_ =	shalt  }
0x7b: {  	_ =	shalt  }
0x7c: {  	_ =	shalt  }
0x7d: {  	_ =	shalt  }
0x7e: {  	_ =	shalt  }
0x7f: {  	_ =	shalt  }
0x80: {  	_ =	shalt  }
0x81: {  	_ =	shalt  }
0x82: {  	_ =	shalt  }
0x83: {  	_ =	shalt  }
0x84: {  	_ =	shalt  }
0x85: {  	_ =	shalt  }
0x86: {  	_ =	shalt  }
0x87: {  	_ =	shalt  }
.Lfunc_end0:
.L_simem_size_0:
called_computation.2_lowered:
.L_overlay_start_0:
0x88: {  	s2 =	sld [smem:$0x3FD9]  }
0x89: {  	s3 =	sld [smem:$0x3FFE];
	_ =	sdelay $0x1  }
0x8a: {  	s1 =	srdreg.scid  }
0x8b: {  	s0 =	sand.u32 $0x1, s1  }
0x8c: {  	s14 =	sshll.u32 s0, $0xA;
	s2 =	sadd.s32 s3, s2  }
0x8d: {  	s2 =	sadd.s32 s2, s14  }
0x8e: {  	[smem:$0x3FA5] =	sst s2  }
0x8f: {  	_ = 	snop  }
0x90: {  	s2 =	sld [smem:$0x3FD0];
	_ =	sdelay $0x2  }
0x91: {  	s15 =	simm.s32 $0xA;
	s4 =	simm.s32 $0x10  }
0x92: {  	[smem:s4], [sflag:s15] =	dma.local [hbm:s2], $0x1  }
0x93: {  	_ =	swait.eq [sflag:s15], $0x1  }
0x94: {  	[sflag:s15] =	ssyncset.done $0x0  }
0x95: {  	s16 =	sld [smem:$0x11];
	[sflag:s15] =	ssyncadd.s32 $0xFFFFFFFF  }
0x96: {  	s17 =	sld [smem:$0x12];
	(tm) =	ssettm $0x1  }
0x97: {  	s18 =	sld [smem:$0x3FFB];
	_ =	sdelay $0x3  }
0x98: {  	_ =	strace s18  }
0x99: {  	s4 =	sld [smem:$0x3FFC];
	_ =	sdelay $0x3  }
0x9a: {  	_ =	strace s4  }
0x9b: {  	s4 =	sld [smem:$0x3FFD];
	_ =	sdelay $0x3  }
0x9c: {  	_ =	strace s4  }
0x9d: {  	_ =	strace $0x8FFFFFFF  }
0x9e: {  	s19 =	sld [smem:$0x3FDB];
	_ =	sdelay $0x1  }
0x9f: {  	s5 =	simm.s32 $_scs_section_size  }
0xa0: {  	s6 =	simm.s32 $_size__tile_overlayer_lowered;
	s7 =	simm.s32 $_tile_overlayer_lowered  }
0xa1: {  	s22 =	simm.s32 $0x1BFF;
	s21 =	sshll.u32 s7, $0x1;
	s4 =	sadd.s32 s5, s19  }
0xa2: {  	s8 =	simm.s32 $0x0;
	s20 =	sshll.u32 s6, $0x1;
	s6 =	sadd.s32 s21, s4  }
0xa3: {  	[timem:s8], [sflag:s22] =	dma.local [hbm:s6], s20  }
0xa4: {  	_ =	swait.ge [sflag:s22], s20  }
0xa5: {  	s5 =	ssub.s32 $0x0, s20;
	[sflag:s22] =	ssyncset.done $0x0  }
0xa6: {  	[sflag:s22] =	ssyncadd.s32 s5;
	_ =	sdelay $0x1  }
0xa7: {  	s23 =	simm.s32 $0x1B8B  }
0xa8: {  	_ =	swait.ge [sflag:s23], $0x1  }
0xa9: {  	[sflag:s23] =	ssyncset.done $0x0  }
0xaa: {  	s25 =	simm.s32 $0x1B8E;
	s24 =	sld [smem:$0x3FFE];
	[sflag:s23] =	ssyncadd.s32 $0xFFFFFFFF  }
0xab: {  	s26 =	simm.s32 $execute0_lowered;
	[smem:$0x3FD2] =	sst s25  }
0xac: {  	s6 =	sshll.u32 s26, $0x1;
	_ =	strace $0x8000004C;
	[dreg:$0x1] =	wrdreg $0xFFFFFFFF  }
0xad: {  	s28 =	simm.s32 $_size_execute0_lowered;
	s4 =	sadd.s32 s4, s6;
	[dreg:$0x0] =	wrdreg $0x0  }
0xae: {  	s6 =	sshll.u32 s28, $0x1;
	[dreg:$0x2] =	wrdreg s4  }
0xaf: {  	[dreg:$0x3] =	wrdreg s6  }
0xb0: {  	[dreg:$0x4] =	wrdreg $0xC0  }
0xb1: {  	_ =	task [dreg:s8], $0x5FFFF  }
0xb2: {  	[dreg:$0x1] =	wrdreg $0xFFFFFFFF  }
0xb3: {  	[dreg:$0x0] =	wrdreg $0x60  }
0xb4: {  	[dreg:$0x2] =	wrdreg s24  }
0xb5: {  	[dreg:$0x3] =	wrdreg s17  }
0xb6: {  	[dreg:$0x4] =	wrdreg s16  }
0xb7: {  	[dreg:$0x5] =	wrdreg $0x9  }
0xb8: {  	_ =	task.clear_ibuf [dreg:s8], $0x6FFFF;
	_ =	strace $0x9000004C  }
0xb9: {  	s29 =	simm.s32 $0x9;
	_ =	strace $0x8000004E  }
0xba: {  	_ =	swait.ge [sflag:s29], $0x1  }
0xbb: {  	[sflag:s29] =	ssyncadd.s32 $0xFFFFFFFF  }
0xbc: {  	_ =	strace $0x9000004E  }
0xbd: {  	_ =	sfence  }
0xbe: {  	s30 =	sld [smem:$0x0];
	_ =	sdelay $0x2  }
0xbf: {  	s31 =	sshll.u32 s1, $0xD;
	s1 =	sshrl.u32 s1, $0x2  }
0xc0: {  	s3 =	sand.u32 $0x4000, s31;
	s1 =	sadd.s32 s1, s30  }
0xc1: {  	s0 =	sor.u32 s3, s0;
	s1 =	sshll.u32 s1, $0x11  }
0xc2: {  	s0 =	sor.u32 s1, s0  }
0xc3: {  	s0 =	sadd.s32 $0x8F2B, s0  }
0xc4: {  	[sflag:s0] =	ssyncadd.remote.s32 $0x1  }
0xc5: {  	_ =	sfence.sel $0xFFFF  }
0xc6: {  	[dreg:$0x0] =	wrdreg $0xFFFFFFFF;
	(pc) =	sbr.abs _section_cstart, $3  }
0xc7: {  	[dreg:$0x1] =	wrdreg $0xFFFFFFFF  }
0xc8: {  	_ =	task.clear_ibuf [dreg:s8], $0x2FFFF;
	_ =	strace $0x9FFFFFFF  }
0xc9: {  	(tm) =	ssettm $0x7FFFFFFF  }
tec
execute0_lowered:
.L_overlay_start_1:
0x0: {  	(tag) =	ssettag $0x1  }
0x1: {  	s5 =	rddreg [dreg:$0x0]  }
0x2: {  	s6 =	rddreg [dreg:$0x1]  }
0x3: {  	s7 =	rddreg [dreg:$0x2]  }
0x4: {  	s0 =	rddreg [dreg:$0x3];
	s1 =	simm.s32 $0x0  }
0x5: {  	s4 =	srdreg.scid;
	s2 =	stileid.u32;
	s13 =	simm.s32 $0x8000  }
0x6: {  	s14 =	simm.s32 $0xA800;
	s15 =	simm.s32 $0x1;
	s16 =	simm.s32 $0x2  }
0x7: {  	s17 =	simm.s32 $0x0;
	[smem:$0x7FF] =	sst s1;
	s3 =	sadd.s32 $0x1936A00, s5  }
0x8: {  	s8 =	sand.u32 $0x1, s4;
	s4 =	sadd.s32 $0x195DC00, s5;
	s9 =	smul.u32 $0x4E200, s2  }
0x9: {  	s11 =	sshll.u32 s2, $0xC;
	_ =	strace $0x8000004D;
	s10 =	ssub.s32 $0x2, s8  }
0xa: {  	s12 =	sshll.u32 s8, $0xB;
	s8 =	smul.u32 $0x27100, s8;
	s9 =	sadd.s32 s9, s5  }
0xb: {  	s31 =	sshrl.u32 s10, $0x1;
	s11 =	sor.u32 s12, s11;
	s12 =	simm.s32 $0x50  }
0xc: {  	s10 =	ssub.s32 s10, s31;
	s5 =	sadd.s32 s6, s11;
	s9 =	sadd.s32 s8, s9  }
0xd: {  	s6 =	sadd.s32 s7, s11;
	s11 =	simm.s32 $0x4000;
	s7 =	smax.u32 s10, $0x1  }
0xe: {  	s8 =	sadd.s32 $0x9400, s9;
	s9 =	sadd.s32 $0x4EB400, s9;
	s10 =	simm.s32 $0x3  }
.LBB2_1:
0xf: {  	[tilespmem:s1], [sflag:$0x3] =	stream.linear.gather [hbm4b:s5+s1], $0x3E80, $0x38;
	[tilespmem:$0xD000] =	vst v63  }
0x10: {  	_ =	swait.ge [sflag:s10], $0x3E80  }
0x11: {  	[sflag:s10] =	ssyncset.done $0x0  }
0x12: {  	[sflag:s10] =	ssyncadd.s32 $0xFFFFC180  }
0x13: {  	[tilespmem:s11], [sflag:$0x3] =	stream.linear.gather [hbm4b:s6+s1], $0x3E80, $0x38;
	[tilespmem:$0xD000] =	vst v63  }
0x14: {  	_ =	swait.ge [sflag:s10], $0x3E80  }
0x15: {  	[sflag:s10] =	ssyncset.done $0x0  }
0x16: {  	s18 =	simm.s32 $0x0;
	[sflag:s10] =	ssyncadd.s32 $0xFFFFC180  }
0x17: {  	[tilespmem:s13], [sflag:$0x1] =	stream.indirect.gather [hbm4b:s3+s12], $0x80, s18, s12, $0xb8;
	[tilespmem:$0xD000] =	vst v63  }
0x18: {  	s31 =	simm.s32 $0x4000  }
0x19: {  	[tilespmem:s14], [sflag:$0x2] =	stream.indirect.gather [hbm4b:s4+s12], $0x80, s31, s12, $0xb8;
	[tilespmem:$0xD000] =	vst v63  }
0x1a: {  	_ =	swait.ge [sflag:s15], $0x2800  }
0x1b: {  	[sflag:s15] =	ssyncset.done $0x0  }
0x1c: {  	[sflag:s15] =	ssyncadd.s32 $0xFFFFD800  }
0x1d: {  	_ =	swait.ge [sflag:s16], $0x2800  }
0x1e: {  	[sflag:s16] =	ssyncset.done $0x0  }
0x1f: {  	[sflag:s16] =	ssyncadd.s32 $0xFFFFD800  }
0x20: {  	[hbm4b:s8+s1] =	stream.linear.scatter [tilespmem:s13], [sflag:$0x1], $0x2800, $0x38;
	[tilespmem:$0xD000] =	vst v63  }
0x21: {  	_ = 	snop  }
0x22: {  	[hbm4b:s9+s1] =	stream.linear.scatter [tilespmem:s14], [sflag:$0x2], $0x2800, $0x38;
	[tilespmem:$0xD000] =	vst v63  }
0x23: {  	_ =	swait.ge [sflag:s15], $0x2800  }
0x24: {  	[sflag:s15] =	ssyncset.done $0x0  }
0x25: {  	[sflag:s15] =	ssyncadd.s32 $0xFFFFD800  }
0x26: {  	s20 =	simm.s32 $0x200;
	s21 =	simm.s32 $0x400;
	_ =	swait.ge [sflag:s16], $0x2800  }
0x27: {  	s19 =	sadd.s32 $0x500, s9;
	s18 =	sadd.s32 $0x500, s8;
	[sflag:s16] =	ssyncset.done $0x0  }
.LBB2_2:
0x28: {  	s22 =	sshra.s32 s20, $0x2  }
0x29: {  	[sflag:s16] =	ssyncadd.s32 $0xFFFFD800;
	s20 =	smov.u32 s21;
	s23 =	sadd.s32 $0x200, s21  }
0x2a: {  	[tilespmem:s13], [sflag:$0x1] =	stream.indirect.gather [hbm4b:s3+s12], $0x80, s22, s12, $0xb8;
	[tilespmem:$0xD000] =	vst v63  }
0x2b: {  	p0 =	sne.s32 s21, $0xF800;
	s21 =	sadd.s32 $0x4000, s22  }
0x2c: {  	[tilespmem:s14], [sflag:$0x2] =	stream.indirect.gather [hbm4b:s4+s12], $0x80, s21, s12, $0xb8;
	[tilespmem:$0xD000] =	vst v63  }
0x2d: {  	_ =	swait.ge [sflag:s15], $0x2800  }
0x2e: {  	[sflag:s15] =	ssyncset.done $0x0  }
0x2f: {  	[sflag:s15] =	ssyncadd.s32 $0xFFFFD800  }
0x30: {  	_ =	swait.ge [sflag:s16], $0x2800  }
0x31: {  	[sflag:s16] =	ssyncset.done $0x0  }
0x32: {  	[sflag:s16] =	ssyncadd.s32 $0xFFFFD800  }
0x33: {  	[hbm4b:s18+s1] =	stream.linear.scatter [tilespmem:s13], [sflag:$0x1], $0x2800, $0x38;
	[tilespmem:$0xD000] =	vst v63  }
0x34: {  	_ = 	snop  }
0x35: {  	[hbm4b:s19+s1] =	stream.linear.scatter [tilespmem:s14], [sflag:$0x2], $0x2800, $0x38;
	[tilespmem:$0xD000] =	vst v63  }
.Ltmp0:
0x36: {  	_ =	swait.ge [sflag:s15], $0x2800;
	(pc) =	sbr.rel @p0 .LBB2_2-.Ltmp0, $4  }
0x37: {  	[sflag:s15] =	ssyncset.done $0x0  }
0x38: {  	[sflag:s15] =	ssyncadd.s32 $0xFFFFD800  }
0x39: {  	s21 =	smov.u32 s23;
	_ =	swait.ge [sflag:s16], $0x2800  }
0x3a: {  	s18 =	sadd.s32 $0x500, s18;
	s19 =	sadd.s32 $0x500, s19;
	[sflag:s16] =	ssyncset.done $0x0  }
0x3b: {  	s20 =	sshra.s32 s20, $0x2;
	[sflag:s16] =	ssyncadd.s32 $0xFFFFD800  }
0x3c: {  	[tilespmem:s13], [sflag:$0x1] =	stream.indirect.gather [hbm4b:s3+s12], $0x80, s20, s12, $0xb8;
	[tilespmem:$0xD000] =	vst v63  }
0x3d: {  	s20 =	sadd.s32 $0x4000, s20  }
0x3e: {  	[tilespmem:s14], [sflag:$0x2] =	stream.indirect.gather [hbm4b:s4+s12], $0x80, s20, s12, $0xb8;
	[tilespmem:$0xD000] =	vst v63  }
0x3f: {  	_ =	swait.ge [sflag:s15], $0x2800  }
0x40: {  	[sflag:s15] =	ssyncset.done $0x0  }
0x41: {  	[sflag:s15] =	ssyncadd.s32 $0xFFFFD800  }
0x42: {  	_ =	swait.ge [sflag:s16], $0x2800  }
0x43: {  	[sflag:s16] =	ssyncset.done $0x0  }
0x44: {  	[sflag:s16] =	ssyncadd.s32 $0xFFFFD800  }
0x45: {  	[hbm4b:s18+s1] =	stream.linear.scatter [tilespmem:s13], [sflag:$0x1], $0x2800, $0x38;
	[tilespmem:$0xD000] =	vst v63  }
0x46: {  	s17 =	sadd.s32 $0x1, s17  }
0x47: {  	[hbm4b:s19+s1] =	stream.linear.scatter [tilespmem:s14], [sflag:$0x2], $0x2800, $0x38;
	[tilespmem:$0xD000] =	vst v63  }
0x48: {  	p0 =	sne.s32 s17, s7;
	_ =	swait.ge [sflag:s15], $0x2800  }
.Ltmp1:
0x49: {  	[sflag:s15] =	ssyncset.done $0x0;
	(pc) =	sbr.rel @p0 .LBB2_1-.Ltmp1, $4  }
0x4a: {  	[sflag:s15] =	ssyncadd.s32 $0xFFFFD800  }
0x4b: {  	_ =	swait.ge [sflag:s16], $0x2800  }
0x4c: {  	[sflag:s16] =	ssyncset.done $0x0  }
0x4d: {  	[sflag:s16] =	ssyncadd.s32 $0xFFFFD800  }
0x4e: {  	_ =	sfence.sel $0x180000  }
0x4f: {  	[bflag:$0x0] =	sbarrier.arrive $0xFFFF  }
0x50: {  	p0 =	sne.s32 s2, $0x0;
	_ =	strace $0x9000004D  }
0x51: {  	s0 =	sadd.s32 @!p0 $0x100000, s0;
	[bflag:$0x2] =	sbarrier.arrive $0xFFFF  }
0x52: {  	[sflag:s0] =	ssyncadd.tile.s32 @!p0 $0x1;
	_ =	shalt  }
.Lfunc_end2:
_tile_overlayer_lowered:
.L_overlay_start_2:
0x53: {  	(tag) =	ssettag $0x2  }
0x54: {  	s0 =	rddreg [dreg:$0x0];
	s2 =	stileid.u32  }
0x55: {  	s1 =	rddreg [dreg:$0x1];
	p0 =	sne.s32 s2, $0x0  }
0x56: {  	s3 =	rddreg [dreg:$0x2];
	[bflag:$0x3] =	sbarrier.arrive $0xFFFF;
	s2 =	simm.s32 @!p0 $0x1C03  }
0x57: {  	[timem:s3], [sflag:s2] =	dma.local @!p0 [hbm:s0], s1  }
0x58: {  	s0 =	simm.s32 @!p0 $0x3  }
0x59: {  	_ =	swait.ge @!p0 [sflag:s0], s1  }
0x5a: {  	s1 =	ssub.s32 @!p0 $0x0, s1;
	[sflag:s0] =	ssyncset.done @!p0 $0x0  }
0x5b: {  	[sflag:s0] =	ssyncadd.s32 @!p0 s1  }
0x5c: {  	[bflag:$0x3] =	sbarrier.arrive $0xFFFF  }
0x5d: {  	_ =	shalt  }

// kernel: kernel.22.cloned.1.call-start
scs
__scs_entry_jumppad:
0x0: {  	(pc) =	sbr.rel $0x88, $3  }
0x1: {  	(tag) =	ssettag $0x0;
	lr =	simm.s32 $0x1  }
0x2: {  	[smem:$0x3F7E] =	sst lr;
	_ =	strace $0xD0000000  }
0x3: {  	_ = 	snop  }
0x4: {  	_ = 	snop  }
0x5: {  	_ = 	snop  }
0x6: {  	_ = 	snop  }
0x7: {  	_ = 	snop  }
__scs_overlays_trampoline_lowered:
0x8: {  	[smem:$0x3F8D] =	sst s0  }
0x9: {  	[smem:$0x3F8E] =	sst s1  }
0xa: {  	[smem:$0x3F8F] =	sst s2  }
0xb: {  	[smem:$0x3F90] =	sst s3  }
0xc: {  	[smem:$0x3F91] =	sst s4  }
0xd: {  	[smem:$0x3F92] =	sst s5  }
0xe: {  	[smem:$0x3F93] =	sst s6  }
0xf: {  	[smem:$0x3F94] =	sst s7  }
0x10: {  	[smem:$0x3F95] =	sst s8  }
0x11: {  	[smem:$0x3F96] =	sst s9;
	s0 =	simm.s32 @!p0 $0x0  }
0x12: {  	s1 =	sld [smem:$0x3F7C];
	s0 =	simm.s32 @p0 $0x1  }
0x13: {  	[smem:$0x3F97] =	sst s0;
	s0 =	simm.s32 @!p1 $0x0  }
0x14: {  	s2 =	sld [smem:$0x3F7B];
	s0 =	simm.s32 @p1 $0x1  }
0x15: {  	[smem:$0x3F98] =	sst s0;
	s0 =	simm.s32 @!p2 $0x0  }
0x16: {  	s3 =	sld [smem:$0x3FDB];
	s0 =	simm.s32 @p2 $0x1  }
0x17: {  	s4 =	simm.s32 $0x1BF5;
	[smem:$0x3F9A] =	sst s0  }
0x18: {  	s0 =	sld [smem:$0x3F7D];
	_ =	swait.ge [sflag:s4], $0x0  }
0x19: {  	s7 =	sld [smem:$0x3F7E]  }
0x1a: {  	s8 =	sadd.s32 $0xFFFFE003, lr  }
0x1b: {  	s9 =	sadd.s32 $0xFFFFFEF7, lr;
	s5 =	simm.s32 $0xFFFFFFFF;
	p2 =	slt.u32 s8, $0xFFFFF086  }
0x1c: {  	p1 =	slt.u32 s9, $0xF7A;
	s5 =	simm.s32 @!p2 $0x0  }
0x1d: {  	s5 =	simm.s32 @p1 $0x1;
	p0 =	seq.s32 s7, s2  }
0x1e: {  	s7 =	smul.u32 @!p0 $0xF7A, s2;
	p2 =	seq.s32 @!p0 s5, $0x0  }
0x1f: {  	s9 =	smul.u32 $0xF7A, s1;
	s8 =	simm.s32 @!p0 $0x1BF5;
	p2 =	por !p2, p0  }
0x20: {  	[sflag:s8] =	ssyncset.s32 @!p0 $0xFFFFF086;
	s6 =	sadd.s32 @!p0 s3, s7;
	s7 =	simm.s32 @!p0 $0x108  }
0x21: {  	s3 =	sadd.s32 s3, s9;
	s6 =	sadd.s32 @!p0 $0x88, s6;
	s7 =	simm.s32 @p2 $0x1082  }
0x22: {  	[simem:s7], [sflag:s8] =	dma.local @!p0 [hbm:s6], $0xF7A  }
0x23: {  	s9 =	sor.u32 $0xD0000000, s2;
	s6 =	simm.s32 $0x108;
	_ =	swait.ge @!p0 [sflag:s8], $0x0  }
0x24: {  	s3 =	sadd.s32 $0x88, s3;
	s6 =	simm.s32 @!p1 $0x1082;
	[sflag:s4] =	ssyncset.s32 $0xFFFFF086  }
0x25: {  	[simem:s6], [sflag:s4] =	dma.local [hbm:s3], $0xF7A  }
0x26: {  	[smem:$0x3F7E] =	sst s1;
	(tag) =	ssettag s2;
	_ =	strace s9  }
0x27: {  	s1 =	sld [smem:$0x3F8E]  }
0x28: {  	s2 =	sld [smem:$0x3F8F]  }
0x29: {  	s4 =	sld [smem:$0x3F91]  }
0x2a: {  	p0 =	seq.s32 s5, $0x0;
	s5 =	sld [smem:$0x3F92]  }
0x2b: {  	s6 =	sld [smem:$0x3F93]  }
0x2c: {  	s7 =	sld [smem:$0x3F94]  }
0x2d: {  	s3 =	simm.s32 $0x108;
	s8 =	sld [smem:$0x3F95]  }
0x2e: {  	s3 =	simm.s32 @!p0 $0x1082;
	s9 =	sld [smem:$0x3F96]  }
0x2f: {  	lr =	sadd.s32 s0, s3;
	s0 =	sld [smem:$0x3F8D]  }
0x30: {  	s3 =	sld [smem:$0x3F90]  }
0x31: {  	[smem:$0x3F99] =	sst s10  }
0x32: {  	s10 =	sld [smem:$0x3F97];
	_ =	sdelay $0x3  }
0x33: {  	p0 =	seq.s32 s10, $0x1;
	s10 =	sld [smem:$0x3F99];
	_ =	sdelay $0x3  }
0x34: {  	[smem:$0x3F99] =	sst s10  }
0x35: {  	s10 =	sld [smem:$0x3F98];
	_ =	sdelay $0x3  }
0x36: {  	p1 =	seq.s32 s10, $0x1;
	s10 =	sld [smem:$0x3F99];
	_ =	sdelay $0x3  }
0x37: {  	[smem:$0x3F99] =	sst s10  }
0x38: {  	s10 =	sld [smem:$0x3F9A]  }
0x39: {  	_ = 	snop;
	(pc) =	sbr.ind lr, $3  }
0x3a: {  	_ = 	snop  }
0x3b: {  	_ = 	snop  }
0x3c: {  	p2 =	seq.s32 s10, $0x1;
	s10 =	sld [smem:$0x3F99]  }
0x3d: {  	_ =	shalt  }
0x3e: {  	_ =	shalt  }
0x3f: {  	_ =	shalt  }
0x40: {  	_ =	shalt  }
0x41: {  	_ =	shalt  }
0x42: {  	_ =	shalt  }
0x43: {  	_ =	shalt  }
0x44: {  	_ =	shalt  }
0x45: {  	_ =	shalt  }
0x46: {  	_ =	shalt  }
0x47: {  	_ =	shalt  }
0x48: {  	_ =	shalt  }
0x49: {  	_ =	shalt  }
0x4a: {  	_ =	shalt  }
0x4b: {  	_ =	shalt  }
0x4c: {  	_ =	shalt  }
0x4d: {  	_ =	shalt  }
0x4e: {  	_ =	shalt  }
0x4f: {  	_ =	shalt  }
0x50: {  	_ =	shalt  }
0x51: {  	_ =	shalt  }
0x52: {  	_ =	shalt  }
0x53: {  	_ =	shalt  }
0x54: {  	_ =	shalt  }
0x55: {  	_ =	shalt  }
0x56: {  	_ =	shalt  }
0x57: {  	_ =	shalt  }
0x58: {  	_ =	shalt  }
0x59: {  	_ =	shalt  }
0x5a: {  	_ =	shalt  }
0x5b: {  	_ =	shalt  }
0x5c: {  	_ =	shalt  }
0x5d: {  	_ =	shalt  }
0x5e: {  	_ =	shalt  }
0x5f: {  	_ =	shalt  }
0x60: {  	_ =	shalt  }
0x61: {  	_ =	shalt  }
0x62: {  	_ =	shalt  }
0x63: {  	_ =	shalt  }
0x64: {  	_ =	shalt  }
0x65: {  	_ =	shalt  }
0x66: {  	_ =	shalt  }
0x67: {  	_ =	shalt  }
0x68: {  	_ =	shalt  }
0x69: {  	_ =	shalt  }
0x6a: {  	_ =	shalt  }
0x6b: {  	_ =	shalt  }
0x6c: {  	_ =	shalt  }
0x6d: {  	_ =	shalt  }
0x6e: {  	_ =	shalt  }
0x6f: {  	_ =	shalt  }
0x70: {  	_ =	shalt  }
0x71: {  	_ =	shalt  }
0x72: {  	_ =	shalt  }
0x73: {  	_ =	shalt  }
0x74: {  	_ =	shalt  }
0x75: {  	_ =	shalt  }
0x76: {  	_ =	shalt  }
0x77: {  	_ =	shalt  }
0x78: {  	_ =	shalt  }
0x79: {  	_ =	shalt  }
0x7a: {  	_ =	shalt  }
0x7b: {  	_ =	shalt  }
0x7c: {  	_ =	shalt  }
0x7d: {  	_ =	shalt  }
0x7e: {  	_ =	shalt  }
0x7f: {  	_ =	shalt  }
0x80: {  	_ =	shalt  }
0x81: {  	_ =	shalt  }
0x82: {  	_ =	shalt  }
0x83: {  	_ =	shalt  }
0x84: {  	_ =	shalt  }
0x85: {  	_ =	shalt  }
0x86: {  	_ =	shalt  }
0x87: {  	_ =	shalt  }
.Lfunc_end0:
.L_simem_size_0:
called_computation.3_lowered:
.L_overlay_start_0:
0x88: {  	s2 =	sld [smem:$0x3FD9]  }
0x89: {  	s3 =	sld [smem:$0x3FFE];
	_ =	sdelay $0x1  }
0x8a: {  	s1 =	srdreg.scid  }
0x8b: {  	s0 =	sand.u32 $0x1, s1  }
0x8c: {  	s14 =	sshll.u32 s0, $0xA;
	s2 =	sadd.s32 s3, s2  }
0x8d: {  	s2 =	sadd.s32 s2, s14  }
0x8e: {  	[smem:$0x3FA5] =	sst s2  }
0x8f: {  	_ = 	snop  }
0x90: {  	s2 =	sld [smem:$0x3FD0];
	_ =	sdelay $0x2  }
0x91: {  	s15 =	simm.s32 $0xA;
	s4 =	simm.s32 $0x10  }
0x92: {  	[smem:s4], [sflag:s15] =	dma.local [hbm:s2], $0x1  }
0x93: {  	_ =	swait.eq [sflag:s15], $0x1  }
0x94: {  	[sflag:s15] =	ssyncset.done $0x0  }
0x95: {  	[sflag:s15] =	ssyncadd.s32 $0xFFFFFFFF  }
0x96: {  	s16 =	sld [smem:$0x11];
	(tm) =	ssettm $0x1  }
0x97: {  	s17 =	sld [smem:$0x3FFB];
	_ =	sdelay $0x3  }
0x98: {  	_ =	strace s17  }
0x99: {  	s3 =	sld [smem:$0x3FFC];
	_ =	sdelay $0x3  }
0x9a: {  	_ =	strace s3  }
0x9b: {  	s3 =	sld [smem:$0x3FFD];
	_ =	sdelay $0x3  }
0x9c: {  	_ =	strace s3  }
0x9d: {  	_ =	strace $0x8FFFFFFF  }
0x9e: {  	s18 =	sld [smem:$0x3FDB];
	_ =	sdelay $0x1  }
0x9f: {  	s19 =	simm.s32 $_scs_section_size  }
0xa0: {  	s5 =	simm.s32 $_size__tile_overlayer_lowered;
	s6 =	simm.s32 $_tile_overlayer_lowered  }
0xa1: {  	s22 =	simm.s32 $0x1BFF;
	s21 =	sshll.u32 s6, $0x1;
	s3 =	sadd.s32 s19, s18  }
0xa2: {  	s7 =	simm.s32 $0x0;
	s20 =	sshll.u32 s5, $0x1;
	s5 =	sadd.s32 s21, s3  }
0xa3: {  	[timem:s7], [sflag:s22] =	dma.local [hbm:s5], s20  }
0xa4: {  	_ =	swait.ge [sflag:s22], s20  }
0xa5: {  	s4 =	ssub.s32 $0x0, s20;
	[sflag:s22] =	ssyncset.done $0x0  }
0xa6: {  	[sflag:s22] =	ssyncadd.s32 s4;
	_ =	sdelay $0x1  }
0xa7: {  	s23 =	simm.s32 $0x1B8B  }
0xa8: {  	_ =	swait.ge [sflag:s23], $0x1  }
0xa9: {  	[sflag:s23] =	ssyncset.done $0x0  }
0xaa: {  	s25 =	simm.s32 $0x1B8E;
	s24 =	sld [smem:$0x3FFE];
	[sflag:s23] =	ssyncadd.s32 $0xFFFFFFFF  }
0xab: {  	s26 =	simm.s32 $execute0_lowered;
	[smem:$0x3FD2] =	sst s25  }
0xac: {  	s5 =	sshll.u32 s26, $0x1;
	_ =	strace $0x8000004F;
	[dreg:$0x1] =	wrdreg $0xFFFFFFFF  }
0xad: {  	s28 =	simm.s32 $_size_execute0_lowered;
	s3 =	sadd.s32 s3, s5;
	[dreg:$0x0] =	wrdreg $0x0  }
0xae: {  	s5 =	sshll.u32 s28, $0x1;
	[dreg:$0x2] =	wrdreg s3  }
0xaf: {  	[dreg:$0x3] =	wrdreg s5  }
0xb0: {  	[dreg:$0x4] =	wrdreg $0xC0  }
0xb1: {  	_ =	task [dreg:s7], $0x5FFFF  }
0xb2: {  	[dreg:$0x1] =	wrdreg $0xFFFFFFFF  }
0xb3: {  	[dreg:$0x0] =	wrdreg $0x60  }
0xb4: {  	[dreg:$0x2] =	wrdreg s24  }
0xb5: {  	[dreg:$0x3] =	wrdreg s16  }
0xb6: {  	[dreg:$0x4] =	wrdreg $0x68000  }
0xb7: {  	[dreg:$0x5] =	wrdreg $0x9  }
0xb8: {  	_ =	task.clear_ibuf [dreg:s7], $0x6FFFF;
	_ =	strace $0x9000004F  }
0xb9: {  	s29 =	simm.s32 $0x9;
	_ =	strace $0x80000051  }
0xba: {  	_ =	swait.ge [sflag:s29], $0x1  }
0xbb: {  	[sflag:s29] =	ssyncadd.s32 $0xFFFFFFFF  }
0xbc: {  	_ =	strace $0x90000051  }
0xbd: {  	_ =	sfence  }
0xbe: {  	s30 =	sld [smem:$0x0];
	_ =	sdelay $0x2  }
0xbf: {  	s31 =	sshll.u32 s1, $0xD;
	s1 =	sshrl.u32 s1, $0x2  }
0xc0: {  	s3 =	sand.u32 $0x4000, s31;
	s1 =	sadd.s32 s1, s30  }
0xc1: {  	s0 =	sor.u32 s3, s0;
	s1 =	sshll.u32 s1, $0x11  }
0xc2: {  	s0 =	sor.u32 s1, s0  }
0xc3: {  	s0 =	sadd.s32 $0x8F2B, s0  }
0xc4: {  	[sflag:s0] =	ssyncadd.remote.s32 $0x1  }
0xc5: {  	_ =	sfence.sel $0xFFFF  }
0xc6: {  	[dreg:$0x0] =	wrdreg $0xFFFFFFFF;
	(pc) =	sbr.abs _section_cstart, $3  }
0xc7: {  	[dreg:$0x1] =	wrdreg $0xFFFFFFFF  }
0xc8: {  	_ =	task.clear_ibuf [dreg:s7], $0x2FFFF;
	_ =	strace $0x9FFFFFFF  }
0xc9: {  	(tm) =	ssettm $0x7FFFFFFF  }
tec
execute0_lowered:
.L_overlay_start_1:
0x0: {  	(tag) =	ssettag $0x1  }
0x1: {  	s4 =	rddreg [dreg:$0x0]  }
0x2: {  	s5 =	rddreg [dreg:$0x1]  }
0x3: {  	s0 =	srdreg.scid;
	s2 =	rddreg [dreg:$0x2]  }
0x4: {  	s1 =	rddreg [dreg:$0x3];
	s3 =	simm.s32 $0x0;
	s9 =	sand.u32 $0x1, s0  }
0x5: {  	s16 =	simm.s32 $0x1;
	s0 =	stileid.u32;
	s6 =	smul.u32 $0x140000, s9  }
0x6: {  	s17 =	simm.s32 $0x4000;
	s18 =	simm.s32 $0x50;
	s7 =	smul.u32 $0x14000, s0  }
0x7: {  	s21 =	simm.s32 $0x0;
	[smem:$0x7FF] =	sst s3;
	s8 =	smul.u32 $0x4E200, s0  }
0x8: {  	_ =	strace $0x80000050;
	s28 =	ssub.s32 $0x2, s9;
	s29 =	smul.u32 $0x50000, s0  }
0x9: {  	s10 =	sshll.u32 s0, $0xC;
	s11 =	sshll.u32 s9, $0xB;
	s15 =	smul.u32 $0x27100, s9  }
0xa: {  	s19 =	sshll.u32 s0, $0x6;
	s30 =	sshrl.u32 s28, $0x1;
	s31 =	sor.u32 s11, s10  }
0xb: {  	s19 =	sor.u32 $0x1C01, s19;
	s6 =	sadd.s32 s7, s6;
	s14 =	sadd.s32 s8, s4  }
0xc: {  	s8 =	ssub.s32 s28, s30;
	s7 =	sshrl.u32 s29, $0x2;
	s6 =	sshrl.u32 s6, $0x3  }
0xd: {  	s15 =	sadd.s32 s15, s14;
	s6 =	sadd.s32 s6, s4;
	s4 =	sadd.s32 s5, s31  }
0xe: {  	s15 =	sadd.s32 $0x9CD400, s15;
	s5 =	sadd.s32 $0x9400, s6;
	s6 =	sadd.s32 s7, s2  }
0xf: {  	s7 =	smax.u32 s8, $0x1;
	s8 =	sadd.s32 $0x2800, s6;
	s9 =	sadd.s32 $0x5000, s6  }
0x10: {  	s10 =	sadd.s32 $0x7800, s6;
	s11 =	sadd.s32 $0xA000, s6;
	s12 =	sadd.s32 $0xC800, s6  }
0x11: {  	v0 =	vimm.f32 $0.0e+00;
	s13 =	sadd.s32 $0xF000, s6;
	s14 =	sadd.s32 $0x11800, s6;
	s20 =	sshrl.u32 s6, $0x3  }
.LBB2_1:
0x12: {  	[tilespmem:s3], [sflag:$0x1] =	stream.linear.gather [hbm4b:s4+s3], $0x3E80, $0x38;
	[tilespmem:$0x1A800] =	vst v63  }
0x13: {  	_ =	swait.ge [sflag:s16], $0x3E80  }
0x14: {  	[sflag:s16] =	ssyncset.done $0x0  }
0x15: {  	s22 =	simm.s32 $0x0;
	s23 =	simm.s32 $0x200;
	[sflag:s16] =	ssyncadd.s32 $0xFFFFC180  }
.LBB2_2:
0x16: {  	p0 =	sne.s32 s23, $0x9E00;
	[tilespmem:s22+$0x4070] =	vst v0  }
0x17: {  	[tilespmem:s22+$0x4000] =	vst v0  }
0x18: {  	[tilespmem:s22+$0x4010] =	vst v0  }
.Ltmp0:
0x19: {  	[tilespmem:s22+$0x4020] =	vst v0;
	(pc) =	sbr.rel @p0 .LBB2_2-.Ltmp0, $4  }
0x1a: {  	[tilespmem:s22+$0x4030] =	vst v0  }
0x1b: {  	[tilespmem:s22+$0x4040] =	vst v0  }
0x1c: {  	[tilespmem:s22+$0x4050] =	vst v0  }
0x1d: {  	[tilespmem:s22+$0x4060] =	vst v0;
	s22 =	sshra.s32 s23, $0x2;
	s23 =	sadd.s32 $0x200, s23  }
0x1e: {  	[tilespmem:s22+$0x4070] =	vst v0  }
0x1f: {  	[tilespmem:s22+$0x4000] =	vst v0  }
0x20: {  	[tilespmem:s22+$0x4010] =	vst v0  }
0x21: {  	[tilespmem:s22+$0x4020] =	vst v0  }
0x22: {  	[tilespmem:s22+$0x4030] =	vst v0  }
0x23: {  	[tilespmem:s22+$0x4040] =	vst v0  }
0x24: {  	[tilespmem:s22+$0x4050] =	vst v0  }
0x25: {  	[tilespmem:s22+$0x4060] =	vst v0  }
0x26: {  	[spmem:s6] =	stream.linear.scatter [tilespmem:s17], [sflag:$0x1], $0x2800, $0x38;
	[tilespmem:$0x1A800] =	vst v63  }
0x27: {  	_ =	swait.ge [sflag:s16], $0x2800  }
0x28: {  	[sflag:s16] =	ssyncset.done $0x0  }
0x29: {  	[sflag:s16] =	ssyncadd.s32 $0xFFFFD800  }
0x2a: {  	[spmem:s8] =	stream.linear.scatter [tilespmem:s17], [sflag:$0x1], $0x2800, $0x38;
	[tilespmem:$0x1A800] =	vst v63  }
0x2b: {  	_ =	swait.ge [sflag:s16], $0x2800  }
0x2c: {  	[sflag:s16] =	ssyncset.done $0x0  }
0x2d: {  	[sflag:s16] =	ssyncadd.s32 $0xFFFFD800  }
0x2e: {  	[spmem:s9] =	stream.linear.scatter [tilespmem:s17], [sflag:$0x1], $0x2800, $0x38;
	[tilespmem:$0x1A800] =	vst v63  }
0x2f: {  	_ =	swait.ge [sflag:s16], $0x2800  }
0x30: {  	[sflag:s16] =	ssyncset.done $0x0  }
0x31: {  	[sflag:s16] =	ssyncadd.s32 $0xFFFFD800  }
0x32: {  	[spmem:s10] =	stream.linear.scatter [tilespmem:s17], [sflag:$0x1], $0x2800, $0x38;
	[tilespmem:$0x1A800] =	vst v63  }
0x33: {  	_ =	swait.ge [sflag:s16], $0x2800  }
0x34: {  	[sflag:s16] =	ssyncset.done $0x0  }
0x35: {  	[sflag:s16] =	ssyncadd.s32 $0xFFFFD800  }
0x36: {  	[spmem:s11] =	stream.linear.scatter [tilespmem:s17], [sflag:$0x1], $0x2800, $0x38;
	[tilespmem:$0x1A800] =	vst v63  }
0x37: {  	_ =	swait.ge [sflag:s16], $0x2800  }
0x38: {  	[sflag:s16] =	ssyncset.done $0x0  }
0x39: {  	[sflag:s16] =	ssyncadd.s32 $0xFFFFD800  }
0x3a: {  	[spmem:s12] =	stream.linear.scatter [tilespmem:s17], [sflag:$0x1], $0x2800, $0x38;
	[tilespmem:$0x1A800] =	vst v63  }
0x3b: {  	_ =	swait.ge [sflag:s16], $0x2800  }
0x3c: {  	[sflag:s16] =	ssyncset.done $0x0  }
0x3d: {  	[sflag:s16] =	ssyncadd.s32 $0xFFFFD800  }
0x3e: {  	[spmem:s13] =	stream.linear.scatter [tilespmem:s17], [sflag:$0x1], $0x2800, $0x38;
	[tilespmem:$0x1A800] =	vst v63  }
0x3f: {  	_ =	swait.ge [sflag:s16], $0x2800  }
0x40: {  	[sflag:s16] =	ssyncset.done $0x0  }
0x41: {  	[sflag:s16] =	ssyncadd.s32 $0xFFFFD800  }
0x42: {  	[spmem:s14] =	stream.linear.scatter [tilespmem:s17], [sflag:$0x1], $0x2800, $0x38;
	[tilespmem:$0x1A800] =	vst v63  }
0x43: {  	_ =	swait.ge [sflag:s16], $0x2800  }
0x44: {  	[sflag:s16] =	ssyncset.done $0x0  }
0x45: {  	[sflag:s16] =	ssyncadd.s32 $0xFFFFD800  }
0x46: {  	[bflag:$0x0] =	sbarrier.arrive $0xFFFF  }
0x47: {  	[tilespmem:s17], [sflag:$0x1] =	stream.linear.gather [hbm4b:s15+s3], $0x2800, $0x38;
	[tilespmem:$0x1A800] =	vst v63  }
0x48: {  	_ =	swait.ge [sflag:s16], $0x2800  }
0x49: {  	[sflag:s16] =	ssyncset.done $0x0  }
0x4a: {  	s31 =	simm.s32 $0x0;
	[sflag:s16] =	ssyncadd.s32 $0xFFFFD800  }
0x4b: {  	[spmem:s2] =	stream.indirect.scatter.add.f32 [tilespmem:s17], [sflag:$0x1], $0x80, s31, s18, $0xb8;
	[tilespmem:$0x1A800] =	vst v63  }
0x4c: {  	_ =	swait.ge [sflag:s16], $0x2800  }
0x4d: {  	s22 =	simm.s32 $0x200;
	s23 =	smov.u32 s15;
	[sflag:s16] =	ssyncset.done $0x0  }
.LBB2_4:
0x4e: {  	p0 =	sne.s32 s22, $0xF800;
	[sflag:s16] =	ssyncadd.s32 $0xFFFFD800;
	s23 =	sadd.s32 $0x500, s23  }
0x4f: {  	[tilespmem:s17], [sflag:$0x1] =	stream.linear.gather [hbm4b:s23+s3], $0x2800, $0x38;
	[tilespmem:$0x1A800] =	vst v63  }
0x50: {  	s24 =	smov.u32 s22;
	s22 =	sadd.s32 $0x200, s22;
	_ =	swait.ge [sflag:s16], $0x2800  }
.Ltmp1:
0x51: {  	[sflag:s16] =	ssyncset.done $0x0;
	(pc) =	sbr.rel @p0 .LBB2_4-.Ltmp1, $4  }
0x52: {  	s24 =	sshra.s32 s24, $0x2;
	[sflag:s16] =	ssyncadd.s32 $0xFFFFD800  }
0x53: {  	[spmem:s2] =	stream.indirect.scatter.add.f32 [tilespmem:s17], [sflag:$0x1], $0x80, s24, s18, $0xb8;
	[tilespmem:$0x1A800] =	vst v63  }
0x54: {  	_ =	swait.ge [sflag:s16], $0x2800  }
0x55: {  	[sflag:s16] =	ssyncset.done $0x0  }
0x56: {  	s21 =	sadd.s32 $0x1, s21  }
0x57: {  	[sflag:s16] =	ssyncadd.s32 $0xFFFFD800;
	p0 =	sne.s32 s21, s7  }
.Ltmp2:
0x58: {  	[bflag:$0x0] =	sbarrier.arrive $0xFFFF;
	(pc) =	sbr.rel @p0 .LBB2_1-.Ltmp2, $4  }
0x59: {  	[hbm:s5], [sflag:s19] =	dma.local [spmem:s20], $0x2800  }
0x5a: {  	_ =	swait.ge [sflag:s16], $0x2800  }
0x5b: {  	[sflag:s16] =	ssyncset.done $0x0  }
0x5c: {  	[sflag:s16] =	ssyncadd.s32 $0xFFFFD800  }
0x5d: {  	_ =	sfence.sel $0x180000  }
0x5e: {  	[bflag:$0x0] =	sbarrier.arrive $0xFFFF  }
0x5f: {  	p0 =	sne.s32 s0, $0x0;
	_ =	strace $0x90000050  }
0x60: {  	s0 =	sadd.s32 @!p0 $0x100000, s1;
	[bflag:$0x2] =	sbarrier.arrive $0xFFFF  }
0x61: {  	[sflag:s0] =	ssyncadd.tile.s32 @!p0 $0x1;
	_ =	shalt  }
.Lfunc_end2:
_tile_overlayer_lowered:
.L_overlay_start_2:
0x62: {  	(tag) =	ssettag $0x2  }
0x63: {  	s0 =	rddreg [dreg:$0x0];
	s2 =	stileid.u32  }
0x64: {  	s1 =	rddreg [dreg:$0x1];
	p0 =	sne.s32 s2, $0x0  }
0x65: {  	s3 =	rddreg [dreg:$0x2];
	[bflag:$0x3] =	sbarrier.arrive $0xFFFF;
	s2 =	simm.s32 @!p0 $0x1C01  }
0x66: {  	[timem:s3], [sflag:s2] =	dma.local @!p0 [hbm:s0], s1  }
0x67: {  	s0 =	simm.s32 @!p0 $0x1  }
0x68: {  	_ =	swait.ge @!p0 [sflag:s0], s1  }
0x69: {  	s1 =	ssub.s32 @!p0 $0x0, s1;
	[sflag:s0] =	ssyncset.done @!p0 $0x0  }
0x6a: {  	[sflag:s0] =	ssyncadd.s32 @!p0 s1  }
0x6b: {  	[bflag:$0x3] =	sbarrier.arrive $0xFFFF  }
0x6c: {  	_ =	shalt  }

</sc_bundles>
